<compile_context>
chip_gen: v7x
topology: tpu7x:2x2x1
jax: 0.10.2.dev20260603
libtpu: 0.0.44.dev20260713+nightly
codegen_flags: <defaults>
</compile_context>

<pallas_src>
import functools

import jax
import jax.numpy as jnp
from jax import lax
from jax.experimental import pallas as pl
from jax.experimental.pallas import tpu as pltpu
from jax.experimental.pallas import tpu_sc as plsc

ROWS, COLS = 16384, 200
VOCAB, D = 25, 256
LANES = 16
RU = 4
B = ROWS * COLS
NC, NS = 2, 16
NW = NC * NS
B_PER_W = B // NW
CHUNK = 128
NCHUNK = B_PER_W // CHUNK
NBUF = 2
OUTER = NCHUNK // NBUF


@functools.partial(
    pl.kernel,
    out_type=jax.ShapeDtypeStruct((B, D), jnp.float32),
    mesh=plsc.VectorSubcoreMesh(
        core_axis_name="c", subcore_axis_name="s", num_cores=NC, num_subcores=NS
    ),
    scratch_types=[
        pltpu.VMEM((NBUF, CHUNK), jnp.int32),
        pltpu.VMEM((NBUF, CHUNK, D), jnp.float32),
        pltpu.VMEM((VOCAB * D,), jnp.float32),
        pltpu.SMEM((CHUNK,), jnp.int32),
    ]
    + [pltpu.SemaphoreType.DMA] * (2 * NBUF),
)
def _embed_expand(idx_hbm, table_hbm, out_hbm, idx_v, rows_v, table_f, soff,
                  *sems):
    sem_i = sems[0:NBUF]
    sem_s = sems[NBUF : 2 * NBUF]
    wid = lax.axis_index("s") * NC + lax.axis_index("c")
    base = wid * B_PER_W

    def idx_src(chunk):
        return idx_hbm.at[pl.ds(base + chunk * CHUNK, CHUNK)]

    def out_dst(chunk):
        return out_hbm.at[pl.ds(base + chunk * CHUNK, CHUNK), :]

    pltpu.sync_copy(table_hbm, table_f)

    for b in range(NBUF):
        pltpu.async_copy(idx_src(b), idx_v.at[b], sem_i[b])

    def outer(t, carry):
        for b in range(NBUF):
            i = t * NBUF + b

            @pl.when(t > 0)
            def _wait_prev_scatter():
                pltpu.make_async_copy(rows_v.at[b], out_dst(0), sem_s[b]).wait()

            pltpu.make_async_copy(idx_src(0), idx_v.at[b], sem_i[b]).wait()

            def stage(g, c2):
                ivec = idx_v[b, pl.ds(g * LANES, LANES)] * D
                for l in range(LANES):
                    soff[g * LANES + l] = ivec[l]
                return c2

            lax.fori_loop(0, CHUNK // LANES, stage, 0)

            def rows(q, c2):
                vals = []
                for u in range(RU):
                    s = soff[q * RU + u]
                    for c in range(D // LANES):
                        vals.append(table_f[pl.ds(s + c * LANES, LANES)])
                for u in range(RU):
                    r = q * RU + u
                    for c in range(D // LANES):
                        rows_v[b, r, pl.ds(c * LANES, LANES)] = vals[
                            u * (D // LANES) + c
                        ]
                return c2

            lax.fori_loop(0, CHUNK // RU, rows, 0)

            pltpu.async_copy(rows_v.at[b], out_dst(i), sem_s[b])
            nxt = jnp.minimum(i + NBUF, NCHUNK - 1)
            pltpu.async_copy(idx_src(nxt), idx_v.at[b], sem_i[b])
        return carry

    lax.fori_loop(0, OUTER, outer, 0)

    for b in range(NBUF):
        pltpu.make_async_copy(idx_src(0), idx_v.at[b], sem_i[b]).wait()
        pltpu.make_async_copy(rows_v.at[b], out_dst(0), sem_s[b]).wait()


def kernel(x, table):
    idx = x.reshape(B)
    out = _embed_expand(idx, table.reshape(VOCAB * D))
    return out.reshape(ROWS, COLS, D)

# --- scband reference (transcript-rebuilt; emitter-appended) ---
"""Pipeline reference for scband-temporal-model-73323681677482 (READ-ONLY COPY).

The authoritative reference and input builder live on the scoring server;
editing this copy changes nothing except your own understanding.
"""

import jax, jax.numpy as jnp
import numpy as np

VOCAB = 25
EMBED_DIM = 256

def setup_inputs(seed: int = 0) -> dict:
    key = jax.random.key(seed)
    k1, k2 = jax.random.split(key)
    x = jax.random.randint(k1, (16384, 200), 0, VOCAB, dtype=jnp.int64 if jax.config.jax_enable_x64 else jnp.int32).astype(jnp.int32)
    table = jax.random.normal(k2, (VOCAB, EMBED_DIM), dtype=jnp.float32) * 0.05
    return {"x": x, "table": table}

def reference(x, table):
    # Faithful translation of tf.keras.layers.Embedding forward: gather rows of table.
    # (mask_zero only affects downstream masking metadata, not the embedding output values.)
    embed = jnp.take(table, x, axis=0)
    return embed

if __name__ == "__main__":
    import jax
    _d = setup_inputs()
    print(jax.jit(kernel)(*tuple(_d.values())))

</pallas_src>

<mosaic_0001>
#map = affine_map<(d0, d1) -> (0)>
#map1 = affine_map<(d0, d1) -> (0, 0)>
module attributes {stable_mosaic.version = 14 : i64} {
  func.func @_embed_expand(%arg0: i32, %arg1: i32, %arg2: memref<3276800xi32, #tpu.memory_space<hbm>>, %arg3: memref<6400xf32, #tpu.memory_space<hbm>>, %arg4: memref<3276800x256xf32, #tpu.memory_space<hbm>>, %arg5: memref<2x128xi32, #tpu.memory_space<vmem>>, %arg6: memref<2x128x256xf32, #tpu.memory_space<vmem>>, %arg7: memref<6400xf32, #tpu.memory_space<vmem>>, %arg8: memref<128xi32, #tpu.memory_space<smem>>, %arg9: memref<!tpu.dma_semaphore, #tpu.memory_space<semaphore_mem>>, %arg10: memref<!tpu.dma_semaphore, #tpu.memory_space<semaphore_mem>>, %arg11: memref<!tpu.dma_semaphore, #tpu.memory_space<semaphore_mem>>, %arg12: memref<!tpu.dma_semaphore, #tpu.memory_space<semaphore_mem>>) attributes {dimension_semantics = [#tpu.dimension_semantics<core_parallel>, #tpu.dimension_semantics<subcore_parallel>], iteration_bounds = array<i64: 2, 16>, scalar_prefetch = 0 : i64, scratch_operands = 8 : i64, tpu.core_type = #tpu.core_type<sc_vector_subcore>, window_params = [{transform_indices = #map}, {transform_indices = #map}, {transform_indices = #map1}]} {
    %mul3A = arith.constant 2 : i32
    %mul3A_0 = arith.muli %arg1, %mul3A : i32
    %add3A = arith.addi %mul3A_0, %arg0 : i32
    %mul3A_1 = arith.constant 102400 : i32
    %mul3A_2 = arith.muli %add3A, %mul3A_1 : i32
    "tpu.region"() ({
      %run_scoped3A = tpu.sem_alloc : memref<!tpu.dma_semaphore, #tpu.memory_space<semaphore_mem>>
      tpu.enqueue_dma source(%arg3 : memref<6400xf32, #tpu.memory_space<hbm>>) target(%arg7 : memref<6400xf32, #tpu.memory_space<vmem>>) target_semaphore(%run_scoped3A : memref<!tpu.dma_semaphore, #tpu.memory_space<semaphore_mem>>)
      tpu.wait_dma2 semaphore(%run_scoped3A : memref<!tpu.dma_semaphore, #tpu.memory_space<semaphore_mem>>) src(%arg3 : memref<6400xf32, #tpu.memory_space<hbm>>) dst(%arg7 : memref<6400xf32, #tpu.memory_space<vmem>>)
      tpu.yield
    }) : () -> ()
    %add3A_3 = arith.constant 0 : i32
    %add3A_4 = arith.addi %mul3A_2, %add3A_3 : i32
    %dma_start3A = arith.constant 0 : i32
    %dma_start3A_5 = arith.constant 0 : i32
    %dma_start3A_6 = tpu.memref_slice %arg5[%dma_start3A, %dma_start3A_5] : memref<2x128xi32, #tpu.memory_space<vmem>> -> memref<1x128xi32, #tpu.memory_space<vmem>>
    %dma_start3A_7 = tpu.memref_squeeze %dma_start3A_6 : memref<1x128xi32, #tpu.memory_space<vmem>> -> memref<128xi32, #tpu.memory_space<vmem>>
    %dma_start3A_8 = tpu.memref_slice %arg2[%add3A_4] : memref<3276800xi32, #tpu.memory_space<hbm>> -> memref<128xi32, #tpu.memory_space<hbm>>
    %dma_start3A_9 = arith.constant 0 : i32
    %dma_start3A_10 = tpu.memref_slice %arg5[%dma_start3A, %dma_start3A_9] : memref<2x128xi32, #tpu.memory_space<vmem>> -> memref<1x128xi32, #tpu.memory_space<vmem>>
    %dma_start3A_11 = tpu.memref_squeeze %dma_start3A_10 : memref<1x128xi32, #tpu.memory_space<vmem>> -> memref<128xi32, #tpu.memory_space<vmem>>
    %dma_start3A_12 = tpu.memref_slice %arg2[%add3A_4] : memref<3276800xi32, #tpu.memory_space<hbm>> -> memref<128xi32, #tpu.memory_space<hbm>>
    tpu.enqueue_dma source(%dma_start3A_12 : memref<128xi32, #tpu.memory_space<hbm>>) target(%dma_start3A_11 : memref<128xi32, #tpu.memory_space<vmem>>) target_semaphore(%arg9 : memref<!tpu.dma_semaphore, #tpu.memory_space<semaphore_mem>>)
    %add3A_13 = arith.constant 128 : i32
    %add3A_14 = arith.addi %mul3A_2, %add3A_13 : i32
    %dma_start3A_15 = arith.constant 1 : i32
    %dma_start3A_16 = arith.constant 0 : i32
    %dma_start3A_17 = tpu.memref_slice %arg5[%dma_start3A_15, %dma_start3A_16] : memref<2x128xi32, #tpu.memory_space<vmem>> -> memref<1x128xi32, #tpu.memory_space<vmem>>
    %dma_start3A_18 = tpu.memref_squeeze %dma_start3A_17 : memref<1x128xi32, #tpu.memory_space<vmem>> -> memref<128xi32, #tpu.memory_space<vmem>>
    %dma_start3A_19 = tpu.memref_slice %arg2[%add3A_14] : memref<3276800xi32, #tpu.memory_space<hbm>> -> memref<128xi32, #tpu.memory_space<hbm>>
    %dma_start3A_20 = arith.constant 0 : i32
    %dma_start3A_21 = tpu.memref_slice %arg5[%dma_start3A_15, %dma_start3A_20] : memref<2x128xi32, #tpu.memory_space<vmem>> -> memref<1x128xi32, #tpu.memory_space<vmem>>
    %dma_start3A_22 = tpu.memref_squeeze %dma_start3A_21 : memref<1x128xi32, #tpu.memory_space<vmem>> -> memref<128xi32, #tpu.memory_space<vmem>>
    %dma_start3A_23 = tpu.memref_slice %arg2[%add3A_14] : memref<3276800xi32, #tpu.memory_space<hbm>> -> memref<128xi32, #tpu.memory_space<hbm>>
    tpu.enqueue_dma source(%dma_start3A_23 : memref<128xi32, #tpu.memory_space<hbm>>) target(%dma_start3A_22 : memref<128xi32, #tpu.memory_space<vmem>>) target_semaphore(%arg10 : memref<!tpu.dma_semaphore, #tpu.memory_space<semaphore_mem>>)
    %scan3A = arith.constant 0 : i32
    %scan3A_24 = arith.constant 0 : i32
    %scan3A_25 = arith.constant 400 : i32
    %scan3A_26 = arith.addi %scan3A_24, %scan3A_25 : i32
    %scan3A_27 = arith.constant 1 : i32
    scf.for %scan3A_80 = %scan3A_24 to %scan3A_26 step %scan3A_27  : i32 {
      %mul3A_81 = arith.constant 2 : i32
      %mul3A_82 = arith.muli %scan3A_80, %mul3A_81 : i32
      %add3A_83 = arith.constant 0 : i32
      %add3A_84 = arith.addi %mul3A_82, %add3A_83 : i32
      %gt3A = arith.constant 0 : i32
      %gt3A_85 = arith.cmpi sgt, %scan3A_80, %gt3A : i32
      %convert_element_type3A = arith.extui %gt3A_85 : i1 to i32
      %cond3A = arith.constant 0 : i32
      %cond3A_86 = arith.cmpi ne, %convert_element_type3A, %cond3A : i32
      scf.if %cond3A_86 {
        %add3A_205 = arith.constant 0 : i32
        %add3A_206 = arith.addi %mul3A_2, %add3A_205 : i32
        %dma_wait3A_207 = arith.constant 0 : i32
        %dma_wait3A_208 = arith.constant 0 : i32
        %dma_wait3A_209 = arith.constant 0 : i32
        %dma_wait3A_210 = tpu.memref_slice %arg6[%dma_wait3A_207, %dma_wait3A_208, %dma_wait3A_209] : memref<2x128x256xf32, #tpu.memory_space<vmem>> -> memref<1x128x256xf32, #tpu.memory_space<vmem>>
        %dma_wait3A_211 = tpu.memref_squeeze %dma_wait3A_210 : memref<1x128x256xf32, #tpu.memory_space<vmem>> -> memref<128x256xf32, #tpu.memory_space<vmem>>
        %dma_wait3A_212 = arith.constant 0 : i32
        %dma_wait3A_213 = tpu.memref_slice %arg4[%add3A_206, %dma_wait3A_212] : memref<3276800x256xf32, #tpu.memory_space<hbm>> -> memref<128x256xf32, #tpu.memory_space<hbm>>
        %dma_wait3A_214 = arith.constant 0 : i32
        %dma_wait3A_215 = tpu.memref_slice %arg4[%add3A_206, %dma_wait3A_214] : memref<3276800x256xf32, #tpu.memory_space<hbm>> -> memref<128x256xf32, #tpu.memory_space<hbm>>
        %dma_wait3A_216 = arith.constant 0 : i32
        %dma_wait3A_217 = arith.constant 0 : i32
        %dma_wait3A_218 = tpu.memref_slice %arg6[%dma_wait3A_207, %dma_wait3A_216, %dma_wait3A_217] : memref<2x128x256xf32, #tpu.memory_space<vmem>> -> memref<1x128x256xf32, #tpu.memory_space<vmem>>
        %dma_wait3A_219 = tpu.memref_squeeze %dma_wait3A_218 : memref<1x128x256xf32, #tpu.memory_space<vmem>> -> memref<128x256xf32, #tpu.memory_space<vmem>>
        tpu.wait_dma2 semaphore(%arg11 : memref<!tpu.dma_semaphore, #tpu.memory_space<semaphore_mem>>) src(%dma_wait3A_219 : memref<128x256xf32, #tpu.memory_space<vmem>>) dst(%dma_wait3A_215 : memref<128x256xf32, #tpu.memory_space<hbm>>)
      } else {
      }
      %add3A_87 = arith.constant 0 : i32
      %add3A_88 = arith.addi %mul3A_2, %add3A_87 : i32
      %dma_wait3A_89 = arith.constant 0 : i32
      %dma_wait3A_90 = arith.constant 0 : i32
      %dma_wait3A_91 = tpu.memref_slice %arg5[%dma_wait3A_89, %dma_wait3A_90] : memref<2x128xi32, #tpu.memory_space<vmem>> -> memref<1x128xi32, #tpu.memory_space<vmem>>
      %dma_wait3A_92 = tpu.memref_squeeze %dma_wait3A_91 : memref<1x128xi32, #tpu.memory_space<vmem>> -> memref<128xi32, #tpu.memory_space<vmem>>
      %dma_wait3A_93 = tpu.memref_slice %arg2[%add3A_88] : memref<3276800xi32, #tpu.memory_space<hbm>> -> memref<128xi32, #tpu.memory_space<hbm>>
      %dma_wait3A_94 = arith.constant 0 : i32
      %dma_wait3A_95 = tpu.memref_slice %arg5[%dma_wait3A_89, %dma_wait3A_94] : memref<2x128xi32, #tpu.memory_space<vmem>> -> memref<1x128xi32, #tpu.memory_space<vmem>>
      %dma_wait3A_96 = tpu.memref_squeeze %dma_wait3A_95 : memref<1x128xi32, #tpu.memory_space<vmem>> -> memref<128xi32, #tpu.memory_space<vmem>>
      %dma_wait3A_97 = tpu.memref_slice %arg2[%add3A_88] : memref<3276800xi32, #tpu.memory_space<hbm>> -> memref<128xi32, #tpu.memory_space<hbm>>
      tpu.wait_dma2 semaphore(%arg9 : memref<!tpu.dma_semaphore, #tpu.memory_space<semaphore_mem>>) src(%dma_wait3A_97 : memref<128xi32, #tpu.memory_space<hbm>>) dst(%dma_wait3A_96 : memref<128xi32, #tpu.memory_space<vmem>>)
      %scan3A_98 = arith.constant 0 : i32
      %scan3A_99 = arith.constant 0 : i32
      %scan3A_100 = arith.constant 8 : i32
      %scan3A_101 = arith.addi %scan3A_99, %scan3A_100 : i32
      %scan3A_102 = arith.constant 1 : i32
      scf.for %scan3A_205 = %scan3A_99 to %scan3A_101 step %scan3A_102  : i32 {
        %mul3A_206 = arith.constant 16 : i32
        %mul3A_207 = arith.muli %scan3A_205, %mul3A_206 : i32
        %get3A = arith.constant 0 : i32
        %get3A_208 = arith.index_cast %get3A : i32 to index
        %get3A_209 = arith.index_cast %mul3A_207 : i32 to index
        %get3A_210 = tpu.vector_load %arg5[%get3A_208, %get3A_209] {strides = array<i32>} : memref<2x128xi32, #tpu.memory_space<vmem>>, vector<1x16xi32>,
        %get3A_211 = vector.shape_cast %get3A_210 : vector<1x16xi32> to vector<16xi32>
        %mul3A_212 = arith.constant 256 : i32
        %mul3A_213 = vector.broadcast %mul3A_212 : i32 to vector<16xi32>
        %mul3A_214 = arith.muli %get3A_211, %mul3A_213 : vector<16xi32>
        %slice3A = vector.extract_strided_slice %mul3A_214 {offsets = [0], sizes = [1], strides = [1]} : vector<16xi32> to vector<1xi32>
        %squeeze3A = vector.extract %slice3A[0] : i32 from vector<1xi32>
        %mul3A_215 = arith.constant 16 : i32
        %mul3A_216 = arith.muli %scan3A_205, %mul3A_215 : i32
        %add3A_217 = arith.constant 0 : i32
        %add3A_218 = arith.addi %mul3A_216, %add3A_217 : i32
        %swap3A = arith.index_cast %add3A_218 : i32 to index
        %swap3A_219 = memref.load %arg8[%swap3A] : memref<128xi32, #tpu.memory_space<smem>>
        memref.store %squeeze3A, %arg8[%swap3A] : memref<128xi32, #tpu.memory_space<smem>>
        %slice3A_220 = vector.extract_strided_slice %mul3A_214 {offsets = [1], sizes = [1], strides = [1]} : vector<16xi32> to vector<1xi32>
        %squeeze3A_221 = vector.extract %slice3A_220[0] : i32 from vector<1xi32>
        %mul3A_222 = arith.constant 16 : i32
        %mul3A_223 = arith.muli %scan3A_205, %mul3A_222 : i32
        %add3A_224 = arith.constant 1 : i32
        %add3A_225 = arith.addi %mul3A_223, %add3A_224 : i32
        %swap3A_226 = arith.index_cast %add3A_225 : i32 to index
        %swap3A_227 = memref.load %arg8[%swap3A_226] : memref<128xi32, #tpu.memory_space<smem>>
        memref.store %squeeze3A_221, %arg8[%swap3A_226] : memref<128xi32, #tpu.memory_space<smem>>
        %slice3A_228 = vector.extract_strided_slice %mul3A_214 {offsets = [2], sizes = [1], strides = [1]} : vector<16xi32> to vector<1xi32>
        %squeeze3A_229 = vector.extract %slice3A_228[0] : i32 from vector<1xi32>
        %mul3A_230 = arith.constant 16 : i32
        %mul3A_231 = arith.muli %scan3A_205, %mul3A_230 : i32
        %add3A_232 = arith.constant 2 : i32
        %add3A_233 = arith.addi %mul3A_231, %add3A_232 : i32
        %swap3A_234 = arith.index_cast %add3A_233 : i32 to index
        %swap3A_235 = memref.load %arg8[%swap3A_234] : memref<128xi32, #tpu.memory_space<smem>>
        memref.store %squeeze3A_229, %arg8[%swap3A_234] : memref<128xi32, #tpu.memory_space<smem>>
        %slice3A_236 = vector.extract_strided_slice %mul3A_214 {offsets = [3], sizes = [1], strides = [1]} : vector<16xi32> to vector<1xi32>
        %squeeze3A_237 = vector.extract %slice3A_236[0] : i32 from vector<1xi32>
        %mul3A_238 = arith.constant 16 : i32
        %mul3A_239 = arith.muli %scan3A_205, %mul3A_238 : i32
        %add3A_240 = arith.constant 3 : i32
        %add3A_241 = arith.addi %mul3A_239, %add3A_240 : i32
        %swap3A_242 = arith.index_cast %add3A_241 : i32 to index
        %swap3A_243 = memref.load %arg8[%swap3A_242] : memref<128xi32, #tpu.memory_space<smem>>
        memref.store %squeeze3A_237, %arg8[%swap3A_242] : memref<128xi32, #tpu.memory_space<smem>>
        %slice3A_244 = vector.extract_strided_slice %mul3A_214 {offsets = [4], sizes = [1], strides = [1]} : vector<16xi32> to vector<1xi32>
        %squeeze3A_245 = vector.extract %slice3A_244[0] : i32 from vector<1xi32>
        %mul3A_246 = arith.constant 16 : i32
        %mul3A_247 = arith.muli %scan3A_205, %mul3A_246 : i32
        %add3A_248 = arith.constant 4 : i32
        %add3A_249 = arith.addi %mul3A_247, %add3A_248 : i32
        %swap3A_250 = arith.index_cast %add3A_249 : i32 to index
        %swap3A_251 = memref.load %arg8[%swap3A_250] : memref<128xi32, #tpu.memory_space<smem>>
        memref.store %squeeze3A_245, %arg8[%swap3A_250] : memref<128xi32, #tpu.memory_space<smem>>
        %slice3A_252 = vector.extract_strided_slice %mul3A_214 {offsets = [5], sizes = [1], strides = [1]} : vector<16xi32> to vector<1xi32>
        %squeeze3A_253 = vector.extract %slice3A_252[0] : i32 from vector<1xi32>
        %mul3A_254 = arith.constant 16 : i32
        %mul3A_255 = arith.muli %scan3A_205, %mul3A_254 : i32
        %add3A_256 = arith.constant 5 : i32
        %add3A_257 = arith.addi %mul3A_255, %add3A_256 : i32
        %swap3A_258 = arith.index_cast %add3A_257 : i32 to index
        %swap3A_259 = memref.load %arg8[%swap3A_258] : memref<128xi32, #tpu.memory_space<smem>>
        memref.store %squeeze3A_253, %arg8[%swap3A_258] : memref<128xi32, #tpu.memory_space<smem>>
        %slice3A_260 = vector.extract_strided_slice %mul3A_214 {offsets = [6], sizes = [1], strides = [1]} : vector<16xi32> to vector<1xi32>
        %squeeze3A_261 = vector.extract %slice3A_260[0] : i32 from vector<1xi32>
        %mul3A_262 = arith.constant 16 : i32
        %mul3A_263 = arith.muli %scan3A_205, %mul3A_262 : i32
        %add3A_264 = arith.constant 6 : i32
        %add3A_265 = arith.addi %mul3A_263, %add3A_264 : i32
        %swap3A_266 = arith.index_cast %add3A_265 : i32 to index
        %swap3A_267 = memref.load %arg8[%swap3A_266] : memref<128xi32, #tpu.memory_space<smem>>
        memref.store %squeeze3A_261, %arg8[%swap3A_266] : memref<128xi32, #tpu.memory_space<smem>>
        %slice3A_268 = vector.extract_strided_slice %mul3A_214 {offsets = [7], sizes = [1], strides = [1]} : vector<16xi32> to vector<1xi32>
        %squeeze3A_269 = vector.extract %slice3A_268[0] : i32 from vector<1xi32>
        %mul3A_270 = arith.constant 16 : i32
        %mul3A_271 = arith.muli %scan3A_205, %mul3A_270 : i32
        %add3A_272 = arith.constant 7 : i32
        %add3A_273 = arith.addi %mul3A_271, %add3A_272 : i32
        %swap3A_274 = arith.index_cast %add3A_273 : i32 to index
        %swap3A_275 = memref.load %arg8[%swap3A_274] : memref<128xi32, #tpu.memory_space<smem>>
        memref.store %squeeze3A_269, %arg8[%swap3A_274] : memref<128xi32, #tpu.memory_space<smem>>
        %slice3A_276 = vector.extract_strided_slice %mul3A_214 {offsets = [8], sizes = [1], strides = [1]} : vector<16xi32> to vector<1xi32>
        %squeeze3A_277 = vector.extract %slice3A_276[0] : i32 from vector<1xi32>
        %mul3A_278 = arith.constant 16 : i32
        %mul3A_279 = arith.muli %scan3A_205, %mul3A_278 : i32
        %add3A_280 = arith.constant 8 : i32
        %add3A_281 = arith.addi %mul3A_279, %add3A_280 : i32
        %swap3A_282 = arith.index_cast %add3A_281 : i32 to index
        %swap3A_283 = memref.load %arg8[%swap3A_282] : memref<128xi32, #tpu.memory_space<smem>>
        memref.store %squeeze3A_277, %arg8[%swap3A_282] : memref<128xi32, #tpu.memory_space<smem>>
        %slice3A_284 = vector.extract_strided_slice %mul3A_214 {offsets = [9], sizes = [1], strides = [1]} : vector<16xi32> to vector<1xi32>
        %squeeze3A_285 = vector.extract %slice3A_284[0] : i32 from vector<1xi32>
        %mul3A_286 = arith.constant 16 : i32
        %mul3A_287 = arith.muli %scan3A_205, %mul3A_286 : i32
        %add3A_288 = arith.constant 9 : i32
        %add3A_289 = arith.addi %mul3A_287, %add3A_288 : i32
        %swap3A_290 = arith.index_cast %add3A_289 : i32 to index
        %swap3A_291 = memref.load %arg8[%swap3A_290] : memref<128xi32, #tpu.memory_space<smem>>
        memref.store %squeeze3A_285, %arg8[%swap3A_290] : memref<128xi32, #tpu.memory_space<smem>>
        %slice3A_292 = vector.extract_strided_slice %mul3A_214 {offsets = [10], sizes = [1], strides = [1]} : vector<16xi32> to vector<1xi32>
        %squeeze3A_293 = vector.extract %slice3A_292[0] : i32 from vector<1xi32>
        %mul3A_294 = arith.constant 16 : i32
        %mul3A_295 = arith.muli %scan3A_205, %mul3A_294 : i32
        %add3A_296 = arith.constant 10 : i32
        %add3A_297 = arith.addi %mul3A_295, %add3A_296 : i32
        %swap3A_298 = arith.index_cast %add3A_297 : i32 to index
        %swap3A_299 = memref.load %arg8[%swap3A_298] : memref<128xi32, #tpu.memory_space<smem>>
        memref.store %squeeze3A_293, %arg8[%swap3A_298] : memref<128xi32, #tpu.memory_space<smem>>
        %slice3A_300 = vector.extract_strided_slice %mul3A_214 {offsets = [11], sizes = [1], strides = [1]} : vector<16xi32> to vector<1xi32>
        %squeeze3A_301 = vector.extract %slice3A_300[0] : i32 from vector<1xi32>
        %mul3A_302 = arith.constant 16 : i32
        %mul3A_303 = arith.muli %scan3A_205, %mul3A_302 : i32
        %add3A_304 = arith.constant 11 : i32
        %add3A_305 = arith.addi %mul3A_303, %add3A_304 : i32
        %swap3A_306 = arith.index_cast %add3A_305 : i32 to index
        %swap3A_307 = memref.load %arg8[%swap3A_306] : memref<128xi32, #tpu.memory_space<smem>>
        memref.store %squeeze3A_301, %arg8[%swap3A_306] : memref<128xi32, #tpu.memory_space<smem>>
        %slice3A_308 = vector.extract_strided_slice %mul3A_214 {offsets = [12], sizes = [1], strides = [1]} : vector<16xi32> to vector<1xi32>
        %squeeze3A_309 = vector.extract %slice3A_308[0] : i32 from vector<1xi32>
        %mul3A_310 = arith.constant 16 : i32
        %mul3A_311 = arith.muli %scan3A_205, %mul3A_310 : i32
        %add3A_312 = arith.constant 12 : i32
        %add3A_313 = arith.addi %mul3A_311, %add3A_312 : i32
        %swap3A_314 = arith.index_cast %add3A_313 : i32 to index
        %swap3A_315 = memref.load %arg8[%swap3A_314] : memref<128xi32, #tpu.memory_space<smem>>
        memref.store %squeeze3A_309, %arg8[%swap3A_314] : memref<128xi32, #tpu.memory_space<smem>>
        %slice3A_316 = vector.extract_strided_slice %mul3A_214 {offsets = [13], sizes = [1], strides = [1]} : vector<16xi32> to vector<1xi32>
        %squeeze3A_317 = vector.extract %slice3A_316[0] : i32 from vector<1xi32>
        %mul3A_318 = arith.constant 16 : i32
        %mul3A_319 = arith.muli %scan3A_205, %mul3A_318 : i32
        %add3A_320 = arith.constant 13 : i32
        %add3A_321 = arith.addi %mul3A_319, %add3A_320 : i32
        %swap3A_322 = arith.index_cast %add3A_321 : i32 to index
        %swap3A_323 = memref.load %arg8[%swap3A_322] : memref<128xi32, #tpu.memory_space<smem>>
        memref.store %squeeze3A_317, %arg8[%swap3A_322] : memref<128xi32, #tpu.memory_space<smem>>
        %slice3A_324 = vector.extract_strided_slice %mul3A_214 {offsets = [14], sizes = [1], strides = [1]} : vector<16xi32> to vector<1xi32>
        %squeeze3A_325 = vector.extract %slice3A_324[0] : i32 from vector<1xi32>
        %mul3A_326 = arith.constant 16 : i32
        %mul3A_327 = arith.muli %scan3A_205, %mul3A_326 : i32
        %add3A_328 = arith.constant 14 : i32
        %add3A_329 = arith.addi %mul3A_327, %add3A_328 : i32
        %swap3A_330 = arith.index_cast %add3A_329 : i32 to index
        %swap3A_331 = memref.load %arg8[%swap3A_330] : memref<128xi32, #tpu.memory_space<smem>>
        memref.store %squeeze3A_325, %arg8[%swap3A_330] : memref<128xi32, #tpu.memory_space<smem>>
        %slice3A_332 = vector.extract_strided_slice %mul3A_214 {offsets = [15], sizes = [1], strides = [1]} : vector<16xi32> to vector<1xi32>
        %squeeze3A_333 = vector.extract %slice3A_332[0] : i32 from vector<1xi32>
        %mul3A_334 = arith.constant 16 : i32
        %mul3A_335 = arith.muli %scan3A_205, %mul3A_334 : i32
        %add3A_336 = arith.constant 15 : i32
        %add3A_337 = arith.addi %mul3A_335, %add3A_336 : i32
        %swap3A_338 = arith.index_cast %add3A_337 : i32 to index
        %swap3A_339 = memref.load %arg8[%swap3A_338] : memref<128xi32, #tpu.memory_space<smem>>
        memref.store %squeeze3A_333, %arg8[%swap3A_338] : memref<128xi32, #tpu.memory_space<smem>>
      }
      %scan3A_103 = arith.constant 8 : i32
      %scan3A_104 = arith.constant 0 : i32
      %scan3A_105 = arith.constant 0 : i32
      %scan3A_106 = arith.constant 32 : i32
      %scan3A_107 = arith.addi %scan3A_105, %scan3A_106 : i32
      %scan3A_108 = arith.constant 1 : i32
      scf.for %scan3A_205 = %scan3A_105 to %scan3A_107 step %scan3A_108  : i32 {
        %mul3A_206 = arith.constant 4 : i32
        %mul3A_207 = arith.muli %scan3A_205, %mul3A_206 : i32
        %add3A_208 = arith.constant 0 : i32
        %add3A_209 = arith.addi %mul3A_207, %add3A_208 : i32
        %get3A = arith.index_cast %add3A_209 : i32 to index
        %get3A_210 = memref.load %arg8[%get3A] : memref<128xi32, #tpu.memory_space<smem>>
        %add3A_211 = arith.constant 0 : i32
        %add3A_212 = arith.addi %get3A_210, %add3A_211 : i32
        %get3A_213 = arith.index_cast %add3A_212 : i32 to index
        %get3A_214 = tpu.vector_load %arg7[%get3A_213] {strides = array<i32>} : memref<6400xf32, #tpu.memory_space<vmem>>, vector<16xf32>,
        %get3A_215 = vector.shape_cast %get3A_214 : vector<16xf32> to vector<16xf32>
        %add3A_216 = arith.constant 16 : i32
        %add3A_217 = arith.addi %get3A_210, %add3A_216 : i32
        %get3A_218 = arith.index_cast %add3A_217 : i32 to index
        %get3A_219 = tpu.vector_load %arg7[%get3A_218] {strides = array<i32>} : memref<6400xf32, #tpu.memory_space<vmem>>, vector<16xf32>,
        %get3A_220 = vector.shape_cast %get3A_219 : vector<16xf32> to vector<16xf32>
        %add3A_221 = arith.constant 32 : i32
        %add3A_222 = arith.addi %get3A_210, %add3A_221 : i32
        %get3A_223 = arith.index_cast %add3A_222 : i32 to index
        %get3A_224 = tpu.vector_load %arg7[%get3A_223] {strides = array<i32>} : memref<6400xf32, #tpu.memory_space<vmem>>, vector<16xf32>,
        %get3A_225 = vector.shape_cast %get3A_224 : vector<16xf32> to vector<16xf32>
        %add3A_226 = arith.constant 48 : i32
        %add3A_227 = arith.addi %get3A_210, %add3A_226 : i32
        %get3A_228 = arith.index_cast %add3A_227 : i32 to index
        %get3A_229 = tpu.vector_load %arg7[%get3A_228] {strides = array<i32>} : memref<6400xf32, #tpu.memory_space<vmem>>, vector<16xf32>,
        %get3A_230 = vector.shape_cast %get3A_229 : vector<16xf32> to vector<16xf32>
        %add3A_231 = arith.constant 64 : i32
        %add3A_232 = arith.addi %get3A_210, %add3A_231 : i32
        %get3A_233 = arith.index_cast %add3A_232 : i32 to index
        %get3A_234 = tpu.vector_load %arg7[%get3A_233] {strides = array<i32>} : memref<6400xf32, #tpu.memory_space<vmem>>, vector<16xf32>,
        %get3A_235 = vector.shape_cast %get3A_234 : vector<16xf32> to vector<16xf32>
        %add3A_236 = arith.constant 80 : i32
        %add3A_237 = arith.addi %get3A_210, %add3A_236 : i32
        %get3A_238 = arith.index_cast %add3A_237 : i32 to index
        %get3A_239 = tpu.vector_load %arg7[%get3A_238] {strides = array<i32>} : memref<6400xf32, #tpu.memory_space<vmem>>, vector<16xf32>,
        %get3A_240 = vector.shape_cast %get3A_239 : vector<16xf32> to vector<16xf32>
        %add3A_241 = arith.constant 96 : i32
        %add3A_242 = arith.addi %get3A_210, %add3A_241 : i32
        %get3A_243 = arith.index_cast %add3A_242 : i32 to index
        %get3A_244 = tpu.vector_load %arg7[%get3A_243] {strides = array<i32>} : memref<6400xf32, #tpu.memory_space<vmem>>, vector<16xf32>,
        %get3A_245 = vector.shape_cast %get3A_244 : vector<16xf32> to vector<16xf32>
        %add3A_246 = arith.constant 112 : i32
        %add3A_247 = arith.addi %get3A_210, %add3A_246 : i32
        %get3A_248 = arith.index_cast %add3A_247 : i32 to index
        %get3A_249 = tpu.vector_load %arg7[%get3A_248] {strides = array<i32>} : memref<6400xf32, #tpu.memory_space<vmem>>, vector<16xf32>,
        %get3A_250 = vector.shape_cast %get3A_249 : vector<16xf32> to vector<16xf32>
        %add3A_251 = arith.constant 128 : i32
        %add3A_252 = arith.addi %get3A_210, %add3A_251 : i32
        %get3A_253 = arith.index_cast %add3A_252 : i32 to index
        %get3A_254 = tpu.vector_load %arg7[%get3A_253] {strides = array<i32>} : memref<6400xf32, #tpu.memory_space<vmem>>, vector<16xf32>,
        %get3A_255 = vector.shape_cast %get3A_254 : vector<16xf32> to vector<16xf32>
        %add3A_256 = arith.constant 144 : i32
        %add3A_257 = arith.addi %get3A_210, %add3A_256 : i32
        %get3A_258 = arith.index_cast %add3A_257 : i32 to index
        %get3A_259 = tpu.vector_load %arg7[%get3A_258] {strides = array<i32>} : memref<6400xf32, #tpu.memory_space<vmem>>, vector<16xf32>,
        %get3A_260 = vector.shape_cast %get3A_259 : vector<16xf32> to vector<16xf32>
        %add3A_261 = arith.constant 160 : i32
        %add3A_262 = arith.addi %get3A_210, %add3A_261 : i32
        %get3A_263 = arith.index_cast %add3A_262 : i32 to index
        %get3A_264 = tpu.vector_load %arg7[%get3A_263] {strides = array<i32>} : memref<6400xf32, #tpu.memory_space<vmem>>, vector<16xf32>,
        %get3A_265 = vector.shape_cast %get3A_264 : vector<16xf32> to vector<16xf32>
        %add3A_266 = arith.constant 176 : i32
        %add3A_267 = arith.addi %get3A_210, %add3A_266 : i32
        %get3A_268 = arith.index_cast %add3A_267 : i32 to index
        %get3A_269 = tpu.vector_load %arg7[%get3A_268] {strides = array<i32>} : memref<6400xf32, #tpu.memory_space<vmem>>, vector<16xf32>,
        %get3A_270 = vector.shape_cast %get3A_269 : vector<16xf32> to vector<16xf32>
        %add3A_271 = arith.constant 192 : i32
        %add3A_272 = arith.addi %get3A_210, %add3A_271 : i32
        %get3A_273 = arith.index_cast %add3A_272 : i32 to index
        %get3A_274 = tpu.vector_load %arg7[%get3A_273] {strides = array<i32>} : memref<6400xf32, #tpu.memory_space<vmem>>, vector<16xf32>,
        %get3A_275 = vector.shape_cast %get3A_274 : vector<16xf32> to vector<16xf32>
        %add3A_276 = arith.constant 208 : i32
        %add3A_277 = arith.addi %get3A_210, %add3A_276 : i32
        %get3A_278 = arith.index_cast %add3A_277 : i32 to index
        %get3A_279 = tpu.vector_load %arg7[%get3A_278] {strides = array<i32>} : memref<6400xf32, #tpu.memory_space<vmem>>, vector<16xf32>,
        %get3A_280 = vector.shape_cast %get3A_279 : vector<16xf32> to vector<16xf32>
        %add3A_281 = arith.constant 224 : i32
        %add3A_282 = arith.addi %get3A_210, %add3A_281 : i32
        %get3A_283 = arith.index_cast %add3A_282 : i32 to index
        %get3A_284 = tpu.vector_load %arg7[%get3A_283] {strides = array<i32>} : memref<6400xf32, #tpu.memory_space<vmem>>, vector<16xf32>,
        %get3A_285 = vector.shape_cast %get3A_284 : vector<16xf32> to vector<16xf32>
        %add3A_286 = arith.constant 240 : i32
        %add3A_287 = arith.addi %get3A_210, %add3A_286 : i32
        %get3A_288 = arith.index_cast %add3A_287 : i32 to index
        %get3A_289 = tpu.vector_load %arg7[%get3A_288] {strides = array<i32>} : memref<6400xf32, #tpu.memory_space<vmem>>, vector<16xf32>,
        %get3A_290 = vector.shape_cast %get3A_289 : vector<16xf32> to vector<16xf32>
        %mul3A_291 = arith.constant 4 : i32
        %mul3A_292 = arith.muli %scan3A_205, %mul3A_291 : i32
        %add3A_293 = arith.constant 1 : i32
        %add3A_294 = arith.addi %mul3A_292, %add3A_293 : i32
        %get3A_295 = arith.index_cast %add3A_294 : i32 to index
        %get3A_296 = memref.load %arg8[%get3A_295] : memref<128xi32, #tpu.memory_space<smem>>
        %add3A_297 = arith.constant 0 : i32
        %add3A_298 = arith.addi %get3A_296, %add3A_297 : i32
        %get3A_299 = arith.index_cast %add3A_298 : i32 to index
        %get3A_300 = tpu.vector_load %arg7[%get3A_299] {strides = array<i32>} : memref<6400xf32, #tpu.memory_space<vmem>>, vector<16xf32>,
        %get3A_301 = vector.shape_cast %get3A_300 : vector<16xf32> to vector<16xf32>
        %add3A_302 = arith.constant 16 : i32
        %add3A_303 = arith.addi %get3A_296, %add3A_302 : i32
        %get3A_304 = arith.index_cast %add3A_303 : i32 to index
        %get3A_305 = tpu.vector_load %arg7[%get3A_304] {strides = array<i32>} : memref<6400xf32, #tpu.memory_space<vmem>>, vector<16xf32>,
        %get3A_306 = vector.shape_cast %get3A_305 : vector<16xf32> to vector<16xf32>
        %add3A_307 = arith.constant 32 : i32
        %add3A_308 = arith.addi %get3A_296, %add3A_307 : i32
        %get3A_309 = arith.index_cast %add3A_308 : i32 to index
        %get3A_310 = tpu.vector_load %arg7[%get3A_309] {strides = array<i32>} : memref<6400xf32, #tpu.memory_space<vmem>>, vector<16xf32>,
        %get3A_311 = vector.shape_cast %get3A_310 : vector<16xf32> to vector<16xf32>
        %add3A_312 = arith.constant 48 : i32
        %add3A_313 = arith.addi %get3A_296, %add3A_312 : i32
        %get3A_314 = arith.index_cast %add3A_313 : i32 to index
        %get3A_315 = tpu.vector_load %arg7[%get3A_314] {strides = array<i32>} : memref<6400xf32, #tpu.memory_space<vmem>>, vector<16xf32>,
        %get3A_316 = vector.shape_cast %get3A_315 : vector<16xf32> to vector<16xf32>
        %add3A_317 = arith.constant 64 : i32
        %add3A_318 = arith.addi %get3A_296, %add3A_317 : i32
        %get3A_319 = arith.index_cast %add3A_318 : i32 to index
        %get3A_320 = tpu.vector_load %arg7[%get3A_319] {strides = array<i32>} : memref<6400xf32, #tpu.memory_space<vmem>>, vector<16xf32>,
        %get3A_321 = vector.shape_cast %get3A_320 : vector<16xf32> to vector<16xf32>
        %add3A_322 = arith.constant 80 : i32
        %add3A_323 = arith.addi %get3A_296, %add3A_322 : i32
        %get3A_324 = arith.index_cast %add3A_323 : i32 to index
        %get3A_325 = tpu.vector_load %arg7[%get3A_324] {strides = array<i32>} : memref<6400xf32, #tpu.memory_space<vmem>>, vector<16xf32>,
        %get3A_326 = vector.shape_cast %get3A_325 : vector<16xf32> to vector<16xf32>
        %add3A_327 = arith.constant 96 : i32
        %add3A_328 = arith.addi %get3A_296, %add3A_327 : i32
        %get3A_329 = arith.index_cast %add3A_328 : i32 to index
        %get3A_330 = tpu.vector_load %arg7[%get3A_329] {strides = array<i32>} : memref<6400xf32, #tpu.memory_space<vmem>>, vector<16xf32>,
        %get3A_331 = vector.shape_cast %get3A_330 : vector<16xf32> to vector<16xf32>
        %add3A_332 = arith.constant 112 : i32
        %add3A_333 = arith.addi %get3A_296, %add3A_332 : i32
        %get3A_334 = arith.index_cast %add3A_333 : i32 to index
        %get3A_335 = tpu.vector_load %arg7[%get3A_334] {strides = array<i32>} : memref<6400xf32, #tpu.memory_space<vmem>>, vector<16xf32>,
        %get3A_336 = vector.shape_cast %get3A_335 : vector<16xf32> to vector<16xf32>
        %add3A_337 = arith.constant 128 : i32
        %add3A_338 = arith.addi %get3A_296, %add3A_337 : i32
        %get3A_339 = arith.index_cast %add3A_338 : i32 to index
        %get3A_340 = tpu.vector_load %arg7[%get3A_339] {strides = array<i32>} : memref<6400xf32, #tpu.memory_space<vmem>>, vector<16xf32>,
        %get3A_341 = vector.shape_cast %get3A_340 : vector<16xf32> to vector<16xf32>
        %add3A_342 = arith.constant 144 : i32
        %add3A_343 = arith.addi %get3A_296, %add3A_342 : i32
        %get3A_344 = arith.index_cast %add3A_343 : i32 to index
        %get3A_345 = tpu.vector_load %arg7[%get3A_344] {strides = array<i32>} : memref<6400xf32, #tpu.memory_space<vmem>>, vector<16xf32>,
        %get3A_346 = vector.shape_cast %get3A_345 : vector<16xf32> to vector<16xf32>
        %add3A_347 = arith.constant 160 : i32
        %add3A_348 = arith.addi %get3A_296, %add3A_347 : i32
        %get3A_349 = arith.index_cast %add3A_348 : i32 to index
        %get3A_350 = tpu.vector_load %arg7[%get3A_349] {strides = array<i32>} : memref<6400xf32, #tpu.memory_space<vmem>>, vector<16xf32>,
        %get3A_351 = vector.shape_cast %get3A_350 : vector<16xf32> to vector<16xf32>
        %add3A_352 = arith.constant 176 : i32
        %add3A_353 = arith.addi %get3A_296, %add3A_352 : i32
        %get3A_354 = arith.index_cast %add3A_353 : i32 to index
        %get3A_355 = tpu.vector_load %arg7[%get3A_354] {strides = array<i32>} : memref<6400xf32, #tpu.memory_space<vmem>>, vector<16xf32>,
        %get3A_356 = vector.shape_cast %get3A_355 : vector<16xf32> to vector<16xf32>
        %add3A_357 = arith.constant 192 : i32
        %add3A_358 = arith.addi %get3A_296, %add3A_357 : i32
        %get3A_359 = arith.index_cast %add3A_358 : i32 to index
        %get3A_360 = tpu.vector_load %arg7[%get3A_359] {strides = array<i32>} : memref<6400xf32, #tpu.memory_space<vmem>>, vector<16xf32>,
        %get3A_361 = vector.shape_cast %get3A_360 : vector<16xf32> to vector<16xf32>
        %add3A_362 = arith.constant 208 : i32
        %add3A_363 = arith.addi %get3A_296, %add3A_362 : i32
        %get3A_364 = arith.index_cast %add3A_363 : i32 to index
        %get3A_365 = tpu.vector_load %arg7[%get3A_364] {strides = array<i32>} : memref<6400xf32, #tpu.memory_space<vmem>>, vector<16xf32>,
        %get3A_366 = vector.shape_cast %get3A_365 : vector<16xf32> to vector<16xf32>
        %add3A_367 = arith.constant 224 : i32
        %add3A_368 = arith.addi %get3A_296, %add3A_367 : i32
        %get3A_369 = arith.index_cast %add3A_368 : i32 to index
        %get3A_370 = tpu.vector_load %arg7[%get3A_369] {strides = array<i32>} : memref<6400xf32, #tpu.memory_space<vmem>>, vector<16xf32>,
        %get3A_371 = vector.shape_cast %get3A_370 : vector<16xf32> to vector<16xf32>
        %add3A_372 = arith.constant 240 : i32
        %add3A_373 = arith.addi %get3A_296, %add3A_372 : i32
        %get3A_374 = arith.index_cast %add3A_373 : i32 to index
        %get3A_375 = tpu.vector_load %arg7[%get3A_374] {strides = array<i32>} : memref<6400xf32, #tpu.memory_space<vmem>>, vector<16xf32>,
        %get3A_376 = vector.shape_cast %get3A_375 : vector<16xf32> to vector<16xf32>
        %mul3A_377 = arith.constant 4 : i32
        %mul3A_378 = arith.muli %scan3A_205, %mul3A_377 : i32
        %add3A_379 = arith.constant 2 : i32
        %add3A_380 = arith.addi %mul3A_378, %add3A_379 : i32
        %get3A_381 = arith.index_cast %add3A_380 : i32 to index
        %get3A_382 = memref.load %arg8[%get3A_381] : memref<128xi32, #tpu.memory_space<smem>>
        %add3A_383 = arith.constant 0 : i32
        %add3A_384 = arith.addi %get3A_382, %add3A_383 : i32
        %get3A_385 = arith.index_cast %add3A_384 : i32 to index
        %get3A_386 = tpu.vector_load %arg7[%get3A_385] {strides = array<i32>} : memref<6400xf32, #tpu.memory_space<vmem>>, vector<16xf32>,
        %get3A_387 = vector.shape_cast %get3A_386 : vector<16xf32> to vector<16xf32>
        %add3A_388 = arith.constant 16 : i32
        %add3A_389 = arith.addi %get3A_382, %add3A_388 : i32
        %get3A_390 = arith.index_cast %add3A_389 : i32 to index
        %get3A_391 = tpu.vector_load %arg7[%get3A_390] {strides = array<i32>} : memref<6400xf32, #tpu.memory_space<vmem>>, vector<16xf32>,
        %get3A_392 = vector.shape_cast %get3A_391 : vector<16xf32> to vector<16xf32>
        %add3A_393 = arith.constant 32 : i32
        %add3A_394 = arith.addi %get3A_382, %add3A_393 : i32
        %get3A_395 = arith.index_cast %add3A_394 : i32 to index
        %get3A_396 = tpu.vector_load %arg7[%get3A_395] {strides = array<i32>} : memref<6400xf32, #tpu.memory_space<vmem>>, vector<16xf32>,
        %get3A_397 = vector.shape_cast %get3A_396 : vector<16xf32> to vector<16xf32>
        %add3A_398 = arith.constant 48 : i32
        %add3A_399 = arith.addi %get3A_382, %add3A_398 : i32
        %get3A_400 = arith.index_cast %add3A_399 : i32 to index
        %get3A_401 = tpu.vector_load %arg7[%get3A_400] {strides = array<i32>} : memref<6400xf32, #tpu.memory_space<vmem>>, vector<16xf32>,
        %get3A_402 = vector.shape_cast %get3A_401 : vector<16xf32> to vector<16xf32>
        %add3A_403 = arith.constant 64 : i32
        %add3A_404 = arith.addi %get3A_382, %add3A_403 : i32
        %get3A_405 = arith.index_cast %add3A_404 : i32 to index
        %get3A_406 = tpu.vector_load %arg7[%get3A_405] {strides = array<i32>} : memref<6400xf32, #tpu.memory_space<vmem>>, vector<16xf32>,
        %get3A_407 = vector.shape_cast %get3A_406 : vector<16xf32> to vector<16xf32>
        %add3A_408 = arith.constant 80 : i32
        %add3A_409 = arith.addi %get3A_382, %add3A_408 : i32
        %get3A_410 = arith.index_cast %add3A_409 : i32 to index
        %get3A_411 = tpu.vector_load %arg7[%get3A_410] {strides = array<i32>} : memref<6400xf32, #tpu.memory_space<vmem>>, vector<16xf32>,
        %get3A_412 = vector.shape_cast %get3A_411 : vector<16xf32> to vector<16xf32>
        %add3A_413 = arith.constant 96 : i32
        %add3A_414 = arith.addi %get3A_382, %add3A_413 : i32
        %get3A_415 = arith.index_cast %add3A_414 : i32 to index
        %get3A_416 = tpu.vector_load %arg7[%get3A_415] {strides = array<i32>} : memref<6400xf32, #tpu.memory_space<vmem>>, vector<16xf32>,
        %get3A_417 = vector.shape_cast %get3A_416 : vector<16xf32> to vector<16xf32>
        %add3A_418 = arith.constant 112 : i32
        %add3A_419 = arith.addi %get3A_382, %add3A_418 : i32
        %get3A_420 = arith.index_cast %add3A_419 : i32 to index
        %get3A_421 = tpu.vector_load %arg7[%get3A_420] {strides = array<i32>} : memref<6400xf32, #tpu.memory_space<vmem>>, vector<16xf32>,
        %get3A_422 = vector.shape_cast %get3A_421 : vector<16xf32> to vector<16xf32>
        %add3A_423 = arith.constant 128 : i32
        %add3A_424 = arith.addi %get3A_382, %add3A_423 : i32
        %get3A_425 = arith.index_cast %add3A_424 : i32 to index
        %get3A_426 = tpu.vector_load %arg7[%get3A_425] {strides = array<i32>} : memref<6400xf32, #tpu.memory_space<vmem>>, vector<16xf32>,
        %get3A_427 = vector.shape_cast %get3A_426 : vector<16xf32> to vector<16xf32>
        %add3A_428 = arith.constant 144 : i32
        %add3A_429 = arith.addi %get3A_382, %add3A_428 : i32
        %get3A_430 = arith.index_cast %add3A_429 : i32 to index
        %get3A_431 = tpu.vector_load %arg7[%get3A_430] {strides = array<i32>} : memref<6400xf32, #tpu.memory_space<vmem>>, vector<16xf32>,
        %get3A_432 = vector.shape_cast %get3A_431 : vector<16xf32> to vector<16xf32>
        %add3A_433 = arith.constant 160 : i32
        %add3A_434 = arith.addi %get3A_382, %add3A_433 : i32
        %get3A_435 = arith.index_cast %add3A_434 : i32 to index
        %get3A_436 = tpu.vector_load %arg7[%get3A_435] {strides = array<i32>} : memref<6400xf32, #tpu.memory_space<vmem>>, vector<16xf32>,
        %get3A_437 = vector.shape_cast %get3A_436 : vector<16xf32> to vector<16xf32>
        %add3A_438 = arith.constant 176 : i32
        %add3A_439 = arith.addi %get3A_382, %add3A_438 : i32
        %get3A_440 = arith.index_cast %add3A_439 : i32 to index
        %get3A_441 = tpu.vector_load %arg7[%get3A_440] {strides = array<i32>} : memref<6400xf32, #tpu.memory_space<vmem>>, vector<16xf32>,
        %get3A_442 = vector.shape_cast %get3A_441 : vector<16xf32> to vector<16xf32>
        %add3A_443 = arith.constant 192 : i32
        %add3A_444 = arith.addi %get3A_382, %add3A_443 : i32
        %get3A_445 = arith.index_cast %add3A_444 : i32 to index
        %get3A_446 = tpu.vector_load %arg7[%get3A_445] {strides = array<i32>} : memref<6400xf32, #tpu.memory_space<vmem>>, vector<16xf32>,
        %get3A_447 = vector.shape_cast %get3A_446 : vector<16xf32> to vector<16xf32>
        %add3A_448 = arith.constant 208 : i32
        %add3A_449 = arith.addi %get3A_382, %add3A_448 : i32
        %get3A_450 = arith.index_cast %add3A_449 : i32 to index
        %get3A_451 = tpu.vector_load %arg7[%get3A_450] {strides = array<i32>} : memref<6400xf32, #tpu.memory_space<vmem>>, vector<16xf32>,
        %get3A_452 = vector.shape_cast %get3A_451 : vector<16xf32> to vector<16xf32>
        %add3A_453 = arith.constant 224 : i32
        %add3A_454 = arith.addi %get3A_382, %add3A_453 : i32
        %get3A_455 = arith.index_cast %add3A_454 : i32 to index
        %get3A_456 = tpu.vector_load %arg7[%get3A_455] {strides = array<i32>} : memref<6400xf32, #tpu.memory_space<vmem>>, vector<16xf32>,
        %get3A_457 = vector.shape_cast %get3A_456 : vector<16xf32> to vector<16xf32>
        %add3A_458 = arith.constant 240 : i32
        %add3A_459 = arith.addi %get3A_382, %add3A_458 : i32
        %get3A_460 = arith.index_cast %add3A_459 : i32 to index
        %get3A_461 = tpu.vector_load %arg7[%get3A_460] {strides = array<i32>} : memref<6400xf32, #tpu.memory_space<vmem>>, vector<16xf32>,
        %get3A_462 = vector.shape_cast %get3A_461 : vector<16xf32> to vector<16xf32>
        %mul3A_463 = arith.constant 4 : i32
        %mul3A_464 = arith.muli %scan3A_205, %mul3A_463 : i32
        %add3A_465 = arith.constant 3 : i32
        %add3A_466 = arith.addi %mul3A_464, %add3A_465 : i32
        %get3A_467 = arith.index_cast %add3A_466 : i32 to index
        %get3A_468 = memref.load %arg8[%get3A_467] : memref<128xi32, #tpu.memory_space<smem>>
        %add3A_469 = arith.constant 0 : i32
        %add3A_470 = arith.addi %get3A_468, %add3A_469 : i32
        %get3A_471 = arith.index_cast %add3A_470 : i32 to index
        %get3A_472 = tpu.vector_load %arg7[%get3A_471] {strides = array<i32>} : memref<6400xf32, #tpu.memory_space<vmem>>, vector<16xf32>,
        %get3A_473 = vector.shape_cast %get3A_472 : vector<16xf32> to vector<16xf32>
        %add3A_474 = arith.constant 16 : i32
        %add3A_475 = arith.addi %get3A_468, %add3A_474 : i32
        %get3A_476 = arith.index_cast %add3A_475 : i32 to index
        %get3A_477 = tpu.vector_load %arg7[%get3A_476] {strides = array<i32>} : memref<6400xf32, #tpu.memory_space<vmem>>, vector<16xf32>,
        %get3A_478 = vector.shape_cast %get3A_477 : vector<16xf32> to vector<16xf32>
        %add3A_479 = arith.constant 32 : i32
        %add3A_480 = arith.addi %get3A_468, %add3A_479 : i32
        %get3A_481 = arith.index_cast %add3A_480 : i32 to index
        %get3A_482 = tpu.vector_load %arg7[%get3A_481] {strides = array<i32>} : memref<6400xf32, #tpu.memory_space<vmem>>, vector<16xf32>,
        %get3A_483 = vector.shape_cast %get3A_482 : vector<16xf32> to vector<16xf32>
        %add3A_484 = arith.constant 48 : i32
        %add3A_485 = arith.addi %get3A_468, %add3A_484 : i32
        %get3A_486 = arith.index_cast %add3A_485 : i32 to index
        %get3A_487 = tpu.vector_load %arg7[%get3A_486] {strides = array<i32>} : memref<6400xf32, #tpu.memory_space<vmem>>, vector<16xf32>,
        %get3A_488 = vector.shape_cast %get3A_487 : vector<16xf32> to vector<16xf32>
        %add3A_489 = arith.constant 64 : i32
        %add3A_490 = arith.addi %get3A_468, %add3A_489 : i32
        %get3A_491 = arith.index_cast %add3A_490 : i32 to index
        %get3A_492 = tpu.vector_load %arg7[%get3A_491] {strides = array<i32>} : memref<6400xf32, #tpu.memory_space<vmem>>, vector<16xf32>,
        %get3A_493 = vector.shape_cast %get3A_492 : vector<16xf32> to vector<16xf32>
        %add3A_494 = arith.constant 80 : i32
        %add3A_495 = arith.addi %get3A_468, %add3A_494 : i32
        %get3A_496 = arith.index_cast %add3A_495 : i32 to index
        %get3A_497 = tpu.vector_load %arg7[%get3A_496] {strides = array<i32>} : memref<6400xf32, #tpu.memory_space<vmem>>, vector<16xf32>,
        %get3A_498 = vector.shape_cast %get3A_497 : vector<16xf32> to vector<16xf32>
        %add3A_499 = arith.constant 96 : i32
        %add3A_500 = arith.addi %get3A_468, %add3A_499 : i32
        %get3A_501 = arith.index_cast %add3A_500 : i32 to index
        %get3A_502 = tpu.vector_load %arg7[%get3A_501] {strides = array<i32>} : memref<6400xf32, #tpu.memory_space<vmem>>, vector<16xf32>,
        %get3A_503 = vector.shape_cast %get3A_502 : vector<16xf32> to vector<16xf32>
        %add3A_504 = arith.constant 112 : i32
        %add3A_505 = arith.addi %get3A_468, %add3A_504 : i32
        %get3A_506 = arith.index_cast %add3A_505 : i32 to index
        %get3A_507 = tpu.vector_load %arg7[%get3A_506] {strides = array<i32>} : memref<6400xf32, #tpu.memory_space<vmem>>, vector<16xf32>,
        %get3A_508 = vector.shape_cast %get3A_507 : vector<16xf32> to vector<16xf32>
        %add3A_509 = arith.constant 128 : i32
        %add3A_510 = arith.addi %get3A_468, %add3A_509 : i32
        %get3A_511 = arith.index_cast %add3A_510 : i32 to index
        %get3A_512 = tpu.vector_load %arg7[%get3A_511] {strides = array<i32>} : memref<6400xf32, #tpu.memory_space<vmem>>, vector<16xf32>,
        %get3A_513 = vector.shape_cast %get3A_512 : vector<16xf32> to vector<16xf32>
        %add3A_514 = arith.constant 144 : i32
        %add3A_515 = arith.addi %get3A_468, %add3A_514 : i32
        %get3A_516 = arith.index_cast %add3A_515 : i32 to index
        %get3A_517 = tpu.vector_load %arg7[%get3A_516] {strides = array<i32>} : memref<6400xf32, #tpu.memory_space<vmem>>, vector<16xf32>,
        %get3A_518 = vector.shape_cast %get3A_517 : vector<16xf32> to vector<16xf32>
        %add3A_519 = arith.constant 160 : i32
        %add3A_520 = arith.addi %get3A_468, %add3A_519 : i32
        %get3A_521 = arith.index_cast %add3A_520 : i32 to index
        %get3A_522 = tpu.vector_load %arg7[%get3A_521] {strides = array<i32>} : memref<6400xf32, #tpu.memory_space<vmem>>, vector<16xf32>,
        %get3A_523 = vector.shape_cast %get3A_522 : vector<16xf32> to vector<16xf32>
        %add3A_524 = arith.constant 176 : i32
        %add3A_525 = arith.addi %get3A_468, %add3A_524 : i32
        %get3A_526 = arith.index_cast %add3A_525 : i32 to index
        %get3A_527 = tpu.vector_load %arg7[%get3A_526] {strides = array<i32>} : memref<6400xf32, #tpu.memory_space<vmem>>, vector<16xf32>,
        %get3A_528 = vector.shape_cast %get3A_527 : vector<16xf32> to vector<16xf32>
        %add3A_529 = arith.constant 192 : i32
        %add3A_530 = arith.addi %get3A_468, %add3A_529 : i32
        %get3A_531 = arith.index_cast %add3A_530 : i32 to index
        %get3A_532 = tpu.vector_load %arg7[%get3A_531] {strides = array<i32>} : memref<6400xf32, #tpu.memory_space<vmem>>, vector<16xf32>,
        %get3A_533 = vector.shape_cast %get3A_532 : vector<16xf32> to vector<16xf32>
        %add3A_534 = arith.constant 208 : i32
        %add3A_535 = arith.addi %get3A_468, %add3A_534 : i32
        %get3A_536 = arith.index_cast %add3A_535 : i32 to index
        %get3A_537 = tpu.vector_load %arg7[%get3A_536] {strides = array<i32>} : memref<6400xf32, #tpu.memory_space<vmem>>, vector<16xf32>,
        %get3A_538 = vector.shape_cast %get3A_537 : vector<16xf32> to vector<16xf32>
        %add3A_539 = arith.constant 224 : i32
        %add3A_540 = arith.addi %get3A_468, %add3A_539 : i32
        %get3A_541 = arith.index_cast %add3A_540 : i32 to index
        %get3A_542 = tpu.vector_load %arg7[%get3A_541] {strides = array<i32>} : memref<6400xf32, #tpu.memory_space<vmem>>, vector<16xf32>,
        %get3A_543 = vector.shape_cast %get3A_542 : vector<16xf32> to vector<16xf32>
        %add3A_544 = arith.constant 240 : i32
        %add3A_545 = arith.addi %get3A_468, %add3A_544 : i32
        %get3A_546 = arith.index_cast %add3A_545 : i32 to index
        %get3A_547 = tpu.vector_load %arg7[%get3A_546] {strides = array<i32>} : memref<6400xf32, #tpu.memory_space<vmem>>, vector<16xf32>,
        %get3A_548 = vector.shape_cast %get3A_547 : vector<16xf32> to vector<16xf32>
        %mul3A_549 = arith.constant 4 : i32
        %mul3A_550 = arith.muli %scan3A_205, %mul3A_549 : i32
        %add3A_551 = arith.constant 0 : i32
        %add3A_552 = arith.addi %mul3A_550, %add3A_551 : i32
        %swap3A = arith.constant 0 : i32
        %swap3A_553 = arith.index_cast %swap3A : i32 to index
        %swap3A_554 = arith.index_cast %add3A_552 : i32 to index
        %swap3A_555 = arith.constant 0 : index
        %swap3A_556 = tpu.vector_load %arg6[%swap3A_553, %swap3A_554, %swap3A_555] {strides = array<i32>} : memref<2x128x256xf32, #tpu.memory_space<vmem>>, vector<1x1x16xf32>,
        %swap3A_557 = vector.shape_cast %swap3A_556 : vector<1x1x16xf32> to vector<16xf32>
        %swap3A_558 = vector.shape_cast %get3A_215 : vector<16xf32> to vector<1x1x16xf32>
        tpu.vector_store %arg6[%swap3A_553, %swap3A_554, %swap3A_555], %swap3A_558 {strides = array<i32>} : memref<2x128x256xf32, #tpu.memory_space<vmem>>, vector<1x1x16xf32>,
        %swap3A_559 = arith.constant 0 : i32
        %swap3A_560 = arith.index_cast %swap3A_559 : i32 to index
        %swap3A_561 = arith.index_cast %add3A_552 : i32 to index
        %swap3A_562 = arith.constant 16 : index
        %swap3A_563 = tpu.vector_load %arg6[%swap3A_560, %swap3A_561, %swap3A_562] {strides = array<i32>} : memref<2x128x256xf32, #tpu.memory_space<vmem>>, vector<1x1x16xf32>,
        %swap3A_564 = vector.shape_cast %swap3A_563 : vector<1x1x16xf32> to vector<16xf32>
        %swap3A_565 = vector.shape_cast %get3A_220 : vector<16xf32> to vector<1x1x16xf32>
        tpu.vector_store %arg6[%swap3A_560, %swap3A_561, %swap3A_562], %swap3A_565 {strides = array<i32>} : memref<2x128x256xf32, #tpu.memory_space<vmem>>, vector<1x1x16xf32>,
        %swap3A_566 = arith.constant 0 : i32
        %swap3A_567 = arith.index_cast %swap3A_566 : i32 to index
        %swap3A_568 = arith.index_cast %add3A_552 : i32 to index
        %swap3A_569 = arith.constant 32 : index
        %swap3A_570 = tpu.vector_load %arg6[%swap3A_567, %swap3A_568, %swap3A_569] {strides = array<i32>} : memref<2x128x256xf32, #tpu.memory_space<vmem>>, vector<1x1x16xf32>,
        %swap3A_571 = vector.shape_cast %swap3A_570 : vector<1x1x16xf32> to vector<16xf32>
        %swap3A_572 = vector.shape_cast %get3A_225 : vector<16xf32> to vector<1x1x16xf32>
        tpu.vector_store %arg6[%swap3A_567, %swap3A_568, %swap3A_569], %swap3A_572 {strides = array<i32>} : memref<2x128x256xf32, #tpu.memory_space<vmem>>, vector<1x1x16xf32>,
        %swap3A_573 = arith.constant 0 : i32
        %swap3A_574 = arith.index_cast %swap3A_573 : i32 to index
        %swap3A_575 = arith.index_cast %add3A_552 : i32 to index
        %swap3A_576 = arith.constant 48 : index
        %swap3A_577 = tpu.vector_load %arg6[%swap3A_574, %swap3A_575, %swap3A_576] {strides = array<i32>} : memref<2x128x256xf32, #tpu.memory_space<vmem>>, vector<1x1x16xf32>,
        %swap3A_578 = vector.shape_cast %swap3A_577 : vector<1x1x16xf32> to vector<16xf32>
        %swap3A_579 = vector.shape_cast %get3A_230 : vector<16xf32> to vector<1x1x16xf32>
        tpu.vector_store %arg6[%swap3A_574, %swap3A_575, %swap3A_576], %swap3A_579 {strides = array<i32>} : memref<2x128x256xf32, #tpu.memory_space<vmem>>, vector<1x1x16xf32>,
        %swap3A_580 = arith.constant 0 : i32
        %swap3A_581 = arith.index_cast %swap3A_580 : i32 to index
        %swap3A_582 = arith.index_cast %add3A_552 : i32 to index
        %swap3A_583 = arith.constant 64 : index
        %swap3A_584 = tpu.vector_load %arg6[%swap3A_581, %swap3A_582, %swap3A_583] {strides = array<i32>} : memref<2x128x256xf32, #tpu.memory_space<vmem>>, vector<1x1x16xf32>,
        %swap3A_585 = vector.shape_cast %swap3A_584 : vector<1x1x16xf32> to vector<16xf32>
        %swap3A_586 = vector.shape_cast %get3A_235 : vector<16xf32> to vector<1x1x16xf32>
        tpu.vector_store %arg6[%swap3A_581, %swap3A_582, %swap3A_583], %swap3A_586 {strides = array<i32>} : memref<2x128x256xf32, #tpu.memory_space<vmem>>, vector<1x1x16xf32>,
        %swap3A_587 = arith.constant 0 : i32
        %swap3A_588 = arith.index_cast %swap3A_587 : i32 to index
        %swap3A_589 = arith.index_cast %add3A_552 : i32 to index
        %swap3A_590 = arith.constant 80 : index
        %swap3A_591 = tpu.vector_load %arg6[%swap3A_588, %swap3A_589, %swap3A_590] {strides = array<i32>} : memref<2x128x256xf32, #tpu.memory_space<vmem>>, vector<1x1x16xf32>,
        %swap3A_592 = vector.shape_cast %swap3A_591 : vector<1x1x16xf32> to vector<16xf32>
        %swap3A_593 = vector.shape_cast %get3A_240 : vector<16xf32> to vector<1x1x16xf32>
        tpu.vector_store %arg6[%swap3A_588, %swap3A_589, %swap3A_590], %swap3A_593 {strides = array<i32>} : memref<2x128x256xf32, #tpu.memory_space<vmem>>, vector<1x1x16xf32>,
        %swap3A_594 = arith.constant 0 : i32
        %swap3A_595 = arith.index_cast %swap3A_594 : i32 to index
        %swap3A_596 = arith.index_cast %add3A_552 : i32 to index
        %swap3A_597 = arith.constant 96 : index
        %swap3A_598 = tpu.vector_load %arg6[%swap3A_595, %swap3A_596, %swap3A_597] {strides = array<i32>} : memref<2x128x256xf32, #tpu.memory_space<vmem>>, vector<1x1x16xf32>,
        %swap3A_599 = vector.shape_cast %swap3A_598 : vector<1x1x16xf32> to vector<16xf32>
        %swap3A_600 = vector.shape_cast %get3A_245 : vector<16xf32> to vector<1x1x16xf32>
        tpu.vector_store %arg6[%swap3A_595, %swap3A_596, %swap3A_597], %swap3A_600 {strides = array<i32>} : memref<2x128x256xf32, #tpu.memory_space<vmem>>, vector<1x1x16xf32>,
        %swap3A_601 = arith.constant 0 : i32
        %swap3A_602 = arith.index_cast %swap3A_601 : i32 to index
        %swap3A_603 = arith.index_cast %add3A_552 : i32 to index
        %swap3A_604 = arith.constant 112 : index
        %swap3A_605 = tpu.vector_load %arg6[%swap3A_602, %swap3A_603, %swap3A_604] {strides = array<i32>} : memref<2x128x256xf32, #tpu.memory_space<vmem>>, vector<1x1x16xf32>,
        %swap3A_606 = vector.shape_cast %swap3A_605 : vector<1x1x16xf32> to vector<16xf32>
        %swap3A_607 = vector.shape_cast %get3A_250 : vector<16xf32> to vector<1x1x16xf32>
        tpu.vector_store %arg6[%swap3A_602, %swap3A_603, %swap3A_604], %swap3A_607 {strides = array<i32>} : memref<2x128x256xf32, #tpu.memory_space<vmem>>, vector<1x1x16xf32>,
        %swap3A_608 = arith.constant 0 : i32
        %swap3A_609 = arith.index_cast %swap3A_608 : i32 to index
        %swap3A_610 = arith.index_cast %add3A_552 : i32 to index
        %swap3A_611 = arith.constant 128 : index
        %swap3A_612 = tpu.vector_load %arg6[%swap3A_609, %swap3A_610, %swap3A_611] {strides = array<i32>} : memref<2x128x256xf32, #tpu.memory_space<vmem>>, vector<1x1x16xf32>,
        %swap3A_613 = vector.shape_cast %swap3A_612 : vector<1x1x16xf32> to vector<16xf32>
        %swap3A_614 = vector.shape_cast %get3A_255 : vector<16xf32> to vector<1x1x16xf32>
        tpu.vector_store %arg6[%swap3A_609, %swap3A_610, %swap3A_611], %swap3A_614 {strides = array<i32>} : memref<2x128x256xf32, #tpu.memory_space<vmem>>, vector<1x1x16xf32>,
        %swap3A_615 = arith.constant 0 : i32
        %swap3A_616 = arith.index_cast %swap3A_615 : i32 to index
        %swap3A_617 = arith.index_cast %add3A_552 : i32 to index
        %swap3A_618 = arith.constant 144 : index
        %swap3A_619 = tpu.vector_load %arg6[%swap3A_616, %swap3A_617, %swap3A_618] {strides = array<i32>} : memref<2x128x256xf32, #tpu.memory_space<vmem>>, vector<1x1x16xf32>,
        %swap3A_620 = vector.shape_cast %swap3A_619 : vector<1x1x16xf32> to vector<16xf32>
        %swap3A_621 = vector.shape_cast %get3A_260 : vector<16xf32> to vector<1x1x16xf32>
        tpu.vector_store %arg6[%swap3A_616, %swap3A_617, %swap3A_618], %swap3A_621 {strides = array<i32>} : memref<2x128x256xf32, #tpu.memory_space<vmem>>, vector<1x1x16xf32>,
        %swap3A_622 = arith.constant 0 : i32
        %swap3A_623 = arith.index_cast %swap3A_622 : i32 to index
        %swap3A_624 = arith.index_cast %add3A_552 : i32 to index
        %swap3A_625 = arith.constant 160 : index
        %swap3A_626 = tpu.vector_load %arg6[%swap3A_623, %swap3A_624, %swap3A_625] {strides = array<i32>} : memref<2x128x256xf32, #tpu.memory_space<vmem>>, vector<1x1x16xf32>,
        %swap3A_627 = vector.shape_cast %swap3A_626 : vector<1x1x16xf32> to vector<16xf32>
        %swap3A_628 = vector.shape_cast %get3A_265 : vector<16xf32> to vector<1x1x16xf32>
        tpu.vector_store %arg6[%swap3A_623, %swap3A_624, %swap3A_625], %swap3A_628 {strides = array<i32>} : memref<2x128x256xf32, #tpu.memory_space<vmem>>, vector<1x1x16xf32>,
        %swap3A_629 = arith.constant 0 : i32
        %swap3A_630 = arith.index_cast %swap3A_629 : i32 to index
        %swap3A_631 = arith.index_cast %add3A_552 : i32 to index
        %swap3A_632 = arith.constant 176 : index
        %swap3A_633 = tpu.vector_load %arg6[%swap3A_630, %swap3A_631, %swap3A_632] {strides = array<i32>} : memref<2x128x256xf32, #tpu.memory_space<vmem>>, vector<1x1x16xf32>,
        %swap3A_634 = vector.shape_cast %swap3A_633 : vector<1x1x16xf32> to vector<16xf32>
        %swap3A_635 = vector.shape_cast %get3A_270 : vector<16xf32> to vector<1x1x16xf32>
        tpu.vector_store %arg6[%swap3A_630, %swap3A_631, %swap3A_632], %swap3A_635 {strides = array<i32>} : memref<2x128x256xf32, #tpu.memory_space<vmem>>, vector<1x1x16xf32>,
        %swap3A_636 = arith.constant 0 : i32
        %swap3A_637 = arith.index_cast %swap3A_636 : i32 to index
        %swap3A_638 = arith.index_cast %add3A_552 : i32 to index
        %swap3A_639 = arith.constant 192 : index
        %swap3A_640 = tpu.vector_load %arg6[%swap3A_637, %swap3A_638, %swap3A_639] {strides = array<i32>} : memref<2x128x256xf32, #tpu.memory_space<vmem>>, vector<1x1x16xf32>,
        %swap3A_641 = vector.shape_cast %swap3A_640 : vector<1x1x16xf32> to vector<16xf32>
        %swap3A_642 = vector.shape_cast %get3A_275 : vector<16xf32> to vector<1x1x16xf32>
        tpu.vector_store %arg6[%swap3A_637, %swap3A_638, %swap3A_639], %swap3A_642 {strides = array<i32>} : memref<2x128x256xf32, #tpu.memory_space<vmem>>, vector<1x1x16xf32>,
        %swap3A_643 = arith.constant 0 : i32
        %swap3A_644 = arith.index_cast %swap3A_643 : i32 to index
        %swap3A_645 = arith.index_cast %add3A_552 : i32 to index
        %swap3A_646 = arith.constant 208 : index
        %swap3A_647 = tpu.vector_load %arg6[%swap3A_644, %swap3A_645, %swap3A_646] {strides = array<i32>} : memref<2x128x256xf32, #tpu.memory_space<vmem>>, vector<1x1x16xf32>,
        %swap3A_648 = vector.shape_cast %swap3A_647 : vector<1x1x16xf32> to vector<16xf32>
        %swap3A_649 = vector.shape_cast %get3A_280 : vector<16xf32> to vector<1x1x16xf32>
        tpu.vector_store %arg6[%swap3A_644, %swap3A_645, %swap3A_646], %swap3A_649 {strides = array<i32>} : memref<2x128x256xf32, #tpu.memory_space<vmem>>, vector<1x1x16xf32>,
        %swap3A_650 = arith.constant 0 : i32
        %swap3A_651 = arith.index_cast %swap3A_650 : i32 to index
        %swap3A_652 = arith.index_cast %add3A_552 : i32 to index
        %swap3A_653 = arith.constant 224 : index
        %swap3A_654 = tpu.vector_load %arg6[%swap3A_651, %swap3A_652, %swap3A_653] {strides = array<i32>} : memref<2x128x256xf32, #tpu.memory_space<vmem>>, vector<1x1x16xf32>,
        %swap3A_655 = vector.shape_cast %swap3A_654 : vector<1x1x16xf32> to vector<16xf32>
        %swap3A_656 = vector.shape_cast %get3A_285 : vector<16xf32> to vector<1x1x16xf32>
        tpu.vector_store %arg6[%swap3A_651, %swap3A_652, %swap3A_653], %swap3A_656 {strides = array<i32>} : memref<2x128x256xf32, #tpu.memory_space<vmem>>, vector<1x1x16xf32>,
        %swap3A_657 = arith.constant 0 : i32
        %swap3A_658 = arith.index_cast %swap3A_657 : i32 to index
        %swap3A_659 = arith.index_cast %add3A_552 : i32 to index
        %swap3A_660 = arith.constant 240 : index
        %swap3A_661 = tpu.vector_load %arg6[%swap3A_658, %swap3A_659, %swap3A_660] {strides = array<i32>} : memref<2x128x256xf32, #tpu.memory_space<vmem>>, vector<1x1x16xf32>,
        %swap3A_662 = vector.shape_cast %swap3A_661 : vector<1x1x16xf32> to vector<16xf32>
        %swap3A_663 = vector.shape_cast %get3A_290 : vector<16xf32> to vector<1x1x16xf32>
        tpu.vector_store %arg6[%swap3A_658, %swap3A_659, %swap3A_660], %swap3A_663 {strides = array<i32>} : memref<2x128x256xf32, #tpu.memory_space<vmem>>, vector<1x1x16xf32>,
        %mul3A_664 = arith.constant 4 : i32
        %mul3A_665 = arith.muli %scan3A_205, %mul3A_664 : i32
        %add3A_666 = arith.constant 1 : i32
        %add3A_667 = arith.addi %mul3A_665, %add3A_666 : i32
        %swap3A_668 = arith.constant 0 : i32
        %swap3A_669 = arith.index_cast %swap3A_668 : i32 to index
        %swap3A_670 = arith.index_cast %add3A_667 : i32 to index
        %swap3A_671 = arith.constant 0 : index
        %swap3A_672 = tpu.vector_load %arg6[%swap3A_669, %swap3A_670, %swap3A_671] {strides = array<i32>} : memref<2x128x256xf32, #tpu.memory_space<vmem>>, vector<1x1x16xf32>,
        %swap3A_673 = vector.shape_cast %swap3A_672 : vector<1x1x16xf32> to vector<16xf32>
        %swap3A_674 = vector.shape_cast %get3A_301 : vector<16xf32> to vector<1x1x16xf32>
        tpu.vector_store %arg6[%swap3A_669, %swap3A_670, %swap3A_671], %swap3A_674 {strides = array<i32>} : memref<2x128x256xf32, #tpu.memory_space<vmem>>, vector<1x1x16xf32>,
        %swap3A_675 = arith.constant 0 : i32
        %swap3A_676 = arith.index_cast %swap3A_675 : i32 to index
        %swap3A_677 = arith.index_cast %add3A_667 : i32 to index
        %swap3A_678 = arith.constant 16 : index
        %swap3A_679 = tpu.vector_load %arg6[%swap3A_676, %swap3A_677, %swap3A_678] {strides = array<i32>} : memref<2x128x256xf32, #tpu.memory_space<vmem>>, vector<1x1x16xf32>,
        %swap3A_680 = vector.shape_cast %swap3A_679 : vector<1x1x16xf32> to vector<16xf32>
        %swap3A_681 = vector.shape_cast %get3A_306 : vector<16xf32> to vector<1x1x16xf32>
        tpu.vector_store %arg6[%swap3A_676, %swap3A_677, %swap3A_678], %swap3A_681 {strides = array<i32>} : memref<2x128x256xf32, #tpu.memory_space<vmem>>, vector<1x1x16xf32>,
        %swap3A_682 = arith.constant 0 : i32
        %swap3A_683 = arith.index_cast %swap3A_682 : i32 to index
        %swap3A_684 = arith.index_cast %add3A_667 : i32 to index
        %swap3A_685 = arith.constant 32 : index
        %swap3A_686 = tpu.vector_load %arg6[%swap3A_683, %swap3A_684, %swap3A_685] {strides = array<i32>} : memref<2x128x256xf32, #tpu.memory_space<vmem>>, vector<1x1x16xf32>,
        %swap3A_687 = vector.shape_cast %swap3A_686 : vector<1x1x16xf32> to vector<16xf32>
        %swap3A_688 = vector.shape_cast %get3A_311 : vector<16xf32> to vector<1x1x16xf32>
        tpu.vector_store %arg6[%swap3A_683, %swap3A_684, %swap3A_685], %swap3A_688 {strides = array<i32>} : memref<2x128x256xf32, #tpu.memory_space<vmem>>, vector<1x1x16xf32>,
        %swap3A_689 = arith.constant 0 : i32
        %swap3A_690 = arith.index_cast %swap3A_689 : i32 to index
        %swap3A_691 = arith.index_cast %add3A_667 : i32 to index
        %swap3A_692 = arith.constant 48 : index
        %swap3A_693 = tpu.vector_load %arg6[%swap3A_690, %swap3A_691, %swap3A_692] {strides = array<i32>} : memref<2x128x256xf32, #tpu.memory_space<vmem>>, vector<1x1x16xf32>,
        %swap3A_694 = vector.shape_cast %swap3A_693 : vector<1x1x16xf32> to vector<16xf32>
        %swap3A_695 = vector.shape_cast %get3A_316 : vector<16xf32> to vector<1x1x16xf32>
        tpu.vector_store %arg6[%swap3A_690, %swap3A_691, %swap3A_692], %swap3A_695 {strides = array<i32>} : memref<2x128x256xf32, #tpu.memory_space<vmem>>, vector<1x1x16xf32>,
        %swap3A_696 = arith.constant 0 : i32
        %swap3A_697 = arith.index_cast %swap3A_696 : i32 to index
        %swap3A_698 = arith.index_cast %add3A_667 : i32 to index
        %swap3A_699 = arith.constant 64 : index
        %swap3A_700 = tpu.vector_load %arg6[%swap3A_697, %swap3A_698, %swap3A_699] {strides = array<i32>} : memref<2x128x256xf32, #tpu.memory_space<vmem>>, vector<1x1x16xf32>,
        %swap3A_701 = vector.shape_cast %swap3A_700 : vector<1x1x16xf32> to vector<16xf32>
        %swap3A_702 = vector.shape_cast %get3A_321 : vector<16xf32> to vector<1x1x16xf32>
        tpu.vector_store %arg6[%swap3A_697, %swap3A_698, %swap3A_699], %swap3A_702 {strides = array<i32>} : memref<2x128x256xf32, #tpu.memory_space<vmem>>, vector<1x1x16xf32>,
        %swap3A_703 = arith.constant 0 : i32
        %swap3A_704 = arith.index_cast %swap3A_703 : i32 to index
        %swap3A_705 = arith.index_cast %add3A_667 : i32 to index
        %swap3A_706 = arith.constant 80 : index
        %swap3A_707 = tpu.vector_load %arg6[%swap3A_704, %swap3A_705, %swap3A_706] {strides = array<i32>} : memref<2x128x256xf32, #tpu.memory_space<vmem>>, vector<1x1x16xf32>,
        %swap3A_708 = vector.shape_cast %swap3A_707 : vector<1x1x16xf32> to vector<16xf32>
        %swap3A_709 = vector.shape_cast %get3A_326 : vector<16xf32> to vector<1x1x16xf32>
        tpu.vector_store %arg6[%swap3A_704, %swap3A_705, %swap3A_706], %swap3A_709 {strides = array<i32>} : memref<2x128x256xf32, #tpu.memory_space<vmem>>, vector<1x1x16xf32>,
        %swap3A_710 = arith.constant 0 : i32
        %swap3A_711 = arith.index_cast %swap3A_710 : i32 to index
        %swap3A_712 = arith.index_cast %add3A_667 : i32 to index
        %swap3A_713 = arith.constant 96 : index
        %swap3A_714 = tpu.vector_load %arg6[%swap3A_711, %swap3A_712, %swap3A_713] {strides = array<i32>} : memref<2x128x256xf32, #tpu.memory_space<vmem>>, vector<1x1x16xf32>,
        %swap3A_715 = vector.shape_cast %swap3A_714 : vector<1x1x16xf32> to vector<16xf32>
        %swap3A_716 = vector.shape_cast %get3A_331 : vector<16xf32> to vector<1x1x16xf32>
        tpu.vector_store %arg6[%swap3A_711, %swap3A_712, %swap3A_713], %swap3A_716 {strides = array<i32>} : memref<2x128x256xf32, #tpu.memory_space<vmem>>, vector<1x1x16xf32>,
        %swap3A_717 = arith.constant 0 : i32
        %swap3A_718 = arith.index_cast %swap3A_717 : i32 to index
        %swap3A_719 = arith.index_cast %add3A_667 : i32 to index
        %swap3A_720 = arith.constant 112 : index
        %swap3A_721 = tpu.vector_load %arg6[%swap3A_718, %swap3A_719, %swap3A_720] {strides = array<i32>} : memref<2x128x256xf32, #tpu.memory_space<vmem>>, vector<1x1x16xf32>,
        %swap3A_722 = vector.shape_cast %swap3A_721 : vector<1x1x16xf32> to vector<16xf32>
        %swap3A_723 = vector.shape_cast %get3A_336 : vector<16xf32> to vector<1x1x16xf32>
        tpu.vector_store %arg6[%swap3A_718, %swap3A_719, %swap3A_720], %swap3A_723 {strides = array<i32>} : memref<2x128x256xf32, #tpu.memory_space<vmem>>, vector<1x1x16xf32>,
        %swap3A_724 = arith.constant 0 : i32
        %swap3A_725 = arith.index_cast %swap3A_724 : i32 to index
        %swap3A_726 = arith.index_cast %add3A_667 : i32 to index
        %swap3A_727 = arith.constant 128 : index
        %swap3A_728 = tpu.vector_load %arg6[%swap3A_725, %swap3A_726, %swap3A_727] {strides = array<i32>} : memref<2x128x256xf32, #tpu.memory_space<vmem>>, vector<1x1x16xf32>,
        %swap3A_729 = vector.shape_cast %swap3A_728 : vector<1x1x16xf32> to vector<16xf32>
        %swap3A_730 = vector.shape_cast %get3A_341 : vector<16xf32> to vector<1x1x16xf32>
        tpu.vector_store %arg6[%swap3A_725, %swap3A_726, %swap3A_727], %swap3A_730 {strides = array<i32>} : memref<2x128x256xf32, #tpu.memory_space<vmem>>, vector<1x1x16xf32>,
        %swap3A_731 = arith.constant 0 : i32
        %swap3A_732 = arith.index_cast %swap3A_731 : i32 to index
        %swap3A_733 = arith.index_cast %add3A_667 : i32 to index
        %swap3A_734 = arith.constant 144 : index
        %swap3A_735 = tpu.vector_load %arg6[%swap3A_732, %swap3A_733, %swap3A_734] {strides = array<i32>} : memref<2x128x256xf32, #tpu.memory_space<vmem>>, vector<1x1x16xf32>,
        %swap3A_736 = vector.shape_cast %swap3A_735 : vector<1x1x16xf32> to vector<16xf32>
        %swap3A_737 = vector.shape_cast %get3A_346 : vector<16xf32> to vector<1x1x16xf32>
        tpu.vector_store %arg6[%swap3A_732, %swap3A_733, %swap3A_734], %swap3A_737 {strides = array<i32>} : memref<2x128x256xf32, #tpu.memory_space<vmem>>, vector<1x1x16xf32>,
        %swap3A_738 = arith.constant 0 : i32
        %swap3A_739 = arith.index_cast %swap3A_738 : i32 to index
        %swap3A_740 = arith.index_cast %add3A_667 : i32 to index
        %swap3A_741 = arith.constant 160 : index
        %swap3A_742 = tpu.vector_load %arg6[%swap3A_739, %swap3A_740, %swap3A_741] {strides = array<i32>} : memref<2x128x256xf32, #tpu.memory_space<vmem>>, vector<1x1x16xf32>,
        %swap3A_743 = vector.shape_cast %swap3A_742 : vector<1x1x16xf32> to vector<16xf32>
        %swap3A_744 = vector.shape_cast %get3A_351 : vector<16xf32> to vector<1x1x16xf32>
        tpu.vector_store %arg6[%swap3A_739, %swap3A_740, %swap3A_741], %swap3A_744 {strides = array<i32>} : memref<2x128x256xf32, #tpu.memory_space<vmem>>, vector<1x1x16xf32>,
        %swap3A_745 = arith.constant 0 : i32
        %swap3A_746 = arith.index_cast %swap3A_745 : i32 to index
        %swap3A_747 = arith.index_cast %add3A_667 : i32 to index
        %swap3A_748 = arith.constant 176 : index
        %swap3A_749 = tpu.vector_load %arg6[%swap3A_746, %swap3A_747, %swap3A_748] {strides = array<i32>} : memref<2x128x256xf32, #tpu.memory_space<vmem>>, vector<1x1x16xf32>,
        %swap3A_750 = vector.shape_cast %swap3A_749 : vector<1x1x16xf32> to vector<16xf32>
        %swap3A_751 = vector.shape_cast %get3A_356 : vector<16xf32> to vector<1x1x16xf32>
        tpu.vector_store %arg6[%swap3A_746, %swap3A_747, %swap3A_748], %swap3A_751 {strides = array<i32>} : memref<2x128x256xf32, #tpu.memory_space<vmem>>, vector<1x1x16xf32>,
        %swap3A_752 = arith.constant 0 : i32
        %swap3A_753 = arith.index_cast %swap3A_752 : i32 to index
        %swap3A_754 = arith.index_cast %add3A_667 : i32 to index
        %swap3A_755 = arith.constant 192 : index
        %swap3A_756 = tpu.vector_load %arg6[%swap3A_753, %swap3A_754, %swap3A_755] {strides = array<i32>} : memref<2x128x256xf32, #tpu.memory_space<vmem>>, vector<1x1x16xf32>,
        %swap3A_757 = vector.shape_cast %swap3A_756 : vector<1x1x16xf32> to vector<16xf32>
        %swap3A_758 = vector.shape_cast %get3A_361 : vector<16xf32> to vector<1x1x16xf32>
        tpu.vector_store %arg6[%swap3A_753, %swap3A_754, %swap3A_755], %swap3A_758 {strides = array<i32>} : memref<2x128x256xf32, #tpu.memory_space<vmem>>, vector<1x1x16xf32>,
        %swap3A_759 = arith.constant 0 : i32
        %swap3A_760 = arith.index_cast %swap3A_759 : i32 to index
        %swap3A_761 = arith.index_cast %add3A_667 : i32 to index
        %swap3A_762 = arith.constant 208 : index
        %swap3A_763 = tpu.vector_load %arg6[%swap3A_760, %swap3A_761, %swap3A_762] {strides = array<i32>} : memref<2x128x256xf32, #tpu.memory_space<vmem>>, vector<1x1x16xf32>,
        %swap3A_764 = vector.shape_cast %swap3A_763 : vector<1x1x16xf32> to vector<16xf32>
        %swap3A_765 = vector.shape_cast %get3A_366 : vector<16xf32> to vector<1x1x16xf32>
        tpu.vector_store %arg6[%swap3A_760, %swap3A_761, %swap3A_762], %swap3A_765 {strides = array<i32>} : memref<2x128x256xf32, #tpu.memory_space<vmem>>, vector<1x1x16xf32>,
        %swap3A_766 = arith.constant 0 : i32
        %swap3A_767 = arith.index_cast %swap3A_766 : i32 to index
        %swap3A_768 = arith.index_cast %add3A_667 : i32 to index
        %swap3A_769 = arith.constant 224 : index
        %swap3A_770 = tpu.vector_load %arg6[%swap3A_767, %swap3A_768, %swap3A_769] {strides = array<i32>} : memref<2x128x256xf32, #tpu.memory_space<vmem>>, vector<1x1x16xf32>,
        %swap3A_771 = vector.shape_cast %swap3A_770 : vector<1x1x16xf32> to vector<16xf32>
        %swap3A_772 = vector.shape_cast %get3A_371 : vector<16xf32> to vector<1x1x16xf32>
        tpu.vector_store %arg6[%swap3A_767, %swap3A_768, %swap3A_769], %swap3A_772 {strides = array<i32>} : memref<2x128x256xf32, #tpu.memory_space<vmem>>, vector<1x1x16xf32>,
        %swap3A_773 = arith.constant 0 : i32
        %swap3A_774 = arith.index_cast %swap3A_773 : i32 to index
        %swap3A_775 = arith.index_cast %add3A_667 : i32 to index
        %swap3A_776 = arith.constant 240 : index
        %swap3A_777 = tpu.vector_load %arg6[%swap3A_774, %swap3A_775, %swap3A_776] {strides = array<i32>} : memref<2x128x256xf32, #tpu.memory_space<vmem>>, vector<1x1x16xf32>,
        %swap3A_778 = vector.shape_cast %swap3A_777 : vector<1x1x16xf32> to vector<16xf32>
        %swap3A_779 = vector.shape_cast %get3A_376 : vector<16xf32> to vector<1x1x16xf32>
        tpu.vector_store %arg6[%swap3A_774, %swap3A_775, %swap3A_776], %swap3A_779 {strides = array<i32>} : memref<2x128x256xf32, #tpu.memory_space<vmem>>, vector<1x1x16xf32>,
        %mul3A_780 = arith.constant 4 : i32
        %mul3A_781 = arith.muli %scan3A_205, %mul3A_780 : i32
        %add3A_782 = arith.constant 2 : i32
        %add3A_783 = arith.addi %mul3A_781, %add3A_782 : i32
        %swap3A_784 = arith.constant 0 : i32
        %swap3A_785 = arith.index_cast %swap3A_784 : i32 to index
        %swap3A_786 = arith.index_cast %add3A_783 : i32 to index
        %swap3A_787 = arith.constant 0 : index
        %swap3A_788 = tpu.vector_load %arg6[%swap3A_785, %swap3A_786, %swap3A_787] {strides = array<i32>} : memref<2x128x256xf32, #tpu.memory_space<vmem>>, vector<1x1x16xf32>,
        %swap3A_789 = vector.shape_cast %swap3A_788 : vector<1x1x16xf32> to vector<16xf32>
        %swap3A_790 = vector.shape_cast %get3A_387 : vector<16xf32> to vector<1x1x16xf32>
        tpu.vector_store %arg6[%swap3A_785, %swap3A_786, %swap3A_787], %swap3A_790 {strides = array<i32>} : memref<2x128x256xf32, #tpu.memory_space<vmem>>, vector<1x1x16xf32>,
        %swap3A_791 = arith.constant 0 : i32
        %swap3A_792 = arith.index_cast %swap3A_791 : i32 to index
        %swap3A_793 = arith.index_cast %add3A_783 : i32 to index
        %swap3A_794 = arith.constant 16 : index
        %swap3A_795 = tpu.vector_load %arg6[%swap3A_792, %swap3A_793, %swap3A_794] {strides = array<i32>} : memref<2x128x256xf32, #tpu.memory_space<vmem>>, vector<1x1x16xf32>,
        %swap3A_796 = vector.shape_cast %swap3A_795 : vector<1x1x16xf32> to vector<16xf32>
        %swap3A_797 = vector.shape_cast %get3A_392 : vector<16xf32> to vector<1x1x16xf32>
        tpu.vector_store %arg6[%swap3A_792, %swap3A_793, %swap3A_794], %swap3A_797 {strides = array<i32>} : memref<2x128x256xf32, #tpu.memory_space<vmem>>, vector<1x1x16xf32>,
        %swap3A_798 = arith.constant 0 : i32
        %swap3A_799 = arith.index_cast %swap3A_798 : i32 to index
        %swap3A_800 = arith.index_cast %add3A_783 : i32 to index
        %swap3A_801 = arith.constant 32 : index
        %swap3A_802 = tpu.vector_load %arg6[%swap3A_799, %swap3A_800, %swap3A_801] {strides = array<i32>} : memref<2x128x256xf32, #tpu.memory_space<vmem>>, vector<1x1x16xf32>,
        %swap3A_803 = vector.shape_cast %swap3A_802 : vector<1x1x16xf32> to vector<16xf32>
        %swap3A_804 = vector.shape_cast %get3A_397 : vector<16xf32> to vector<1x1x16xf32>
        tpu.vector_store %arg6[%swap3A_799, %swap3A_800, %swap3A_801], %swap3A_804 {strides = array<i32>} : memref<2x128x256xf32, #tpu.memory_space<vmem>>, vector<1x1x16xf32>,
        %swap3A_805 = arith.constant 0 : i32
        %swap3A_806 = arith.index_cast %swap3A_805 : i32 to index
        %swap3A_807 = arith.index_cast %add3A_783 : i32 to index
        %swap3A_808 = arith.constant 48 : index
        %swap3A_809 = tpu.vector_load %arg6[%swap3A_806, %swap3A_807, %swap3A_808] {strides = array<i32>} : memref<2x128x256xf32, #tpu.memory_space<vmem>>, vector<1x1x16xf32>,
        %swap3A_810 = vector.shape_cast %swap3A_809 : vector<1x1x16xf32> to vector<16xf32>
        %swap3A_811 = vector.shape_cast %get3A_402 : vector<16xf32> to vector<1x1x16xf32>
        tpu.vector_store %arg6[%swap3A_806, %swap3A_807, %swap3A_808], %swap3A_811 {strides = array<i32>} : memref<2x128x256xf32, #tpu.memory_space<vmem>>, vector<1x1x16xf32>,
        %swap3A_812 = arith.constant 0 : i32
        %swap3A_813 = arith.index_cast %swap3A_812 : i32 to index
        %swap3A_814 = arith.index_cast %add3A_783 : i32 to index
        %swap3A_815 = arith.constant 64 : index
        %swap3A_816 = tpu.vector_load %arg6[%swap3A_813, %swap3A_814, %swap3A_815] {strides = array<i32>} : memref<2x128x256xf32, #tpu.memory_space<vmem>>, vector<1x1x16xf32>,
        %swap3A_817 = vector.shape_cast %swap3A_816 : vector<1x1x16xf32> to vector<16xf32>
        %swap3A_818 = vector.shape_cast %get3A_407 : vector<16xf32> to vector<1x1x16xf32>
        tpu.vector_store %arg6[%swap3A_813, %swap3A_814, %swap3A_815], %swap3A_818 {strides = array<i32>} : memref<2x128x256xf32, #tpu.memory_space<vmem>>, vector<1x1x16xf32>,
        %swap3A_819 = arith.constant 0 : i32
        %swap3A_820 = arith.index_cast %swap3A_819 : i32 to index
        %swap3A_821 = arith.index_cast %add3A_783 : i32 to index
        %swap3A_822 = arith.constant 80 : index
        %swap3A_823 = tpu.vector_load %arg6[%swap3A_820, %swap3A_821, %swap3A_822] {strides = array<i32>} : memref<2x128x256xf32, #tpu.memory_space<vmem>>, vector<1x1x16xf32>,
        %swap3A_824 = vector.shape_cast %swap3A_823 : vector<1x1x16xf32> to vector<16xf32>
        %swap3A_825 = vector.shape_cast %get3A_412 : vector<16xf32> to vector<1x1x16xf32>
        tpu.vector_store %arg6[%swap3A_820, %swap3A_821, %swap3A_822], %swap3A_825 {strides = array<i32>} : memref<2x128x256xf32, #tpu.memory_space<vmem>>, vector<1x1x16xf32>,
        %swap3A_826 = arith.constant 0 : i32
        %swap3A_827 = arith.index_cast %swap3A_826 : i32 to index
        %swap3A_828 = arith.index_cast %add3A_783 : i32 to index
        %swap3A_829 = arith.constant 96 : index
        %swap3A_830 = tpu.vector_load %arg6[%swap3A_827, %swap3A_828, %swap3A_829] {strides = array<i32>} : memref<2x128x256xf32, #tpu.memory_space<vmem>>, vector<1x1x16xf32>,
        %swap3A_831 = vector.shape_cast %swap3A_830 : vector<1x1x16xf32> to vector<16xf32>
        %swap3A_832 = vector.shape_cast %get3A_417 : vector<16xf32> to vector<1x1x16xf32>
        tpu.vector_store %arg6[%swap3A_827, %swap3A_828, %swap3A_829], %swap3A_832 {strides = array<i32>} : memref<2x128x256xf32, #tpu.memory_space<vmem>>, vector<1x1x16xf32>,
        %swap3A_833 = arith.constant 0 : i32
        %swap3A_834 = arith.index_cast %swap3A_833 : i32 to index
        %swap3A_835 = arith.index_cast %add3A_783 : i32 to index
        %swap3A_836 = arith.constant 112 : index
        %swap3A_837 = tpu.vector_load %arg6[%swap3A_834, %swap3A_835, %swap3A_836] {strides = array<i32>} : memref<2x128x256xf32, #tpu.memory_space<vmem>>, vector<1x1x16xf32>,
        %swap3A_838 = vector.shape_cast %swap3A_837 : vector<1x1x16xf32> to vector<16xf32>
        %swap3A_839 = vector.shape_cast %get3A_422 : vector<16xf32> to vector<1x1x16xf32>
        tpu.vector_store %arg6[%swap3A_834, %swap3A_835, %swap3A_836], %swap3A_839 {strides = array<i32>} : memref<2x128x256xf32, #tpu.memory_space<vmem>>, vector<1x1x16xf32>,
        %swap3A_840 = arith.constant 0 : i32
        %swap3A_841 = arith.index_cast %swap3A_840 : i32 to index
        %swap3A_842 = arith.index_cast %add3A_783 : i32 to index
        %swap3A_843 = arith.constant 128 : index
        %swap3A_844 = tpu.vector_load %arg6[%swap3A_841, %swap3A_842, %swap3A_843] {strides = array<i32>} : memref<2x128x256xf32, #tpu.memory_space<vmem>>, vector<1x1x16xf32>,
        %swap3A_845 = vector.shape_cast %swap3A_844 : vector<1x1x16xf32> to vector<16xf32>
        %swap3A_846 = vector.shape_cast %get3A_427 : vector<16xf32> to vector<1x1x16xf32>
        tpu.vector_store %arg6[%swap3A_841, %swap3A_842, %swap3A_843], %swap3A_846 {strides = array<i32>} : memref<2x128x256xf32, #tpu.memory_space<vmem>>, vector<1x1x16xf32>,
        %swap3A_847 = arith.constant 0 : i32
        %swap3A_848 = arith.index_cast %swap3A_847 : i32 to index
        %swap3A_849 = arith.index_cast %add3A_783 : i32 to index
        %swap3A_850 = arith.constant 144 : index
        %swap3A_851 = tpu.vector_load %arg6[%swap3A_848, %swap3A_849, %swap3A_850] {strides = array<i32>} : memref<2x128x256xf32, #tpu.memory_space<vmem>>, vector<1x1x16xf32>,
        %swap3A_852 = vector.shape_cast %swap3A_851 : vector<1x1x16xf32> to vector<16xf32>
        %swap3A_853 = vector.shape_cast %get3A_432 : vector<16xf32> to vector<1x1x16xf32>
        tpu.vector_store %arg6[%swap3A_848, %swap3A_849, %swap3A_850], %swap3A_853 {strides = array<i32>} : memref<2x128x256xf32, #tpu.memory_space<vmem>>, vector<1x1x16xf32>,
        %swap3A_854 = arith.constant 0 : i32
        %swap3A_855 = arith.index_cast %swap3A_854 : i32 to index
        %swap3A_856 = arith.index_cast %add3A_783 : i32 to index
        %swap3A_857 = arith.constant 160 : index
        %swap3A_858 = tpu.vector_load %arg6[%swap3A_855, %swap3A_856, %swap3A_857] {strides = array<i32>} : memref<2x128x256xf32, #tpu.memory_space<vmem>>, vector<1x1x16xf32>,
        %swap3A_859 = vector.shape_cast %swap3A_858 : vector<1x1x16xf32> to vector<16xf32>
        %swap3A_860 = vector.shape_cast %get3A_437 : vector<16xf32> to vector<1x1x16xf32>
        tpu.vector_store %arg6[%swap3A_855, %swap3A_856, %swap3A_857], %swap3A_860 {strides = array<i32>} : memref<2x128x256xf32, #tpu.memory_space<vmem>>, vector<1x1x16xf32>,
        %swap3A_861 = arith.constant 0 : i32
        %swap3A_862 = arith.index_cast %swap3A_861 : i32 to index
        %swap3A_863 = arith.index_cast %add3A_783 : i32 to index
        %swap3A_864 = arith.constant 176 : index
        %swap3A_865 = tpu.vector_load %arg6[%swap3A_862, %swap3A_863, %swap3A_864] {strides = array<i32>} : memref<2x128x256xf32, #tpu.memory_space<vmem>>, vector<1x1x16xf32>,
        %swap3A_866 = vector.shape_cast %swap3A_865 : vector<1x1x16xf32> to vector<16xf32>
        %swap3A_867 = vector.shape_cast %get3A_442 : vector<16xf32> to vector<1x1x16xf32>
        tpu.vector_store %arg6[%swap3A_862, %swap3A_863, %swap3A_864], %swap3A_867 {strides = array<i32>} : memref<2x128x256xf32, #tpu.memory_space<vmem>>, vector<1x1x16xf32>,
        %swap3A_868 = arith.constant 0 : i32
        %swap3A_869 = arith.index_cast %swap3A_868 : i32 to index
        %swap3A_870 = arith.index_cast %add3A_783 : i32 to index
        %swap3A_871 = arith.constant 192 : index
        %swap3A_872 = tpu.vector_load %arg6[%swap3A_869, %swap3A_870, %swap3A_871] {strides = array<i32>} : memref<2x128x256xf32, #tpu.memory_space<vmem>>, vector<1x1x16xf32>,
        %swap3A_873 = vector.shape_cast %swap3A_872 : vector<1x1x16xf32> to vector<16xf32>
        %swap3A_874 = vector.shape_cast %get3A_447 : vector<16xf32> to vector<1x1x16xf32>
        tpu.vector_store %arg6[%swap3A_869, %swap3A_870, %swap3A_871], %swap3A_874 {strides = array<i32>} : memref<2x128x256xf32, #tpu.memory_space<vmem>>, vector<1x1x16xf32>,
        %swap3A_875 = arith.constant 0 : i32
        %swap3A_876 = arith.index_cast %swap3A_875 : i32 to index
        %swap3A_877 = arith.index_cast %add3A_783 : i32 to index
        %swap3A_878 = arith.constant 208 : index
        %swap3A_879 = tpu.vector_load %arg6[%swap3A_876, %swap3A_877, %swap3A_878] {strides = array<i32>} : memref<2x128x256xf32, #tpu.memory_space<vmem>>, vector<1x1x16xf32>,
        %swap3A_880 = vector.shape_cast %swap3A_879 : vector<1x1x16xf32> to vector<16xf32>
        %swap3A_881 = vector.shape_cast %get3A_452 : vector<16xf32> to vector<1x1x16xf32>
        tpu.vector_store %arg6[%swap3A_876, %swap3A_877, %swap3A_878], %swap3A_881 {strides = array<i32>} : memref<2x128x256xf32, #tpu.memory_space<vmem>>, vector<1x1x16xf32>,
        %swap3A_882 = arith.constant 0 : i32
        %swap3A_883 = arith.index_cast %swap3A_882 : i32 to index
        %swap3A_884 = arith.index_cast %add3A_783 : i32 to index
        %swap3A_885 = arith.constant 224 : index
        %swap3A_886 = tpu.vector_load %arg6[%swap3A_883, %swap3A_884, %swap3A_885] {strides = array<i32>} : memref<2x128x256xf32, #tpu.memory_space<vmem>>, vector<1x1x16xf32>,
        %swap3A_887 = vector.shape_cast %swap3A_886 : vector<1x1x16xf32> to vector<16xf32>
        %swap3A_888 = vector.shape_cast %get3A_457 : vector<16xf32> to vector<1x1x16xf32>
        tpu.vector_store %arg6[%swap3A_883, %swap3A_884, %swap3A_885], %swap3A_888 {strides = array<i32>} : memref<2x128x256xf32, #tpu.memory_space<vmem>>, vector<1x1x16xf32>,
        %swap3A_889 = arith.constant 0 : i32
        %swap3A_890 = arith.index_cast %swap3A_889 : i32 to index
        %swap3A_891 = arith.index_cast %add3A_783 : i32 to index
        %swap3A_892 = arith.constant 240 : index
        %swap3A_893 = tpu.vector_load %arg6[%swap3A_890, %swap3A_891, %swap3A_892] {strides = array<i32>} : memref<2x128x256xf32, #tpu.memory_space<vmem>>, vector<1x1x16xf32>,
        %swap3A_894 = vector.shape_cast %swap3A_893 : vector<1x1x16xf32> to vector<16xf32>
        %swap3A_895 = vector.shape_cast %get3A_462 : vector<16xf32> to vector<1x1x16xf32>
        tpu.vector_store %arg6[%swap3A_890, %swap3A_891, %swap3A_892], %swap3A_895 {strides = array<i32>} : memref<2x128x256xf32, #tpu.memory_space<vmem>>, vector<1x1x16xf32>,
        %mul3A_896 = arith.constant 4 : i32
        %mul3A_897 = arith.muli %scan3A_205, %mul3A_896 : i32
        %add3A_898 = arith.constant 3 : i32
        %add3A_899 = arith.addi %mul3A_897, %add3A_898 : i32
        %swap3A_900 = arith.constant 0 : i32
        %swap3A_901 = arith.index_cast %swap3A_900 : i32 to index
        %swap3A_902 = arith.index_cast %add3A_899 : i32 to index
        %swap3A_903 = arith.constant 0 : index
        %swap3A_904 = tpu.vector_load %arg6[%swap3A_901, %swap3A_902, %swap3A_903] {strides = array<i32>} : memref<2x128x256xf32, #tpu.memory_space<vmem>>, vector<1x1x16xf32>,
        %swap3A_905 = vector.shape_cast %swap3A_904 : vector<1x1x16xf32> to vector<16xf32>
        %swap3A_906 = vector.shape_cast %get3A_473 : vector<16xf32> to vector<1x1x16xf32>
        tpu.vector_store %arg6[%swap3A_901, %swap3A_902, %swap3A_903], %swap3A_906 {strides = array<i32>} : memref<2x128x256xf32, #tpu.memory_space<vmem>>, vector<1x1x16xf32>,
        %swap3A_907 = arith.constant 0 : i32
        %swap3A_908 = arith.index_cast %swap3A_907 : i32 to index
        %swap3A_909 = arith.index_cast %add3A_899 : i32 to index
        %swap3A_910 = arith.constant 16 : index
        %swap3A_911 = tpu.vector_load %arg6[%swap3A_908, %swap3A_909, %swap3A_910] {strides = array<i32>} : memref<2x128x256xf32, #tpu.memory_space<vmem>>, vector<1x1x16xf32>,
        %swap3A_912 = vector.shape_cast %swap3A_911 : vector<1x1x16xf32> to vector<16xf32>
        %swap3A_913 = vector.shape_cast %get3A_478 : vector<16xf32> to vector<1x1x16xf32>
        tpu.vector_store %arg6[%swap3A_908, %swap3A_909, %swap3A_910], %swap3A_913 {strides = array<i32>} : memref<2x128x256xf32, #tpu.memory_space<vmem>>, vector<1x1x16xf32>,
        %swap3A_914 = arith.constant 0 : i32
        %swap3A_915 = arith.index_cast %swap3A_914 : i32 to index
        %swap3A_916 = arith.index_cast %add3A_899 : i32 to index
        %swap3A_917 = arith.constant 32 : index
        %swap3A_918 = tpu.vector_load %arg6[%swap3A_915, %swap3A_916, %swap3A_917] {strides = array<i32>} : memref<2x128x256xf32, #tpu.memory_space<vmem>>, vector<1x1x16xf32>,
        %swap3A_919 = vector.shape_cast %swap3A_918 : vector<1x1x16xf32> to vector<16xf32>
        %swap3A_920 = vector.shape_cast %get3A_483 : vector<16xf32> to vector<1x1x16xf32>
        tpu.vector_store %arg6[%swap3A_915, %swap3A_916, %swap3A_917], %swap3A_920 {strides = array<i32>} : memref<2x128x256xf32, #tpu.memory_space<vmem>>, vector<1x1x16xf32>,
        %swap3A_921 = arith.constant 0 : i32
        %swap3A_922 = arith.index_cast %swap3A_921 : i32 to index
        %swap3A_923 = arith.index_cast %add3A_899 : i32 to index
        %swap3A_924 = arith.constant 48 : index
        %swap3A_925 = tpu.vector_load %arg6[%swap3A_922, %swap3A_923, %swap3A_924] {strides = array<i32>} : memref<2x128x256xf32, #tpu.memory_space<vmem>>, vector<1x1x16xf32>,
        %swap3A_926 = vector.shape_cast %swap3A_925 : vector<1x1x16xf32> to vector<16xf32>
        %swap3A_927 = vector.shape_cast %get3A_488 : vector<16xf32> to vector<1x1x16xf32>
        tpu.vector_store %arg6[%swap3A_922, %swap3A_923, %swap3A_924], %swap3A_927 {strides = array<i32>} : memref<2x128x256xf32, #tpu.memory_space<vmem>>, vector<1x1x16xf32>,
        %swap3A_928 = arith.constant 0 : i32
        %swap3A_929 = arith.index_cast %swap3A_928 : i32 to index
        %swap3A_930 = arith.index_cast %add3A_899 : i32 to index
        %swap3A_931 = arith.constant 64 : index
        %swap3A_932 = tpu.vector_load %arg6[%swap3A_929, %swap3A_930, %swap3A_931] {strides = array<i32>} : memref<2x128x256xf32, #tpu.memory_space<vmem>>, vector<1x1x16xf32>,
        %swap3A_933 = vector.shape_cast %swap3A_932 : vector<1x1x16xf32> to vector<16xf32>
        %swap3A_934 = vector.shape_cast %get3A_493 : vector<16xf32> to vector<1x1x16xf32>
        tpu.vector_store %arg6[%swap3A_929, %swap3A_930, %swap3A_931], %swap3A_934 {strides = array<i32>} : memref<2x128x256xf32, #tpu.memory_space<vmem>>, vector<1x1x16xf32>,
        %swap3A_935 = arith.constant 0 : i32
        %swap3A_936 = arith.index_cast %swap3A_935 : i32 to index
        %swap3A_937 = arith.index_cast %add3A_899 : i32 to index
        %swap3A_938 = arith.constant 80 : index
        %swap3A_939 = tpu.vector_load %arg6[%swap3A_936, %swap3A_937, %swap3A_938] {strides = array<i32>} : memref<2x128x256xf32, #tpu.memory_space<vmem>>, vector<1x1x16xf32>,
        %swap3A_940 = vector.shape_cast %swap3A_939 : vector<1x1x16xf32> to vector<16xf32>
        %swap3A_941 = vector.shape_cast %get3A_498 : vector<16xf32> to vector<1x1x16xf32>
        tpu.vector_store %arg6[%swap3A_936, %swap3A_937, %swap3A_938], %swap3A_941 {strides = array<i32>} : memref<2x128x256xf32, #tpu.memory_space<vmem>>, vector<1x1x16xf32>,
        %swap3A_942 = arith.constant 0 : i32
        %swap3A_943 = arith.index_cast %swap3A_942 : i32 to index
        %swap3A_944 = arith.index_cast %add3A_899 : i32 to index
        %swap3A_945 = arith.constant 96 : index
        %swap3A_946 = tpu.vector_load %arg6[%swap3A_943, %swap3A_944, %swap3A_945] {strides = array<i32>} : memref<2x128x256xf32, #tpu.memory_space<vmem>>, vector<1x1x16xf32>,
        %swap3A_947 = vector.shape_cast %swap3A_946 : vector<1x1x16xf32> to vector<16xf32>
        %swap3A_948 = vector.shape_cast %get3A_503 : vector<16xf32> to vector<1x1x16xf32>
        tpu.vector_store %arg6[%swap3A_943, %swap3A_944, %swap3A_945], %swap3A_948 {strides = array<i32>} : memref<2x128x256xf32, #tpu.memory_space<vmem>>, vector<1x1x16xf32>,
        %swap3A_949 = arith.constant 0 : i32
        %swap3A_950 = arith.index_cast %swap3A_949 : i32 to index
        %swap3A_951 = arith.index_cast %add3A_899 : i32 to index
        %swap3A_952 = arith.constant 112 : index
        %swap3A_953 = tpu.vector_load %arg6[%swap3A_950, %swap3A_951, %swap3A_952] {strides = array<i32>} : memref<2x128x256xf32, #tpu.memory_space<vmem>>, vector<1x1x16xf32>,
        %swap3A_954 = vector.shape_cast %swap3A_953 : vector<1x1x16xf32> to vector<16xf32>
        %swap3A_955 = vector.shape_cast %get3A_508 : vector<16xf32> to vector<1x1x16xf32>
        tpu.vector_store %arg6[%swap3A_950, %swap3A_951, %swap3A_952], %swap3A_955 {strides = array<i32>} : memref<2x128x256xf32, #tpu.memory_space<vmem>>, vector<1x1x16xf32>,
        %swap3A_956 = arith.constant 0 : i32
        %swap3A_957 = arith.index_cast %swap3A_956 : i32 to index
        %swap3A_958 = arith.index_cast %add3A_899 : i32 to index
        %swap3A_959 = arith.constant 128 : index
        %swap3A_960 = tpu.vector_load %arg6[%swap3A_957, %swap3A_958, %swap3A_959] {strides = array<i32>} : memref<2x128x256xf32, #tpu.memory_space<vmem>>, vector<1x1x16xf32>,
        %swap3A_961 = vector.shape_cast %swap3A_960 : vector<1x1x16xf32> to vector<16xf32>
        %swap3A_962 = vector.shape_cast %get3A_513 : vector<16xf32> to vector<1x1x16xf32>
        tpu.vector_store %arg6[%swap3A_957, %swap3A_958, %swap3A_959], %swap3A_962 {strides = array<i32>} : memref<2x128x256xf32, #tpu.memory_space<vmem>>, vector<1x1x16xf32>,
        %swap3A_963 = arith.constant 0 : i32
        %swap3A_964 = arith.index_cast %swap3A_963 : i32 to index
        %swap3A_965 = arith.index_cast %add3A_899 : i32 to index
        %swap3A_966 = arith.constant 144 : index
        %swap3A_967 = tpu.vector_load %arg6[%swap3A_964, %swap3A_965, %swap3A_966] {strides = array<i32>} : memref<2x128x256xf32, #tpu.memory_space<vmem>>, vector<1x1x16xf32>,
        %swap3A_968 = vector.shape_cast %swap3A_967 : vector<1x1x16xf32> to vector<16xf32>
        %swap3A_969 = vector.shape_cast %get3A_518 : vector<16xf32> to vector<1x1x16xf32>
        tpu.vector_store %arg6[%swap3A_964, %swap3A_965, %swap3A_966], %swap3A_969 {strides = array<i32>} : memref<2x128x256xf32, #tpu.memory_space<vmem>>, vector<1x1x16xf32>,
        %swap3A_970 = arith.constant 0 : i32
        %swap3A_971 = arith.index_cast %swap3A_970 : i32 to index
        %swap3A_972 = arith.index_cast %add3A_899 : i32 to index
        %swap3A_973 = arith.constant 160 : index
        %swap3A_974 = tpu.vector_load %arg6[%swap3A_971, %swap3A_972, %swap3A_973] {strides = array<i32>} : memref<2x128x256xf32, #tpu.memory_space<vmem>>, vector<1x1x16xf32>,
        %swap3A_975 = vector.shape_cast %swap3A_974 : vector<1x1x16xf32> to vector<16xf32>
        %swap3A_976 = vector.shape_cast %get3A_523 : vector<16xf32> to vector<1x1x16xf32>
        tpu.vector_store %arg6[%swap3A_971, %swap3A_972, %swap3A_973], %swap3A_976 {strides = array<i32>} : memref<2x128x256xf32, #tpu.memory_space<vmem>>, vector<1x1x16xf32>,
        %swap3A_977 = arith.constant 0 : i32
        %swap3A_978 = arith.index_cast %swap3A_977 : i32 to index
        %swap3A_979 = arith.index_cast %add3A_899 : i32 to index
        %swap3A_980 = arith.constant 176 : index
        %swap3A_981 = tpu.vector_load %arg6[%swap3A_978, %swap3A_979, %swap3A_980] {strides = array<i32>} : memref<2x128x256xf32, #tpu.memory_space<vmem>>, vector<1x1x16xf32>,
        %swap3A_982 = vector.shape_cast %swap3A_981 : vector<1x1x16xf32> to vector<16xf32>
        %swap3A_983 = vector.shape_cast %get3A_528 : vector<16xf32> to vector<1x1x16xf32>
        tpu.vector_store %arg6[%swap3A_978, %swap3A_979, %swap3A_980], %swap3A_983 {strides = array<i32>} : memref<2x128x256xf32, #tpu.memory_space<vmem>>, vector<1x1x16xf32>,
        %swap3A_984 = arith.constant 0 : i32
        %swap3A_985 = arith.index_cast %swap3A_984 : i32 to index
        %swap3A_986 = arith.index_cast %add3A_899 : i32 to index
        %swap3A_987 = arith.constant 192 : index
        %swap3A_988 = tpu.vector_load %arg6[%swap3A_985, %swap3A_986, %swap3A_987] {strides = array<i32>} : memref<2x128x256xf32, #tpu.memory_space<vmem>>, vector<1x1x16xf32>,
        %swap3A_989 = vector.shape_cast %swap3A_988 : vector<1x1x16xf32> to vector<16xf32>
        %swap3A_990 = vector.shape_cast %get3A_533 : vector<16xf32> to vector<1x1x16xf32>
        tpu.vector_store %arg6[%swap3A_985, %swap3A_986, %swap3A_987], %swap3A_990 {strides = array<i32>} : memref<2x128x256xf32, #tpu.memory_space<vmem>>, vector<1x1x16xf32>,
        %swap3A_991 = arith.constant 0 : i32
        %swap3A_992 = arith.index_cast %swap3A_991 : i32 to index
        %swap3A_993 = arith.index_cast %add3A_899 : i32 to index
        %swap3A_994 = arith.constant 208 : index
        %swap3A_995 = tpu.vector_load %arg6[%swap3A_992, %swap3A_993, %swap3A_994] {strides = array<i32>} : memref<2x128x256xf32, #tpu.memory_space<vmem>>, vector<1x1x16xf32>,
        %swap3A_996 = vector.shape_cast %swap3A_995 : vector<1x1x16xf32> to vector<16xf32>
        %swap3A_997 = vector.shape_cast %get3A_538 : vector<16xf32> to vector<1x1x16xf32>
        tpu.vector_store %arg6[%swap3A_992, %swap3A_993, %swap3A_994], %swap3A_997 {strides = array<i32>} : memref<2x128x256xf32, #tpu.memory_space<vmem>>, vector<1x1x16xf32>,
        %swap3A_998 = arith.constant 0 : i32
        %swap3A_999 = arith.index_cast %swap3A_998 : i32 to index
        %swap3A_1000 = arith.index_cast %add3A_899 : i32 to index
        %swap3A_1001 = arith.constant 224 : index
        %swap3A_1002 = tpu.vector_load %arg6[%swap3A_999, %swap3A_1000, %swap3A_1001] {strides = array<i32>} : memref<2x128x256xf32, #tpu.memory_space<vmem>>, vector<1x1x16xf32>,
        %swap3A_1003 = vector.shape_cast %swap3A_1002 : vector<1x1x16xf32> to vector<16xf32>
        %swap3A_1004 = vector.shape_cast %get3A_543 : vector<16xf32> to vector<1x1x16xf32>
        tpu.vector_store %arg6[%swap3A_999, %swap3A_1000, %swap3A_1001], %swap3A_1004 {strides = array<i32>} : memref<2x128x256xf32, #tpu.memory_space<vmem>>, vector<1x1x16xf32>,
        %swap3A_1005 = arith.constant 0 : i32
        %swap3A_1006 = arith.index_cast %swap3A_1005 : i32 to index
        %swap3A_1007 = arith.index_cast %add3A_899 : i32 to index
        %swap3A_1008 = arith.constant 240 : index
        %swap3A_1009 = tpu.vector_load %arg6[%swap3A_1006, %swap3A_1007, %swap3A_1008] {strides = array<i32>} : memref<2x128x256xf32, #tpu.memory_space<vmem>>, vector<1x1x16xf32>,
        %swap3A_1010 = vector.shape_cast %swap3A_1009 : vector<1x1x16xf32> to vector<16xf32>
        %swap3A_1011 = vector.shape_cast %get3A_548 : vector<16xf32> to vector<1x1x16xf32>
        tpu.vector_store %arg6[%swap3A_1006, %swap3A_1007, %swap3A_1008], %swap3A_1011 {strides = array<i32>} : memref<2x128x256xf32, #tpu.memory_space<vmem>>, vector<1x1x16xf32>,
      }
      %scan3A_109 = arith.constant 32 : i32
      %mul3A_110 = arith.constant 128 : i32
      %mul3A_111 = arith.muli %add3A_84, %mul3A_110 : i32
      %add3A_112 = arith.addi %mul3A_2, %mul3A_111 : i32
      %dma_start3A_113 = arith.constant 0 : i32
      %dma_start3A_114 = arith.constant 0 : i32
      %dma_start3A_115 = arith.constant 0 : i32
      %dma_start3A_116 = tpu.memref_slice %arg6[%dma_start3A_113, %dma_start3A_114, %dma_start3A_115] : memref<2x128x256xf32, #tpu.memory_space<vmem>> -> memref<1x128x256xf32, #tpu.memory_space<vmem>>
      %dma_start3A_117 = tpu.memref_squeeze %dma_start3A_116 : memref<1x128x256xf32, #tpu.memory_space<vmem>> -> memref<128x256xf32, #tpu.memory_space<vmem>>
      %dma_start3A_118 = arith.constant 0 : i32
      %dma_start3A_119 = tpu.memref_slice %arg4[%add3A_112, %dma_start3A_118] : memref<3276800x256xf32, #tpu.memory_space<hbm>> -> memref<128x256xf32, #tpu.memory_space<hbm>>
      %dma_start3A_120 = arith.constant 0 : i32
      %dma_start3A_121 = tpu.memref_slice %arg4[%add3A_112, %dma_start3A_120] : memref<3276800x256xf32, #tpu.memory_space<hbm>> -> memref<128x256xf32, #tpu.memory_space<hbm>>
      %dma_start3A_122 = arith.constant 0 : i32
      %dma_start3A_123 = arith.constant 0 : i32
      %dma_start3A_124 = tpu.memref_slice %arg6[%dma_start3A_113, %dma_start3A_122, %dma_start3A_123] : memref<2x128x256xf32, #tpu.memory_space<vmem>> -> memref<1x128x256xf32, #tpu.memory_space<vmem>>
      %dma_start3A_125 = tpu.memref_squeeze %dma_start3A_124 : memref<1x128x256xf32, #tpu.memory_space<vmem>> -> memref<128x256xf32, #tpu.memory_space<vmem>>
      tpu.enqueue_dma source(%dma_start3A_125 : memref<128x256xf32, #tpu.memory_space<vmem>>) target(%dma_start3A_121 : memref<128x256xf32, #tpu.memory_space<hbm>>) target_semaphore(%arg11 : memref<!tpu.dma_semaphore, #tpu.memory_space<semaphore_mem>>)
      %add3A_126 = arith.constant 2 : i32
      %add3A_127 = arith.addi %add3A_84, %add3A_126 : i32
      %min3A = arith.constant 799 : i32
      %min3A_128 = arith.minsi %add3A_127, %min3A : i32
      %mul3A_129 = arith.constant 128 : i32
      %mul3A_130 = arith.muli %min3A_128, %mul3A_129 : i32
      %add3A_131 = arith.addi %mul3A_2, %mul3A_130 : i32
      %dma_start3A_132 = arith.constant 0 : i32
      %dma_start3A_133 = arith.constant 0 : i32
      %dma_start3A_134 = tpu.memref_slice %arg5[%dma_start3A_132, %dma_start3A_133] : memref<2x128xi32, #tpu.memory_space<vmem>> -> memref<1x128xi32, #tpu.memory_space<vmem>>
      %dma_start3A_135 = tpu.memref_squeeze %dma_start3A_134 : memref<1x128xi32, #tpu.memory_space<vmem>> -> memref<128xi32, #tpu.memory_space<vmem>>
      %dma_start3A_136 = tpu.memref_slice %arg2[%add3A_131] : memref<3276800xi32, #tpu.memory_space<hbm>> -> memref<128xi32, #tpu.memory_space<hbm>>
      %dma_start3A_137 = arith.constant 0 : i32
      %dma_start3A_138 = tpu.memref_slice %arg5[%dma_start3A_132, %dma_start3A_137] : memref<2x128xi32, #tpu.memory_space<vmem>> -> memref<1x128xi32, #tpu.memory_space<vmem>>
      %dma_start3A_139 = tpu.memref_squeeze %dma_start3A_138 : memref<1x128xi32, #tpu.memory_space<vmem>> -> memref<128xi32, #tpu.memory_space<vmem>>
      %dma_start3A_140 = tpu.memref_slice %arg2[%add3A_131] : memref<3276800xi32, #tpu.memory_space<hbm>> -> memref<128xi32, #tpu.memory_space<hbm>>
      tpu.enqueue_dma source(%dma_start3A_140 : memref<128xi32, #tpu.memory_space<hbm>>) target(%dma_start3A_139 : memref<128xi32, #tpu.memory_space<vmem>>) target_semaphore(%arg9 : memref<!tpu.dma_semaphore, #tpu.memory_space<semaphore_mem>>)
      %mul3A_141 = arith.constant 2 : i32
      %mul3A_142 = arith.muli %scan3A_80, %mul3A_141 : i32
      %add3A_143 = arith.constant 1 : i32
      %add3A_144 = arith.addi %mul3A_142, %add3A_143 : i32
      %gt3A_145 = arith.constant 0 : i32
      %gt3A_146 = arith.cmpi sgt, %scan3A_80, %gt3A_145 : i32
      %convert_element_type3A_147 = arith.extui %gt3A_146 : i1 to i32
      %cond3A_148 = arith.constant 0 : i32
      %cond3A_149 = arith.cmpi ne, %convert_element_type3A_147, %cond3A_148 : i32
      scf.if %cond3A_149 {
        %add3A_205 = arith.constant 0 : i32
        %add3A_206 = arith.addi %mul3A_2, %add3A_205 : i32
        %dma_wait3A_207 = arith.constant 1 : i32
        %dma_wait3A_208 = arith.constant 0 : i32
        %dma_wait3A_209 = arith.constant 0 : i32
        %dma_wait3A_210 = tpu.memref_slice %arg6[%dma_wait3A_207, %dma_wait3A_208, %dma_wait3A_209] : memref<2x128x256xf32, #tpu.memory_space<vmem>> -> memref<1x128x256xf32, #tpu.memory_space<vmem>>
        %dma_wait3A_211 = tpu.memref_squeeze %dma_wait3A_210 : memref<1x128x256xf32, #tpu.memory_space<vmem>> -> memref<128x256xf32, #tpu.memory_space<vmem>>
        %dma_wait3A_212 = arith.constant 0 : i32
        %dma_wait3A_213 = tpu.memref_slice %arg4[%add3A_206, %dma_wait3A_212] : memref<3276800x256xf32, #tpu.memory_space<hbm>> -> memref<128x256xf32, #tpu.memory_space<hbm>>
        %dma_wait3A_214 = arith.constant 0 : i32
        %dma_wait3A_215 = tpu.memref_slice %arg4[%add3A_206, %dma_wait3A_214] : memref<3276800x256xf32, #tpu.memory_space<hbm>> -> memref<128x256xf32, #tpu.memory_space<hbm>>
        %dma_wait3A_216 = arith.constant 0 : i32
        %dma_wait3A_217 = arith.constant 0 : i32
        %dma_wait3A_218 = tpu.memref_slice %arg6[%dma_wait3A_207, %dma_wait3A_216, %dma_wait3A_217] : memref<2x128x256xf32, #tpu.memory_space<vmem>> -> memref<1x128x256xf32, #tpu.memory_space<vmem>>
        %dma_wait3A_219 = tpu.memref_squeeze %dma_wait3A_218 : memref<1x128x256xf32, #tpu.memory_space<vmem>> -> memref<128x256xf32, #tpu.memory_space<vmem>>
        tpu.wait_dma2 semaphore(%arg12 : memref<!tpu.dma_semaphore, #tpu.memory_space<semaphore_mem>>) src(%dma_wait3A_219 : memref<128x256xf32, #tpu.memory_space<vmem>>) dst(%dma_wait3A_215 : memref<128x256xf32, #tpu.memory_space<hbm>>)
      } else {
      }
      %add3A_150 = arith.constant 0 : i32
      %add3A_151 = arith.addi %mul3A_2, %add3A_150 : i32
      %dma_wait3A_152 = arith.constant 1 : i32
      %dma_wait3A_153 = arith.constant 0 : i32
      %dma_wait3A_154 = tpu.memref_slice %arg5[%dma_wait3A_152, %dma_wait3A_153] : memref<2x128xi32, #tpu.memory_space<vmem>> -> memref<1x128xi32, #tpu.memory_space<vmem>>
      %dma_wait3A_155 = tpu.memref_squeeze %dma_wait3A_154 : memref<1x128xi32, #tpu.memory_space<vmem>> -> memref<128xi32, #tpu.memory_space<vmem>>
      %dma_wait3A_156 = tpu.memref_slice %arg2[%add3A_151] : memref<3276800xi32, #tpu.memory_space<hbm>> -> memref<128xi32, #tpu.memory_space<hbm>>
      %dma_wait3A_157 = arith.constant 0 : i32
      %dma_wait3A_158 = tpu.memref_slice %arg5[%dma_wait3A_152, %dma_wait3A_157] : memref<2x128xi32, #tpu.memory_space<vmem>> -> memref<1x128xi32, #tpu.memory_space<vmem>>
      %dma_wait3A_159 = tpu.memref_squeeze %dma_wait3A_158 : memref<1x128xi32, #tpu.memory_space<vmem>> -> memref<128xi32, #tpu.memory_space<vmem>>
      %dma_wait3A_160 = tpu.memref_slice %arg2[%add3A_151] : memref<3276800xi32, #tpu.memory_space<hbm>> -> memref<128xi32, #tpu.memory_space<hbm>>
      tpu.wait_dma2 semaphore(%arg10 : memref<!tpu.dma_semaphore, #tpu.memory_space<semaphore_mem>>) src(%dma_wait3A_160 : memref<128xi32, #tpu.memory_space<hbm>>) dst(%dma_wait3A_159 : memref<128xi32, #tpu.memory_space<vmem>>)
      %scan3A_161 = arith.constant 0 : i32
      %scan3A_162 = arith.constant 0 : i32
      %scan3A_163 = arith.constant 8 : i32
      %scan3A_164 = arith.addi %scan3A_162, %scan3A_163 : i32
      %scan3A_165 = arith.constant 1 : i32
      scf.for %scan3A_205 = %scan3A_162 to %scan3A_164 step %scan3A_165  : i32 {
        %mul3A_206 = arith.constant 16 : i32
        %mul3A_207 = arith.muli %scan3A_205, %mul3A_206 : i32
        %get3A = arith.constant 1 : i32
        %get3A_208 = arith.index_cast %get3A : i32 to index
        %get3A_209 = arith.index_cast %mul3A_207 : i32 to index
        %get3A_210 = tpu.vector_load %arg5[%get3A_208, %get3A_209] {strides = array<i32>} : memref<2x128xi32, #tpu.memory_space<vmem>>, vector<1x16xi32>,
        %get3A_211 = vector.shape_cast %get3A_210 : vector<1x16xi32> to vector<16xi32>
        %mul3A_212 = arith.constant 256 : i32
        %mul3A_213 = vector.broadcast %mul3A_212 : i32 to vector<16xi32>
        %mul3A_214 = arith.muli %get3A_211, %mul3A_213 : vector<16xi32>
        %slice3A = vector.extract_strided_slice %mul3A_214 {offsets = [0], sizes = [1], strides = [1]} : vector<16xi32> to vector<1xi32>
        %squeeze3A = vector.extract %slice3A[0] : i32 from vector<1xi32>
        %mul3A_215 = arith.constant 16 : i32
        %mul3A_216 = arith.muli %scan3A_205, %mul3A_215 : i32
        %add3A_217 = arith.constant 0 : i32
        %add3A_218 = arith.addi %mul3A_216, %add3A_217 : i32
        %swap3A = arith.index_cast %add3A_218 : i32 to index
        %swap3A_219 = memref.load %arg8[%swap3A] : memref<128xi32, #tpu.memory_space<smem>>
        memref.store %squeeze3A, %arg8[%swap3A] : memref<128xi32, #tpu.memory_space<smem>>
        %slice3A_220 = vector.extract_strided_slice %mul3A_214 {offsets = [1], sizes = [1], strides = [1]} : vector<16xi32> to vector<1xi32>
        %squeeze3A_221 = vector.extract %slice3A_220[0] : i32 from vector<1xi32>
        %mul3A_222 = arith.constant 16 : i32
        %mul3A_223 = arith.muli %scan3A_205, %mul3A_222 : i32
        %add3A_224 = arith.constant 1 : i32
        %add3A_225 = arith.addi %mul3A_223, %add3A_224 : i32
        %swap3A_226 = arith.index_cast %add3A_225 : i32 to index
        %swap3A_227 = memref.load %arg8[%swap3A_226] : memref<128xi32, #tpu.memory_space<smem>>
        memref.store %squeeze3A_221, %arg8[%swap3A_226] : memref<128xi32, #tpu.memory_space<smem>>
        %slice3A_228 = vector.extract_strided_slice %mul3A_214 {offsets = [2], sizes = [1], strides = [1]} : vector<16xi32> to vector<1xi32>
        %squeeze3A_229 = vector.extract %slice3A_228[0] : i32 from vector<1xi32>
        %mul3A_230 = arith.constant 16 : i32
        %mul3A_231 = arith.muli %scan3A_205, %mul3A_230 : i32
        %add3A_232 = arith.constant 2 : i32
        %add3A_233 = arith.addi %mul3A_231, %add3A_232 : i32
        %swap3A_234 = arith.index_cast %add3A_233 : i32 to index
        %swap3A_235 = memref.load %arg8[%swap3A_234] : memref<128xi32, #tpu.memory_space<smem>>
        memref.store %squeeze3A_229, %arg8[%swap3A_234] : memref<128xi32, #tpu.memory_space<smem>>
        %slice3A_236 = vector.extract_strided_slice %mul3A_214 {offsets = [3], sizes = [1], strides = [1]} : vector<16xi32> to vector<1xi32>
        %squeeze3A_237 = vector.extract %slice3A_236[0] : i32 from vector<1xi32>
        %mul3A_238 = arith.constant 16 : i32
        %mul3A_239 = arith.muli %scan3A_205, %mul3A_238 : i32
        %add3A_240 = arith.constant 3 : i32
        %add3A_241 = arith.addi %mul3A_239, %add3A_240 : i32
        %swap3A_242 = arith.index_cast %add3A_241 : i32 to index
        %swap3A_243 = memref.load %arg8[%swap3A_242] : memref<128xi32, #tpu.memory_space<smem>>
        memref.store %squeeze3A_237, %arg8[%swap3A_242] : memref<128xi32, #tpu.memory_space<smem>>
        %slice3A_244 = vector.extract_strided_slice %mul3A_214 {offsets = [4], sizes = [1], strides = [1]} : vector<16xi32> to vector<1xi32>
        %squeeze3A_245 = vector.extract %slice3A_244[0] : i32 from vector<1xi32>
        %mul3A_246 = arith.constant 16 : i32
        %mul3A_247 = arith.muli %scan3A_205, %mul3A_246 : i32
        %add3A_248 = arith.constant 4 : i32
        %add3A_249 = arith.addi %mul3A_247, %add3A_248 : i32
        %swap3A_250 = arith.index_cast %add3A_249 : i32 to index
        %swap3A_251 = memref.load %arg8[%swap3A_250] : memref<128xi32, #tpu.memory_space<smem>>
        memref.store %squeeze3A_245, %arg8[%swap3A_250] : memref<128xi32, #tpu.memory_space<smem>>
        %slice3A_252 = vector.extract_strided_slice %mul3A_214 {offsets = [5], sizes = [1], strides = [1]} : vector<16xi32> to vector<1xi32>
        %squeeze3A_253 = vector.extract %slice3A_252[0] : i32 from vector<1xi32>
        %mul3A_254 = arith.constant 16 : i32
        %mul3A_255 = arith.muli %scan3A_205, %mul3A_254 : i32
        %add3A_256 = arith.constant 5 : i32
        %add3A_257 = arith.addi %mul3A_255, %add3A_256 : i32
        %swap3A_258 = arith.index_cast %add3A_257 : i32 to index
        %swap3A_259 = memref.load %arg8[%swap3A_258] : memref<128xi32, #tpu.memory_space<smem>>
        memref.store %squeeze3A_253, %arg8[%swap3A_258] : memref<128xi32, #tpu.memory_space<smem>>
        %slice3A_260 = vector.extract_strided_slice %mul3A_214 {offsets = [6], sizes = [1], strides = [1]} : vector<16xi32> to vector<1xi32>
        %squeeze3A_261 = vector.extract %slice3A_260[0] : i32 from vector<1xi32>
        %mul3A_262 = arith.constant 16 : i32
        %mul3A_263 = arith.muli %scan3A_205, %mul3A_262 : i32
        %add3A_264 = arith.constant 6 : i32
        %add3A_265 = arith.addi %mul3A_263, %add3A_264 : i32
        %swap3A_266 = arith.index_cast %add3A_265 : i32 to index
        %swap3A_267 = memref.load %arg8[%swap3A_266] : memref<128xi32, #tpu.memory_space<smem>>
        memref.store %squeeze3A_261, %arg8[%swap3A_266] : memref<128xi32, #tpu.memory_space<smem>>
        %slice3A_268 = vector.extract_strided_slice %mul3A_214 {offsets = [7], sizes = [1], strides = [1]} : vector<16xi32> to vector<1xi32>
        %squeeze3A_269 = vector.extract %slice3A_268[0] : i32 from vector<1xi32>
        %mul3A_270 = arith.constant 16 : i32
        %mul3A_271 = arith.muli %scan3A_205, %mul3A_270 : i32
        %add3A_272 = arith.constant 7 : i32
        %add3A_273 = arith.addi %mul3A_271, %add3A_272 : i32
        %swap3A_274 = arith.index_cast %add3A_273 : i32 to index
        %swap3A_275 = memref.load %arg8[%swap3A_274] : memref<128xi32, #tpu.memory_space<smem>>
        memref.store %squeeze3A_269, %arg8[%swap3A_274] : memref<128xi32, #tpu.memory_space<smem>>
        %slice3A_276 = vector.extract_strided_slice %mul3A_214 {offsets = [8], sizes = [1], strides = [1]} : vector<16xi32> to vector<1xi32>
        %squeeze3A_277 = vector.extract %slice3A_276[0] : i32 from vector<1xi32>
        %mul3A_278 = arith.constant 16 : i32
        %mul3A_279 = arith.muli %scan3A_205, %mul3A_278 : i32
        %add3A_280 = arith.constant 8 : i32
        %add3A_281 = arith.addi %mul3A_279, %add3A_280 : i32
        %swap3A_282 = arith.index_cast %add3A_281 : i32 to index
        %swap3A_283 = memref.load %arg8[%swap3A_282] : memref<128xi32, #tpu.memory_space<smem>>
        memref.store %squeeze3A_277, %arg8[%swap3A_282] : memref<128xi32, #tpu.memory_space<smem>>
        %slice3A_284 = vector.extract_strided_slice %mul3A_214 {offsets = [9], sizes = [1], strides = [1]} : vector<16xi32> to vector<1xi32>
        %squeeze3A_285 = vector.extract %slice3A_284[0] : i32 from vector<1xi32>
        %mul3A_286 = arith.constant 16 : i32
        %mul3A_287 = arith.muli %scan3A_205, %mul3A_286 : i32
        %add3A_288 = arith.constant 9 : i32
        %add3A_289 = arith.addi %mul3A_287, %add3A_288 : i32
        %swap3A_290 = arith.index_cast %add3A_289 : i32 to index
        %swap3A_291 = memref.load %arg8[%swap3A_290] : memref<128xi32, #tpu.memory_space<smem>>
        memref.store %squeeze3A_285, %arg8[%swap3A_290] : memref<128xi32, #tpu.memory_space<smem>>
        %slice3A_292 = vector.extract_strided_slice %mul3A_214 {offsets = [10], sizes = [1], strides = [1]} : vector<16xi32> to vector<1xi32>
        %squeeze3A_293 = vector.extract %slice3A_292[0] : i32 from vector<1xi32>
        %mul3A_294 = arith.constant 16 : i32
        %mul3A_295 = arith.muli %scan3A_205, %mul3A_294 : i32
        %add3A_296 = arith.constant 10 : i32
        %add3A_297 = arith.addi %mul3A_295, %add3A_296 : i32
        %swap3A_298 = arith.index_cast %add3A_297 : i32 to index
        %swap3A_299 = memref.load %arg8[%swap3A_298] : memref<128xi32, #tpu.memory_space<smem>>
        memref.store %squeeze3A_293, %arg8[%swap3A_298] : memref<128xi32, #tpu.memory_space<smem>>
        %slice3A_300 = vector.extract_strided_slice %mul3A_214 {offsets = [11], sizes = [1], strides = [1]} : vector<16xi32> to vector<1xi32>
        %squeeze3A_301 = vector.extract %slice3A_300[0] : i32 from vector<1xi32>
        %mul3A_302 = arith.constant 16 : i32
        %mul3A_303 = arith.muli %scan3A_205, %mul3A_302 : i32
        %add3A_304 = arith.constant 11 : i32
        %add3A_305 = arith.addi %mul3A_303, %add3A_304 : i32
        %swap3A_306 = arith.index_cast %add3A_305 : i32 to index
        %swap3A_307 = memref.load %arg8[%swap3A_306] : memref<128xi32, #tpu.memory_space<smem>>
        memref.store %squeeze3A_301, %arg8[%swap3A_306] : memref<128xi32, #tpu.memory_space<smem>>
        %slice3A_308 = vector.extract_strided_slice %mul3A_214 {offsets = [12], sizes = [1], strides = [1]} : vector<16xi32> to vector<1xi32>
        %squeeze3A_309 = vector.extract %slice3A_308[0] : i32 from vector<1xi32>
        %mul3A_310 = arith.constant 16 : i32
        %mul3A_311 = arith.muli %scan3A_205, %mul3A_310 : i32
        %add3A_312 = arith.constant 12 : i32
        %add3A_313 = arith.addi %mul3A_311, %add3A_312 : i32
        %swap3A_314 = arith.index_cast %add3A_313 : i32 to index
        %swap3A_315 = memref.load %arg8[%swap3A_314] : memref<128xi32, #tpu.memory_space<smem>>
        memref.store %squeeze3A_309, %arg8[%swap3A_314] : memref<128xi32, #tpu.memory_space<smem>>
        %slice3A_316 = vector.extract_strided_slice %mul3A_214 {offsets = [13], sizes = [1], strides = [1]} : vector<16xi32> to vector<1xi32>
        %squeeze3A_317 = vector.extract %slice3A_316[0] : i32 from vector<1xi32>
        %mul3A_318 = arith.constant 16 : i32
        %mul3A_319 = arith.muli %scan3A_205, %mul3A_318 : i32
        %add3A_320 = arith.constant 13 : i32
        %add3A_321 = arith.addi %mul3A_319, %add3A_320 : i32
        %swap3A_322 = arith.index_cast %add3A_321 : i32 to index
        %swap3A_323 = memref.load %arg8[%swap3A_322] : memref<128xi32, #tpu.memory_space<smem>>
        memref.store %squeeze3A_317, %arg8[%swap3A_322] : memref<128xi32, #tpu.memory_space<smem>>
        %slice3A_324 = vector.extract_strided_slice %mul3A_214 {offsets = [14], sizes = [1], strides = [1]} : vector<16xi32> to vector<1xi32>
        %squeeze3A_325 = vector.extract %slice3A_324[0] : i32 from vector<1xi32>
        %mul3A_326 = arith.constant 16 : i32
        %mul3A_327 = arith.muli %scan3A_205, %mul3A_326 : i32
        %add3A_328 = arith.constant 14 : i32
        %add3A_329 = arith.addi %mul3A_327, %add3A_328 : i32
        %swap3A_330 = arith.index_cast %add3A_329 : i32 to index
        %swap3A_331 = memref.load %arg8[%swap3A_330] : memref<128xi32, #tpu.memory_space<smem>>
        memref.store %squeeze3A_325, %arg8[%swap3A_330] : memref<128xi32, #tpu.memory_space<smem>>
        %slice3A_332 = vector.extract_strided_slice %mul3A_214 {offsets = [15], sizes = [1], strides = [1]} : vector<16xi32> to vector<1xi32>
        %squeeze3A_333 = vector.extract %slice3A_332[0] : i32 from vector<1xi32>
        %mul3A_334 = arith.constant 16 : i32
        %mul3A_335 = arith.muli %scan3A_205, %mul3A_334 : i32
        %add3A_336 = arith.constant 15 : i32
        %add3A_337 = arith.addi %mul3A_335, %add3A_336 : i32
        %swap3A_338 = arith.index_cast %add3A_337 : i32 to index
        %swap3A_339 = memref.load %arg8[%swap3A_338] : memref<128xi32, #tpu.memory_space<smem>>
        memref.store %squeeze3A_333, %arg8[%swap3A_338] : memref<128xi32, #tpu.memory_space<smem>>
      }
      %scan3A_166 = arith.constant 8 : i32
      %scan3A_167 = arith.constant 0 : i32
      %scan3A_168 = arith.constant 0 : i32
      %scan3A_169 = arith.constant 32 : i32
      %scan3A_170 = arith.addi %scan3A_168, %scan3A_169 : i32
      %scan3A_171 = arith.constant 1 : i32
      scf.for %scan3A_205 = %scan3A_168 to %scan3A_170 step %scan3A_171  : i32 {
        %mul3A_206 = arith.constant 4 : i32
        %mul3A_207 = arith.muli %scan3A_205, %mul3A_206 : i32
        %add3A_208 = arith.constant 0 : i32
        %add3A_209 = arith.addi %mul3A_207, %add3A_208 : i32
        %get3A = arith.index_cast %add3A_209 : i32 to index
        %get3A_210 = memref.load %arg8[%get3A] : memref<128xi32, #tpu.memory_space<smem>>
        %add3A_211 = arith.constant 0 : i32
        %add3A_212 = arith.addi %get3A_210, %add3A_211 : i32
        %get3A_213 = arith.index_cast %add3A_212 : i32 to index
        %get3A_214 = tpu.vector_load %arg7[%get3A_213] {strides = array<i32>} : memref<6400xf32, #tpu.memory_space<vmem>>, vector<16xf32>,
        %get3A_215 = vector.shape_cast %get3A_214 : vector<16xf32> to vector<16xf32>
        %add3A_216 = arith.constant 16 : i32
        %add3A_217 = arith.addi %get3A_210, %add3A_216 : i32
        %get3A_218 = arith.index_cast %add3A_217 : i32 to index
        %get3A_219 = tpu.vector_load %arg7[%get3A_218] {strides = array<i32>} : memref<6400xf32, #tpu.memory_space<vmem>>, vector<16xf32>,
        %get3A_220 = vector.shape_cast %get3A_219 : vector<16xf32> to vector<16xf32>
        %add3A_221 = arith.constant 32 : i32
        %add3A_222 = arith.addi %get3A_210, %add3A_221 : i32
        %get3A_223 = arith.index_cast %add3A_222 : i32 to index
        %get3A_224 = tpu.vector_load %arg7[%get3A_223] {strides = array<i32>} : memref<6400xf32, #tpu.memory_space<vmem>>, vector<16xf32>,
        %get3A_225 = vector.shape_cast %get3A_224 : vector<16xf32> to vector<16xf32>
        %add3A_226 = arith.constant 48 : i32
        %add3A_227 = arith.addi %get3A_210, %add3A_226 : i32
        %get3A_228 = arith.index_cast %add3A_227 : i32 to index
        %get3A_229 = tpu.vector_load %arg7[%get3A_228] {strides = array<i32>} : memref<6400xf32, #tpu.memory_space<vmem>>, vector<16xf32>,
        %get3A_230 = vector.shape_cast %get3A_229 : vector<16xf32> to vector<16xf32>
        %add3A_231 = arith.constant 64 : i32
        %add3A_232 = arith.addi %get3A_210, %add3A_231 : i32
        %get3A_233 = arith.index_cast %add3A_232 : i32 to index
        %get3A_234 = tpu.vector_load %arg7[%get3A_233] {strides = array<i32>} : memref<6400xf32, #tpu.memory_space<vmem>>, vector<16xf32>,
        %get3A_235 = vector.shape_cast %get3A_234 : vector<16xf32> to vector<16xf32>
        %add3A_236 = arith.constant 80 : i32
        %add3A_237 = arith.addi %get3A_210, %add3A_236 : i32
        %get3A_238 = arith.index_cast %add3A_237 : i32 to index
        %get3A_239 = tpu.vector_load %arg7[%get3A_238] {strides = array<i32>} : memref<6400xf32, #tpu.memory_space<vmem>>, vector<16xf32>,
        %get3A_240 = vector.shape_cast %get3A_239 : vector<16xf32> to vector<16xf32>
        %add3A_241 = arith.constant 96 : i32
        %add3A_242 = arith.addi %get3A_210, %add3A_241 : i32
        %get3A_243 = arith.index_cast %add3A_242 : i32 to index
        %get3A_244 = tpu.vector_load %arg7[%get3A_243] {strides = array<i32>} : memref<6400xf32, #tpu.memory_space<vmem>>, vector<16xf32>,
        %get3A_245 = vector.shape_cast %get3A_244 : vector<16xf32> to vector<16xf32>
        %add3A_246 = arith.constant 112 : i32
        %add3A_247 = arith.addi %get3A_210, %add3A_246 : i32
        %get3A_248 = arith.index_cast %add3A_247 : i32 to index
        %get3A_249 = tpu.vector_load %arg7[%get3A_248] {strides = array<i32>} : memref<6400xf32, #tpu.memory_space<vmem>>, vector<16xf32>,
        %get3A_250 = vector.shape_cast %get3A_249 : vector<16xf32> to vector<16xf32>
        %add3A_251 = arith.constant 128 : i32
        %add3A_252 = arith.addi %get3A_210, %add3A_251 : i32
        %get3A_253 = arith.index_cast %add3A_252 : i32 to index
        %get3A_254 = tpu.vector_load %arg7[%get3A_253] {strides = array<i32>} : memref<6400xf32, #tpu.memory_space<vmem>>, vector<16xf32>,
        %get3A_255 = vector.shape_cast %get3A_254 : vector<16xf32> to vector<16xf32>
        %add3A_256 = arith.constant 144 : i32
        %add3A_257 = arith.addi %get3A_210, %add3A_256 : i32
        %get3A_258 = arith.index_cast %add3A_257 : i32 to index
        %get3A_259 = tpu.vector_load %arg7[%get3A_258] {strides = array<i32>} : memref<6400xf32, #tpu.memory_space<vmem>>, vector<16xf32>,
        %get3A_260 = vector.shape_cast %get3A_259 : vector<16xf32> to vector<16xf32>
        %add3A_261 = arith.constant 160 : i32
        %add3A_262 = arith.addi %get3A_210, %add3A_261 : i32
        %get3A_263 = arith.index_cast %add3A_262 : i32 to index
        %get3A_264 = tpu.vector_load %arg7[%get3A_263] {strides = array<i32>} : memref<6400xf32, #tpu.memory_space<vmem>>, vector<16xf32>,
        %get3A_265 = vector.shape_cast %get3A_264 : vector<16xf32> to vector<16xf32>
        %add3A_266 = arith.constant 176 : i32
        %add3A_267 = arith.addi %get3A_210, %add3A_266 : i32
        %get3A_268 = arith.index_cast %add3A_267 : i32 to index
        %get3A_269 = tpu.vector_load %arg7[%get3A_268] {strides = array<i32>} : memref<6400xf32, #tpu.memory_space<vmem>>, vector<16xf32>,
        %get3A_270 = vector.shape_cast %get3A_269 : vector<16xf32> to vector<16xf32>
        %add3A_271 = arith.constant 192 : i32
        %add3A_272 = arith.addi %get3A_210, %add3A_271 : i32
        %get3A_273 = arith.index_cast %add3A_272 : i32 to index
        %get3A_274 = tpu.vector_load %arg7[%get3A_273] {strides = array<i32>} : memref<6400xf32, #tpu.memory_space<vmem>>, vector<16xf32>,
        %get3A_275 = vector.shape_cast %get3A_274 : vector<16xf32> to vector<16xf32>
        %add3A_276 = arith.constant 208 : i32
        %add3A_277 = arith.addi %get3A_210, %add3A_276 : i32
        %get3A_278 = arith.index_cast %add3A_277 : i32 to index
        %get3A_279 = tpu.vector_load %arg7[%get3A_278] {strides = array<i32>} : memref<6400xf32, #tpu.memory_space<vmem>>, vector<16xf32>,
        %get3A_280 = vector.shape_cast %get3A_279 : vector<16xf32> to vector<16xf32>
        %add3A_281 = arith.constant 224 : i32
        %add3A_282 = arith.addi %get3A_210, %add3A_281 : i32
        %get3A_283 = arith.index_cast %add3A_282 : i32 to index
        %get3A_284 = tpu.vector_load %arg7[%get3A_283] {strides = array<i32>} : memref<6400xf32, #tpu.memory_space<vmem>>, vector<16xf32>,
        %get3A_285 = vector.shape_cast %get3A_284 : vector<16xf32> to vector<16xf32>
        %add3A_286 = arith.constant 240 : i32
        %add3A_287 = arith.addi %get3A_210, %add3A_286 : i32
        %get3A_288 = arith.index_cast %add3A_287 : i32 to index
        %get3A_289 = tpu.vector_load %arg7[%get3A_288] {strides = array<i32>} : memref<6400xf32, #tpu.memory_space<vmem>>, vector<16xf32>,
        %get3A_290 = vector.shape_cast %get3A_289 : vector<16xf32> to vector<16xf32>
        %mul3A_291 = arith.constant 4 : i32
        %mul3A_292 = arith.muli %scan3A_205, %mul3A_291 : i32
        %add3A_293 = arith.constant 1 : i32
        %add3A_294 = arith.addi %mul3A_292, %add3A_293 : i32
        %get3A_295 = arith.index_cast %add3A_294 : i32 to index
        %get3A_296 = memref.load %arg8[%get3A_295] : memref<128xi32, #tpu.memory_space<smem>>
        %add3A_297 = arith.constant 0 : i32
        %add3A_298 = arith.addi %get3A_296, %add3A_297 : i32
        %get3A_299 = arith.index_cast %add3A_298 : i32 to index
        %get3A_300 = tpu.vector_load %arg7[%get3A_299] {strides = array<i32>} : memref<6400xf32, #tpu.memory_space<vmem>>, vector<16xf32>,
        %get3A_301 = vector.shape_cast %get3A_300 : vector<16xf32> to vector<16xf32>
        %add3A_302 = arith.constant 16 : i32
        %add3A_303 = arith.addi %get3A_296, %add3A_302 : i32
        %get3A_304 = arith.index_cast %add3A_303 : i32 to index
        %get3A_305 = tpu.vector_load %arg7[%get3A_304] {strides = array<i32>} : memref<6400xf32, #tpu.memory_space<vmem>>, vector<16xf32>,
        %get3A_306 = vector.shape_cast %get3A_305 : vector<16xf32> to vector<16xf32>
        %add3A_307 = arith.constant 32 : i32
        %add3A_308 = arith.addi %get3A_296, %add3A_307 : i32
        %get3A_309 = arith.index_cast %add3A_308 : i32 to index
        %get3A_310 = tpu.vector_load %arg7[%get3A_309] {strides = array<i32>} : memref<6400xf32, #tpu.memory_space<vmem>>, vector<16xf32>,
        %get3A_311 = vector.shape_cast %get3A_310 : vector<16xf32> to vector<16xf32>
        %add3A_312 = arith.constant 48 : i32
        %add3A_313 = arith.addi %get3A_296, %add3A_312 : i32
        %get3A_314 = arith.index_cast %add3A_313 : i32 to index
        %get3A_315 = tpu.vector_load %arg7[%get3A_314] {strides = array<i32>} : memref<6400xf32, #tpu.memory_space<vmem>>, vector<16xf32>,
        %get3A_316 = vector.shape_cast %get3A_315 : vector<16xf32> to vector<16xf32>
        %add3A_317 = arith.constant 64 : i32
        %add3A_318 = arith.addi %get3A_296, %add3A_317 : i32
        %get3A_319 = arith.index_cast %add3A_318 : i32 to index
        %get3A_320 = tpu.vector_load %arg7[%get3A_319] {strides = array<i32>} : memref<6400xf32, #tpu.memory_space<vmem>>, vector<16xf32>,
        %get3A_321 = vector.shape_cast %get3A_320 : vector<16xf32> to vector<16xf32>
        %add3A_322 = arith.constant 80 : i32
        %add3A_323 = arith.addi %get3A_296, %add3A_322 : i32
        %get3A_324 = arith.index_cast %add3A_323 : i32 to index
        %get3A_325 = tpu.vector_load %arg7[%get3A_324] {strides = array<i32>} : memref<6400xf32, #tpu.memory_space<vmem>>, vector<16xf32>,
        %get3A_326 = vector.shape_cast %get3A_325 : vector<16xf32> to vector<16xf32>
        %add3A_327 = arith.constant 96 : i32
        %add3A_328 = arith.addi %get3A_296, %add3A_327 : i32
        %get3A_329 = arith.index_cast %add3A_328 : i32 to index
        %get3A_330 = tpu.vector_load %arg7[%get3A_329] {strides = array<i32>} : memref<6400xf32, #tpu.memory_space<vmem>>, vector<16xf32>,
        %get3A_331 = vector.shape_cast %get3A_330 : vector<16xf32> to vector<16xf32>
        %add3A_332 = arith.constant 112 : i32
        %add3A_333 = arith.addi %get3A_296, %add3A_332 : i32
        %get3A_334 = arith.index_cast %add3A_333 : i32 to index
        %get3A_335 = tpu.vector_load %arg7[%get3A_334] {strides = array<i32>} : memref<6400xf32, #tpu.memory_space<vmem>>, vector<16xf32>,
        %get3A_336 = vector.shape_cast %get3A_335 : vector<16xf32> to vector<16xf32>
        %add3A_337 = arith.constant 128 : i32
        %add3A_338 = arith.addi %get3A_296, %add3A_337 : i32
        %get3A_339 = arith.index_cast %add3A_338 : i32 to index
        %get3A_340 = tpu.vector_load %arg7[%get3A_339] {strides = array<i32>} : memref<6400xf32, #tpu.memory_space<vmem>>, vector<16xf32>,
        %get3A_341 = vector.shape_cast %get3A_340 : vector<16xf32> to vector<16xf32>
        %add3A_342 = arith.constant 144 : i32
        %add3A_343 = arith.addi %get3A_296, %add3A_342 : i32
        %get3A_344 = arith.index_cast %add3A_343 : i32 to index
        %get3A_345 = tpu.vector_load %arg7[%get3A_344] {strides = array<i32>} : memref<6400xf32, #tpu.memory_space<vmem>>, vector<16xf32>,
        %get3A_346 = vector.shape_cast %get3A_345 : vector<16xf32> to vector<16xf32>
        %add3A_347 = arith.constant 160 : i32
        %add3A_348 = arith.addi %get3A_296, %add3A_347 : i32
        %get3A_349 = arith.index_cast %add3A_348 : i32 to index
        %get3A_350 = tpu.vector_load %arg7[%get3A_349] {strides = array<i32>} : memref<6400xf32, #tpu.memory_space<vmem>>, vector<16xf32>,
        %get3A_351 = vector.shape_cast %get3A_350 : vector<16xf32> to vector<16xf32>
        %add3A_352 = arith.constant 176 : i32
        %add3A_353 = arith.addi %get3A_296, %add3A_352 : i32
        %get3A_354 = arith.index_cast %add3A_353 : i32 to index
        %get3A_355 = tpu.vector_load %arg7[%get3A_354] {strides = array<i32>} : memref<6400xf32, #tpu.memory_space<vmem>>, vector<16xf32>,
        %get3A_356 = vector.shape_cast %get3A_355 : vector<16xf32> to vector<16xf32>
        %add3A_357 = arith.constant 192 : i32
        %add3A_358 = arith.addi %get3A_296, %add3A_357 : i32
        %get3A_359 = arith.index_cast %add3A_358 : i32 to index
        %get3A_360 = tpu.vector_load %arg7[%get3A_359] {strides = array<i32>} : memref<6400xf32, #tpu.memory_space<vmem>>, vector<16xf32>,
        %get3A_361 = vector.shape_cast %get3A_360 : vector<16xf32> to vector<16xf32>
        %add3A_362 = arith.constant 208 : i32
        %add3A_363 = arith.addi %get3A_296, %add3A_362 : i32
        %get3A_364 = arith.index_cast %add3A_363 : i32 to index
        %get3A_365 = tpu.vector_load %arg7[%get3A_364] {strides = array<i32>} : memref<6400xf32, #tpu.memory_space<vmem>>, vector<16xf32>,
        %get3A_366 = vector.shape_cast %get3A_365 : vector<16xf32> to vector<16xf32>
        %add3A_367 = arith.constant 224 : i32
        %add3A_368 = arith.addi %get3A_296, %add3A_367 : i32
        %get3A_369 = arith.index_cast %add3A_368 : i32 to index
        %get3A_370 = tpu.vector_load %arg7[%get3A_369] {strides = array<i32>} : memref<6400xf32, #tpu.memory_space<vmem>>, vector<16xf32>,
        %get3A_371 = vector.shape_cast %get3A_370 : vector<16xf32> to vector<16xf32>
        %add3A_372 = arith.constant 240 : i32
        %add3A_373 = arith.addi %get3A_296, %add3A_372 : i32
        %get3A_374 = arith.index_cast %add3A_373 : i32 to index
        %get3A_375 = tpu.vector_load %arg7[%get3A_374] {strides = array<i32>} : memref<6400xf32, #tpu.memory_space<vmem>>, vector<16xf32>,
        %get3A_376 = vector.shape_cast %get3A_375 : vector<16xf32> to vector<16xf32>
        %mul3A_377 = arith.constant 4 : i32
        %mul3A_378 = arith.muli %scan3A_205, %mul3A_377 : i32
        %add3A_379 = arith.constant 2 : i32
        %add3A_380 = arith.addi %mul3A_378, %add3A_379 : i32
        %get3A_381 = arith.index_cast %add3A_380 : i32 to index
        %get3A_382 = memref.load %arg8[%get3A_381] : memref<128xi32, #tpu.memory_space<smem>>
        %add3A_383 = arith.constant 0 : i32
        %add3A_384 = arith.addi %get3A_382, %add3A_383 : i32
        %get3A_385 = arith.index_cast %add3A_384 : i32 to index
        %get3A_386 = tpu.vector_load %arg7[%get3A_385] {strides = array<i32>} : memref<6400xf32, #tpu.memory_space<vmem>>, vector<16xf32>,
        %get3A_387 = vector.shape_cast %get3A_386 : vector<16xf32> to vector<16xf32>
        %add3A_388 = arith.constant 16 : i32
        %add3A_389 = arith.addi %get3A_382, %add3A_388 : i32
        %get3A_390 = arith.index_cast %add3A_389 : i32 to index
        %get3A_391 = tpu.vector_load %arg7[%get3A_390] {strides = array<i32>} : memref<6400xf32, #tpu.memory_space<vmem>>, vector<16xf32>,
        %get3A_392 = vector.shape_cast %get3A_391 : vector<16xf32> to vector<16xf32>
        %add3A_393 = arith.constant 32 : i32
        %add3A_394 = arith.addi %get3A_382, %add3A_393 : i32
        %get3A_395 = arith.index_cast %add3A_394 : i32 to index
        %get3A_396 = tpu.vector_load %arg7[%get3A_395] {strides = array<i32>} : memref<6400xf32, #tpu.memory_space<vmem>>, vector<16xf32>,
        %get3A_397 = vector.shape_cast %get3A_396 : vector<16xf32> to vector<16xf32>
        %add3A_398 = arith.constant 48 : i32
        %add3A_399 = arith.addi %get3A_382, %add3A_398 : i32
        %get3A_400 = arith.index_cast %add3A_399 : i32 to index
        %get3A_401 = tpu.vector_load %arg7[%get3A_400] {strides = array<i32>} : memref<6400xf32, #tpu.memory_space<vmem>>, vector<16xf32>,
        %get3A_402 = vector.shape_cast %get3A_401 : vector<16xf32> to vector<16xf32>
        %add3A_403 = arith.constant 64 : i32
        %add3A_404 = arith.addi %get3A_382, %add3A_403 : i32
        %get3A_405 = arith.index_cast %add3A_404 : i32 to index
        %get3A_406 = tpu.vector_load %arg7[%get3A_405] {strides = array<i32>} : memref<6400xf32, #tpu.memory_space<vmem>>, vector<16xf32>,
        %get3A_407 = vector.shape_cast %get3A_406 : vector<16xf32> to vector<16xf32>
        %add3A_408 = arith.constant 80 : i32
        %add3A_409 = arith.addi %get3A_382, %add3A_408 : i32
        %get3A_410 = arith.index_cast %add3A_409 : i32 to index
        %get3A_411 = tpu.vector_load %arg7[%get3A_410] {strides = array<i32>} : memref<6400xf32, #tpu.memory_space<vmem>>, vector<16xf32>,
        %get3A_412 = vector.shape_cast %get3A_411 : vector<16xf32> to vector<16xf32>
        %add3A_413 = arith.constant 96 : i32
        %add3A_414 = arith.addi %get3A_382, %add3A_413 : i32
        %get3A_415 = arith.index_cast %add3A_414 : i32 to index
        %get3A_416 = tpu.vector_load %arg7[%get3A_415] {strides = array<i32>} : memref<6400xf32, #tpu.memory_space<vmem>>, vector<16xf32>,
        %get3A_417 = vector.shape_cast %get3A_416 : vector<16xf32> to vector<16xf32>
        %add3A_418 = arith.constant 112 : i32
        %add3A_419 = arith.addi %get3A_382, %add3A_418 : i32
        %get3A_420 = arith.index_cast %add3A_419 : i32 to index
        %get3A_421 = tpu.vector_load %arg7[%get3A_420] {strides = array<i32>} : memref<6400xf32, #tpu.memory_space<vmem>>, vector<16xf32>,
        %get3A_422 = vector.shape_cast %get3A_421 : vector<16xf32> to vector<16xf32>
        %add3A_423 = arith.constant 128 : i32
        %add3A_424 = arith.addi %get3A_382, %add3A_423 : i32
        %get3A_425 = arith.index_cast %add3A_424 : i32 to index
        %get3A_426 = tpu.vector_load %arg7[%get3A_425] {strides = array<i32>} : memref<6400xf32, #tpu.memory_space<vmem>>, vector<16xf32>,
        %get3A_427 = vector.shape_cast %get3A_426 : vector<16xf32> to vector<16xf32>
        %add3A_428 = arith.constant 144 : i32
        %add3A_429 = arith.addi %get3A_382, %add3A_428 : i32
        %get3A_430 = arith.index_cast %add3A_429 : i32 to index
        %get3A_431 = tpu.vector_load %arg7[%get3A_430] {strides = array<i32>} : memref<6400xf32, #tpu.memory_space<vmem>>, vector<16xf32>,
        %get3A_432 = vector.shape_cast %get3A_431 : vector<16xf32> to vector<16xf32>
        %add3A_433 = arith.constant 160 : i32
        %add3A_434 = arith.addi %get3A_382, %add3A_433 : i32
        %get3A_435 = arith.index_cast %add3A_434 : i32 to index
        %get3A_436 = tpu.vector_load %arg7[%get3A_435] {strides = array<i32>} : memref<6400xf32, #tpu.memory_space<vmem>>, vector<16xf32>,
        %get3A_437 = vector.shape_cast %get3A_436 : vector<16xf32> to vector<16xf32>
        %add3A_438 = arith.constant 176 : i32
        %add3A_439 = arith.addi %get3A_382, %add3A_438 : i32
        %get3A_440 = arith.index_cast %add3A_439 : i32 to index
        %get3A_441 = tpu.vector_load %arg7[%get3A_440] {strides = array<i32>} : memref<6400xf32, #tpu.memory_space<vmem>>, vector<16xf32>,
        %get3A_442 = vector.shape_cast %get3A_441 : vector<16xf32> to vector<16xf32>
        %add3A_443 = arith.constant 192 : i32
        %add3A_444 = arith.addi %get3A_382, %add3A_443 : i32
        %get3A_445 = arith.index_cast %add3A_444 : i32 to index
        %get3A_446 = tpu.vector_load %arg7[%get3A_445] {strides = array<i32>} : memref<6400xf32, #tpu.memory_space<vmem>>, vector<16xf32>,
        %get3A_447 = vector.shape_cast %get3A_446 : vector<16xf32> to vector<16xf32>
        %add3A_448 = arith.constant 208 : i32
        %add3A_449 = arith.addi %get3A_382, %add3A_448 : i32
        %get3A_450 = arith.index_cast %add3A_449 : i32 to index
        %get3A_451 = tpu.vector_load %arg7[%get3A_450] {strides = array<i32>} : memref<6400xf32, #tpu.memory_space<vmem>>, vector<16xf32>,
        %get3A_452 = vector.shape_cast %get3A_451 : vector<16xf32> to vector<16xf32>
        %add3A_453 = arith.constant 224 : i32
        %add3A_454 = arith.addi %get3A_382, %add3A_453 : i32
        %get3A_455 = arith.index_cast %add3A_454 : i32 to index
        %get3A_456 = tpu.vector_load %arg7[%get3A_455] {strides = array<i32>} : memref<6400xf32, #tpu.memory_space<vmem>>, vector<16xf32>,
        %get3A_457 = vector.shape_cast %get3A_456 : vector<16xf32> to vector<16xf32>
        %add3A_458 = arith.constant 240 : i32
        %add3A_459 = arith.addi %get3A_382, %add3A_458 : i32
        %get3A_460 = arith.index_cast %add3A_459 : i32 to index
        %get3A_461 = tpu.vector_load %arg7[%get3A_460] {strides = array<i32>} : memref<6400xf32, #tpu.memory_space<vmem>>, vector<16xf32>,
        %get3A_462 = vector.shape_cast %get3A_461 : vector<16xf32> to vector<16xf32>
        %mul3A_463 = arith.constant 4 : i32
        %mul3A_464 = arith.muli %scan3A_205, %mul3A_463 : i32
        %add3A_465 = arith.constant 3 : i32
        %add3A_466 = arith.addi %mul3A_464, %add3A_465 : i32
        %get3A_467 = arith.index_cast %add3A_466 : i32 to index
        %get3A_468 = memref.load %arg8[%get3A_467] : memref<128xi32, #tpu.memory_space<smem>>
        %add3A_469 = arith.constant 0 : i32
        %add3A_470 = arith.addi %get3A_468, %add3A_469 : i32
        %get3A_471 = arith.index_cast %add3A_470 : i32 to index
        %get3A_472 = tpu.vector_load %arg7[%get3A_471] {strides = array<i32>} : memref<6400xf32, #tpu.memory_space<vmem>>, vector<16xf32>,
        %get3A_473 = vector.shape_cast %get3A_472 : vector<16xf32> to vector<16xf32>
        %add3A_474 = arith.constant 16 : i32
        %add3A_475 = arith.addi %get3A_468, %add3A_474 : i32
        %get3A_476 = arith.index_cast %add3A_475 : i32 to index
        %get3A_477 = tpu.vector_load %arg7[%get3A_476] {strides = array<i32>} : memref<6400xf32, #tpu.memory_space<vmem>>, vector<16xf32>,
        %get3A_478 = vector.shape_cast %get3A_477 : vector<16xf32> to vector<16xf32>
        %add3A_479 = arith.constant 32 : i32
        %add3A_480 = arith.addi %get3A_468, %add3A_479 : i32
        %get3A_481 = arith.index_cast %add3A_480 : i32 to index
        %get3A_482 = tpu.vector_load %arg7[%get3A_481] {strides = array<i32>} : memref<6400xf32, #tpu.memory_space<vmem>>, vector<16xf32>,
        %get3A_483 = vector.shape_cast %get3A_482 : vector<16xf32> to vector<16xf32>
        %add3A_484 = arith.constant 48 : i32
        %add3A_485 = arith.addi %get3A_468, %add3A_484 : i32
        %get3A_486 = arith.index_cast %add3A_485 : i32 to index
        %get3A_487 = tpu.vector_load %arg7[%get3A_486] {strides = array<i32>} : memref<6400xf32, #tpu.memory_space<vmem>>, vector<16xf32>,
        %get3A_488 = vector.shape_cast %get3A_487 : vector<16xf32> to vector<16xf32>
        %add3A_489 = arith.constant 64 : i32
        %add3A_490 = arith.addi %get3A_468, %add3A_489 : i32
        %get3A_491 = arith.index_cast %add3A_490 : i32 to index
        %get3A_492 = tpu.vector_load %arg7[%get3A_491] {strides = array<i32>} : memref<6400xf32, #tpu.memory_space<vmem>>, vector<16xf32>,
        %get3A_493 = vector.shape_cast %get3A_492 : vector<16xf32> to vector<16xf32>
        %add3A_494 = arith.constant 80 : i32
        %add3A_495 = arith.addi %get3A_468, %add3A_494 : i32
        %get3A_496 = arith.index_cast %add3A_495 : i32 to index
        %get3A_497 = tpu.vector_load %arg7[%get3A_496] {strides = array<i32>} : memref<6400xf32, #tpu.memory_space<vmem>>, vector<16xf32>,
        %get3A_498 = vector.shape_cast %get3A_497 : vector<16xf32> to vector<16xf32>
        %add3A_499 = arith.constant 96 : i32
        %add3A_500 = arith.addi %get3A_468, %add3A_499 : i32
        %get3A_501 = arith.index_cast %add3A_500 : i32 to index
        %get3A_502 = tpu.vector_load %arg7[%get3A_501] {strides = array<i32>} : memref<6400xf32, #tpu.memory_space<vmem>>, vector<16xf32>,
        %get3A_503 = vector.shape_cast %get3A_502 : vector<16xf32> to vector<16xf32>
        %add3A_504 = arith.constant 112 : i32
        %add3A_505 = arith.addi %get3A_468, %add3A_504 : i32
        %get3A_506 = arith.index_cast %add3A_505 : i32 to index
        %get3A_507 = tpu.vector_load %arg7[%get3A_506] {strides = array<i32>} : memref<6400xf32, #tpu.memory_space<vmem>>, vector<16xf32>,
        %get3A_508 = vector.shape_cast %get3A_507 : vector<16xf32> to vector<16xf32>
        %add3A_509 = arith.constant 128 : i32
        %add3A_510 = arith.addi %get3A_468, %add3A_509 : i32
        %get3A_511 = arith.index_cast %add3A_510 : i32 to index
        %get3A_512 = tpu.vector_load %arg7[%get3A_511] {strides = array<i32>} : memref<6400xf32, #tpu.memory_space<vmem>>, vector<16xf32>,
        %get3A_513 = vector.shape_cast %get3A_512 : vector<16xf32> to vector<16xf32>
        %add3A_514 = arith.constant 144 : i32
        %add3A_515 = arith.addi %get3A_468, %add3A_514 : i32
        %get3A_516 = arith.index_cast %add3A_515 : i32 to index
        %get3A_517 = tpu.vector_load %arg7[%get3A_516] {strides = array<i32>} : memref<6400xf32, #tpu.memory_space<vmem>>, vector<16xf32>,
        %get3A_518 = vector.shape_cast %get3A_517 : vector<16xf32> to vector<16xf32>
        %add3A_519 = arith.constant 160 : i32
        %add3A_520 = arith.addi %get3A_468, %add3A_519 : i32
        %get3A_521 = arith.index_cast %add3A_520 : i32 to index
        %get3A_522 = tpu.vector_load %arg7[%get3A_521] {strides = array<i32>} : memref<6400xf32, #tpu.memory_space<vmem>>, vector<16xf32>,
        %get3A_523 = vector.shape_cast %get3A_522 : vector<16xf32> to vector<16xf32>
        %add3A_524 = arith.constant 176 : i32
        %add3A_525 = arith.addi %get3A_468, %add3A_524 : i32
        %get3A_526 = arith.index_cast %add3A_525 : i32 to index
        %get3A_527 = tpu.vector_load %arg7[%get3A_526] {strides = array<i32>} : memref<6400xf32, #tpu.memory_space<vmem>>, vector<16xf32>,
        %get3A_528 = vector.shape_cast %get3A_527 : vector<16xf32> to vector<16xf32>
        %add3A_529 = arith.constant 192 : i32
        %add3A_530 = arith.addi %get3A_468, %add3A_529 : i32
        %get3A_531 = arith.index_cast %add3A_530 : i32 to index
        %get3A_532 = tpu.vector_load %arg7[%get3A_531] {strides = array<i32>} : memref<6400xf32, #tpu.memory_space<vmem>>, vector<16xf32>,
        %get3A_533 = vector.shape_cast %get3A_532 : vector<16xf32> to vector<16xf32>
        %add3A_534 = arith.constant 208 : i32
        %add3A_535 = arith.addi %get3A_468, %add3A_534 : i32
        %get3A_536 = arith.index_cast %add3A_535 : i32 to index
        %get3A_537 = tpu.vector_load %arg7[%get3A_536] {strides = array<i32>} : memref<6400xf32, #tpu.memory_space<vmem>>, vector<16xf32>,
        %get3A_538 = vector.shape_cast %get3A_537 : vector<16xf32> to vector<16xf32>
        %add3A_539 = arith.constant 224 : i32
        %add3A_540 = arith.addi %get3A_468, %add3A_539 : i32
        %get3A_541 = arith.index_cast %add3A_540 : i32 to index
        %get3A_542 = tpu.vector_load %arg7[%get3A_541] {strides = array<i32>} : memref<6400xf32, #tpu.memory_space<vmem>>, vector<16xf32>,
        %get3A_543 = vector.shape_cast %get3A_542 : vector<16xf32> to vector<16xf32>
        %add3A_544 = arith.constant 240 : i32
        %add3A_545 = arith.addi %get3A_468, %add3A_544 : i32
        %get3A_546 = arith.index_cast %add3A_545 : i32 to index
        %get3A_547 = tpu.vector_load %arg7[%get3A_546] {strides = array<i32>} : memref<6400xf32, #tpu.memory_space<vmem>>, vector<16xf32>,
        %get3A_548 = vector.shape_cast %get3A_547 : vector<16xf32> to vector<16xf32>
        %mul3A_549 = arith.constant 4 : i32
        %mul3A_550 = arith.muli %scan3A_205, %mul3A_549 : i32
        %add3A_551 = arith.constant 0 : i32
        %add3A_552 = arith.addi %mul3A_550, %add3A_551 : i32
        %swap3A = arith.constant 1 : i32
        %swap3A_553 = arith.index_cast %swap3A : i32 to index
        %swap3A_554 = arith.index_cast %add3A_552 : i32 to index
        %swap3A_555 = arith.constant 0 : index
        %swap3A_556 = tpu.vector_load %arg6[%swap3A_553, %swap3A_554, %swap3A_555] {strides = array<i32>} : memref<2x128x256xf32, #tpu.memory_space<vmem>>, vector<1x1x16xf32>,
        %swap3A_557 = vector.shape_cast %swap3A_556 : vector<1x1x16xf32> to vector<16xf32>
        %swap3A_558 = vector.shape_cast %get3A_215 : vector<16xf32> to vector<1x1x16xf32>
        tpu.vector_store %arg6[%swap3A_553, %swap3A_554, %swap3A_555], %swap3A_558 {strides = array<i32>} : memref<2x128x256xf32, #tpu.memory_space<vmem>>, vector<1x1x16xf32>,
        %swap3A_559 = arith.constant 1 : i32
        %swap3A_560 = arith.index_cast %swap3A_559 : i32 to index
        %swap3A_561 = arith.index_cast %add3A_552 : i32 to index
        %swap3A_562 = arith.constant 16 : index
        %swap3A_563 = tpu.vector_load %arg6[%swap3A_560, %swap3A_561, %swap3A_562] {strides = array<i32>} : memref<2x128x256xf32, #tpu.memory_space<vmem>>, vector<1x1x16xf32>,
        %swap3A_564 = vector.shape_cast %swap3A_563 : vector<1x1x16xf32> to vector<16xf32>
        %swap3A_565 = vector.shape_cast %get3A_220 : vector<16xf32> to vector<1x1x16xf32>
        tpu.vector_store %arg6[%swap3A_560, %swap3A_561, %swap3A_562], %swap3A_565 {strides = array<i32>} : memref<2x128x256xf32, #tpu.memory_space<vmem>>, vector<1x1x16xf32>,
        %swap3A_566 = arith.constant 1 : i32
        %swap3A_567 = arith.index_cast %swap3A_566 : i32 to index
        %swap3A_568 = arith.index_cast %add3A_552 : i32 to index
        %swap3A_569 = arith.constant 32 : index
        %swap3A_570 = tpu.vector_load %arg6[%swap3A_567, %swap3A_568, %swap3A_569] {strides = array<i32>} : memref<2x128x256xf32, #tpu.memory_space<vmem>>, vector<1x1x16xf32>,
        %swap3A_571 = vector.shape_cast %swap3A_570 : vector<1x1x16xf32> to vector<16xf32>
        %swap3A_572 = vector.shape_cast %get3A_225 : vector<16xf32> to vector<1x1x16xf32>
        tpu.vector_store %arg6[%swap3A_567, %swap3A_568, %swap3A_569], %swap3A_572 {strides = array<i32>} : memref<2x128x256xf32, #tpu.memory_space<vmem>>, vector<1x1x16xf32>,
        %swap3A_573 = arith.constant 1 : i32
        %swap3A_574 = arith.index_cast %swap3A_573 : i32 to index
        %swap3A_575 = arith.index_cast %add3A_552 : i32 to index
        %swap3A_576 = arith.constant 48 : index
        %swap3A_577 = tpu.vector_load %arg6[%swap3A_574, %swap3A_575, %swap3A_576] {strides = array<i32>} : memref<2x128x256xf32, #tpu.memory_space<vmem>>, vector<1x1x16xf32>,
        %swap3A_578 = vector.shape_cast %swap3A_577 : vector<1x1x16xf32> to vector<16xf32>
        %swap3A_579 = vector.shape_cast %get3A_230 : vector<16xf32> to vector<1x1x16xf32>
        tpu.vector_store %arg6[%swap3A_574, %swap3A_575, %swap3A_576], %swap3A_579 {strides = array<i32>} : memref<2x128x256xf32, #tpu.memory_space<vmem>>, vector<1x1x16xf32>,
        %swap3A_580 = arith.constant 1 : i32
        %swap3A_581 = arith.index_cast %swap3A_580 : i32 to index
        %swap3A_582 = arith.index_cast %add3A_552 : i32 to index
        %swap3A_583 = arith.constant 64 : index
        %swap3A_584 = tpu.vector_load %arg6[%swap3A_581, %swap3A_582, %swap3A_583] {strides = array<i32>} : memref<2x128x256xf32, #tpu.memory_space<vmem>>, vector<1x1x16xf32>,
        %swap3A_585 = vector.shape_cast %swap3A_584 : vector<1x1x16xf32> to vector<16xf32>
        %swap3A_586 = vector.shape_cast %get3A_235 : vector<16xf32> to vector<1x1x16xf32>
        tpu.vector_store %arg6[%swap3A_581, %swap3A_582, %swap3A_583], %swap3A_586 {strides = array<i32>} : memref<2x128x256xf32, #tpu.memory_space<vmem>>, vector<1x1x16xf32>,
        %swap3A_587 = arith.constant 1 : i32
        %swap3A_588 = arith.index_cast %swap3A_587 : i32 to index
        %swap3A_589 = arith.index_cast %add3A_552 : i32 to index
        %swap3A_590 = arith.constant 80 : index
        %swap3A_591 = tpu.vector_load %arg6[%swap3A_588, %swap3A_589, %swap3A_590] {strides = array<i32>} : memref<2x128x256xf32, #tpu.memory_space<vmem>>, vector<1x1x16xf32>,
        %swap3A_592 = vector.shape_cast %swap3A_591 : vector<1x1x16xf32> to vector<16xf32>
        %swap3A_593 = vector.shape_cast %get3A_240 : vector<16xf32> to vector<1x1x16xf32>
        tpu.vector_store %arg6[%swap3A_588, %swap3A_589, %swap3A_590], %swap3A_593 {strides = array<i32>} : memref<2x128x256xf32, #tpu.memory_space<vmem>>, vector<1x1x16xf32>,
        %swap3A_594 = arith.constant 1 : i32
        %swap3A_595 = arith.index_cast %swap3A_594 : i32 to index
        %swap3A_596 = arith.index_cast %add3A_552 : i32 to index
        %swap3A_597 = arith.constant 96 : index
        %swap3A_598 = tpu.vector_load %arg6[%swap3A_595, %swap3A_596, %swap3A_597] {strides = array<i32>} : memref<2x128x256xf32, #tpu.memory_space<vmem>>, vector<1x1x16xf32>,
        %swap3A_599 = vector.shape_cast %swap3A_598 : vector<1x1x16xf32> to vector<16xf32>
        %swap3A_600 = vector.shape_cast %get3A_245 : vector<16xf32> to vector<1x1x16xf32>
        tpu.vector_store %arg6[%swap3A_595, %swap3A_596, %swap3A_597], %swap3A_600 {strides = array<i32>} : memref<2x128x256xf32, #tpu.memory_space<vmem>>, vector<1x1x16xf32>,
        %swap3A_601 = arith.constant 1 : i32
        %swap3A_602 = arith.index_cast %swap3A_601 : i32 to index
        %swap3A_603 = arith.index_cast %add3A_552 : i32 to index
        %swap3A_604 = arith.constant 112 : index
        %swap3A_605 = tpu.vector_load %arg6[%swap3A_602, %swap3A_603, %swap3A_604] {strides = array<i32>} : memref<2x128x256xf32, #tpu.memory_space<vmem>>, vector<1x1x16xf32>,
        %swap3A_606 = vector.shape_cast %swap3A_605 : vector<1x1x16xf32> to vector<16xf32>
        %swap3A_607 = vector.shape_cast %get3A_250 : vector<16xf32> to vector<1x1x16xf32>
        tpu.vector_store %arg6[%swap3A_602, %swap3A_603, %swap3A_604], %swap3A_607 {strides = array<i32>} : memref<2x128x256xf32, #tpu.memory_space<vmem>>, vector<1x1x16xf32>,
        %swap3A_608 = arith.constant 1 : i32
        %swap3A_609 = arith.index_cast %swap3A_608 : i32 to index
        %swap3A_610 = arith.index_cast %add3A_552 : i32 to index
        %swap3A_611 = arith.constant 128 : index
        %swap3A_612 = tpu.vector_load %arg6[%swap3A_609, %swap3A_610, %swap3A_611] {strides = array<i32>} : memref<2x128x256xf32, #tpu.memory_space<vmem>>, vector<1x1x16xf32>,
        %swap3A_613 = vector.shape_cast %swap3A_612 : vector<1x1x16xf32> to vector<16xf32>
        %swap3A_614 = vector.shape_cast %get3A_255 : vector<16xf32> to vector<1x1x16xf32>
        tpu.vector_store %arg6[%swap3A_609, %swap3A_610, %swap3A_611], %swap3A_614 {strides = array<i32>} : memref<2x128x256xf32, #tpu.memory_space<vmem>>, vector<1x1x16xf32>,
        %swap3A_615 = arith.constant 1 : i32
        %swap3A_616 = arith.index_cast %swap3A_615 : i32 to index
        %swap3A_617 = arith.index_cast %add3A_552 : i32 to index
        %swap3A_618 = arith.constant 144 : index
        %swap3A_619 = tpu.vector_load %arg6[%swap3A_616, %swap3A_617, %swap3A_618] {strides = array<i32>} : memref<2x128x256xf32, #tpu.memory_space<vmem>>, vector<1x1x16xf32>,
        %swap3A_620 = vector.shape_cast %swap3A_619 : vector<1x1x16xf32> to vector<16xf32>
        %swap3A_621 = vector.shape_cast %get3A_260 : vector<16xf32> to vector<1x1x16xf32>
        tpu.vector_store %arg6[%swap3A_616, %swap3A_617, %swap3A_618], %swap3A_621 {strides = array<i32>} : memref<2x128x256xf32, #tpu.memory_space<vmem>>, vector<1x1x16xf32>,
        %swap3A_622 = arith.constant 1 : i32
        %swap3A_623 = arith.index_cast %swap3A_622 : i32 to index
        %swap3A_624 = arith.index_cast %add3A_552 : i32 to index
        %swap3A_625 = arith.constant 160 : index
        %swap3A_626 = tpu.vector_load %arg6[%swap3A_623, %swap3A_624, %swap3A_625] {strides = array<i32>} : memref<2x128x256xf32, #tpu.memory_space<vmem>>, vector<1x1x16xf32>,
        %swap3A_627 = vector.shape_cast %swap3A_626 : vector<1x1x16xf32> to vector<16xf32>
        %swap3A_628 = vector.shape_cast %get3A_265 : vector<16xf32> to vector<1x1x16xf32>
        tpu.vector_store %arg6[%swap3A_623, %swap3A_624, %swap3A_625], %swap3A_628 {strides = array<i32>} : memref<2x128x256xf32, #tpu.memory_space<vmem>>, vector<1x1x16xf32>,
        %swap3A_629 = arith.constant 1 : i32
        %swap3A_630 = arith.index_cast %swap3A_629 : i32 to index
        %swap3A_631 = arith.index_cast %add3A_552 : i32 to index
        %swap3A_632 = arith.constant 176 : index
        %swap3A_633 = tpu.vector_load %arg6[%swap3A_630, %swap3A_631, %swap3A_632] {strides = array<i32>} : memref<2x128x256xf32, #tpu.memory_space<vmem>>, vector<1x1x16xf32>,
        %swap3A_634 = vector.shape_cast %swap3A_633 : vector<1x1x16xf32> to vector<16xf32>
        %swap3A_635 = vector.shape_cast %get3A_270 : vector<16xf32> to vector<1x1x16xf32>
        tpu.vector_store %arg6[%swap3A_630, %swap3A_631, %swap3A_632], %swap3A_635 {strides = array<i32>} : memref<2x128x256xf32, #tpu.memory_space<vmem>>, vector<1x1x16xf32>,
        %swap3A_636 = arith.constant 1 : i32
        %swap3A_637 = arith.index_cast %swap3A_636 : i32 to index
        %swap3A_638 = arith.index_cast %add3A_552 : i32 to index
        %swap3A_639 = arith.constant 192 : index
        %swap3A_640 = tpu.vector_load %arg6[%swap3A_637, %swap3A_638, %swap3A_639] {strides = array<i32>} : memref<2x128x256xf32, #tpu.memory_space<vmem>>, vector<1x1x16xf32>,
        %swap3A_641 = vector.shape_cast %swap3A_640 : vector<1x1x16xf32> to vector<16xf32>
        %swap3A_642 = vector.shape_cast %get3A_275 : vector<16xf32> to vector<1x1x16xf32>
        tpu.vector_store %arg6[%swap3A_637, %swap3A_638, %swap3A_639], %swap3A_642 {strides = array<i32>} : memref<2x128x256xf32, #tpu.memory_space<vmem>>, vector<1x1x16xf32>,
        %swap3A_643 = arith.constant 1 : i32
        %swap3A_644 = arith.index_cast %swap3A_643 : i32 to index
        %swap3A_645 = arith.index_cast %add3A_552 : i32 to index
        %swap3A_646 = arith.constant 208 : index
        %swap3A_647 = tpu.vector_load %arg6[%swap3A_644, %swap3A_645, %swap3A_646] {strides = array<i32>} : memref<2x128x256xf32, #tpu.memory_space<vmem>>, vector<1x1x16xf32>,
        %swap3A_648 = vector.shape_cast %swap3A_647 : vector<1x1x16xf32> to vector<16xf32>
        %swap3A_649 = vector.shape_cast %get3A_280 : vector<16xf32> to vector<1x1x16xf32>
        tpu.vector_store %arg6[%swap3A_644, %swap3A_645, %swap3A_646], %swap3A_649 {strides = array<i32>} : memref<2x128x256xf32, #tpu.memory_space<vmem>>, vector<1x1x16xf32>,
        %swap3A_650 = arith.constant 1 : i32
        %swap3A_651 = arith.index_cast %swap3A_650 : i32 to index
        %swap3A_652 = arith.index_cast %add3A_552 : i32 to index
        %swap3A_653 = arith.constant 224 : index
        %swap3A_654 = tpu.vector_load %arg6[%swap3A_651, %swap3A_652, %swap3A_653] {strides = array<i32>} : memref<2x128x256xf32, #tpu.memory_space<vmem>>, vector<1x1x16xf32>,
        %swap3A_655 = vector.shape_cast %swap3A_654 : vector<1x1x16xf32> to vector<16xf32>
        %swap3A_656 = vector.shape_cast %get3A_285 : vector<16xf32> to vector<1x1x16xf32>
        tpu.vector_store %arg6[%swap3A_651, %swap3A_652, %swap3A_653], %swap3A_656 {strides = array<i32>} : memref<2x128x256xf32, #tpu.memory_space<vmem>>, vector<1x1x16xf32>,
        %swap3A_657 = arith.constant 1 : i32
        %swap3A_658 = arith.index_cast %swap3A_657 : i32 to index
        %swap3A_659 = arith.index_cast %add3A_552 : i32 to index
        %swap3A_660 = arith.constant 240 : index
        %swap3A_661 = tpu.vector_load %arg6[%swap3A_658, %swap3A_659, %swap3A_660] {strides = array<i32>} : memref<2x128x256xf32, #tpu.memory_space<vmem>>, vector<1x1x16xf32>,
        %swap3A_662 = vector.shape_cast %swap3A_661 : vector<1x1x16xf32> to vector<16xf32>
        %swap3A_663 = vector.shape_cast %get3A_290 : vector<16xf32> to vector<1x1x16xf32>
        tpu.vector_store %arg6[%swap3A_658, %swap3A_659, %swap3A_660], %swap3A_663 {strides = array<i32>} : memref<2x128x256xf32, #tpu.memory_space<vmem>>, vector<1x1x16xf32>,
        %mul3A_664 = arith.constant 4 : i32
        %mul3A_665 = arith.muli %scan3A_205, %mul3A_664 : i32
        %add3A_666 = arith.constant 1 : i32
        %add3A_667 = arith.addi %mul3A_665, %add3A_666 : i32
        %swap3A_668 = arith.constant 1 : i32
        %swap3A_669 = arith.index_cast %swap3A_668 : i32 to index
        %swap3A_670 = arith.index_cast %add3A_667 : i32 to index
        %swap3A_671 = arith.constant 0 : index
        %swap3A_672 = tpu.vector_load %arg6[%swap3A_669, %swap3A_670, %swap3A_671] {strides = array<i32>} : memref<2x128x256xf32, #tpu.memory_space<vmem>>, vector<1x1x16xf32>,
        %swap3A_673 = vector.shape_cast %swap3A_672 : vector<1x1x16xf32> to vector<16xf32>
        %swap3A_674 = vector.shape_cast %get3A_301 : vector<16xf32> to vector<1x1x16xf32>
        tpu.vector_store %arg6[%swap3A_669, %swap3A_670, %swap3A_671], %swap3A_674 {strides = array<i32>} : memref<2x128x256xf32, #tpu.memory_space<vmem>>, vector<1x1x16xf32>,
        %swap3A_675 = arith.constant 1 : i32
        %swap3A_676 = arith.index_cast %swap3A_675 : i32 to index
        %swap3A_677 = arith.index_cast %add3A_667 : i32 to index
        %swap3A_678 = arith.constant 16 : index
        %swap3A_679 = tpu.vector_load %arg6[%swap3A_676, %swap3A_677, %swap3A_678] {strides = array<i32>} : memref<2x128x256xf32, #tpu.memory_space<vmem>>, vector<1x1x16xf32>,
        %swap3A_680 = vector.shape_cast %swap3A_679 : vector<1x1x16xf32> to vector<16xf32>
        %swap3A_681 = vector.shape_cast %get3A_306 : vector<16xf32> to vector<1x1x16xf32>
        tpu.vector_store %arg6[%swap3A_676, %swap3A_677, %swap3A_678], %swap3A_681 {strides = array<i32>} : memref<2x128x256xf32, #tpu.memory_space<vmem>>, vector<1x1x16xf32>,
        %swap3A_682 = arith.constant 1 : i32
        %swap3A_683 = arith.index_cast %swap3A_682 : i32 to index
        %swap3A_684 = arith.index_cast %add3A_667 : i32 to index
        %swap3A_685 = arith.constant 32 : index
        %swap3A_686 = tpu.vector_load %arg6[%swap3A_683, %swap3A_684, %swap3A_685] {strides = array<i32>} : memref<2x128x256xf32, #tpu.memory_space<vmem>>, vector<1x1x16xf32>,
        %swap3A_687 = vector.shape_cast %swap3A_686 : vector<1x1x16xf32> to vector<16xf32>
        %swap3A_688 = vector.shape_cast %get3A_311 : vector<16xf32> to vector<1x1x16xf32>
        tpu.vector_store %arg6[%swap3A_683, %swap3A_684, %swap3A_685], %swap3A_688 {strides = array<i32>} : memref<2x128x256xf32, #tpu.memory_space<vmem>>, vector<1x1x16xf32>,
        %swap3A_689 = arith.constant 1 : i32
        %swap3A_690 = arith.index_cast %swap3A_689 : i32 to index
        %swap3A_691 = arith.index_cast %add3A_667 : i32 to index
        %swap3A_692 = arith.constant 48 : index
        %swap3A_693 = tpu.vector_load %arg6[%swap3A_690, %swap3A_691, %swap3A_692] {strides = array<i32>} : memref<2x128x256xf32, #tpu.memory_space<vmem>>, vector<1x1x16xf32>,
        %swap3A_694 = vector.shape_cast %swap3A_693 : vector<1x1x16xf32> to vector<16xf32>
        %swap3A_695 = vector.shape_cast %get3A_316 : vector<16xf32> to vector<1x1x16xf32>
        tpu.vector_store %arg6[%swap3A_690, %swap3A_691, %swap3A_692], %swap3A_695 {strides = array<i32>} : memref<2x128x256xf32, #tpu.memory_space<vmem>>, vector<1x1x16xf32>,
        %swap3A_696 = arith.constant 1 : i32
        %swap3A_697 = arith.index_cast %swap3A_696 : i32 to index
        %swap3A_698 = arith.index_cast %add3A_667 : i32 to index
        %swap3A_699 = arith.constant 64 : index
        %swap3A_700 = tpu.vector_load %arg6[%swap3A_697, %swap3A_698, %swap3A_699] {strides = array<i32>} : memref<2x128x256xf32, #tpu.memory_space<vmem>>, vector<1x1x16xf32>,
        %swap3A_701 = vector.shape_cast %swap3A_700 : vector<1x1x16xf32> to vector<16xf32>
        %swap3A_702 = vector.shape_cast %get3A_321 : vector<16xf32> to vector<1x1x16xf32>
        tpu.vector_store %arg6[%swap3A_697, %swap3A_698, %swap3A_699], %swap3A_702 {strides = array<i32>} : memref<2x128x256xf32, #tpu.memory_space<vmem>>, vector<1x1x16xf32>,
        %swap3A_703 = arith.constant 1 : i32
        %swap3A_704 = arith.index_cast %swap3A_703 : i32 to index
        %swap3A_705 = arith.index_cast %add3A_667 : i32 to index
        %swap3A_706 = arith.constant 80 : index
        %swap3A_707 = tpu.vector_load %arg6[%swap3A_704, %swap3A_705, %swap3A_706] {strides = array<i32>} : memref<2x128x256xf32, #tpu.memory_space<vmem>>, vector<1x1x16xf32>,
        %swap3A_708 = vector.shape_cast %swap3A_707 : vector<1x1x16xf32> to vector<16xf32>
        %swap3A_709 = vector.shape_cast %get3A_326 : vector<16xf32> to vector<1x1x16xf32>
        tpu.vector_store %arg6[%swap3A_704, %swap3A_705, %swap3A_706], %swap3A_709 {strides = array<i32>} : memref<2x128x256xf32, #tpu.memory_space<vmem>>, vector<1x1x16xf32>,
        %swap3A_710 = arith.constant 1 : i32
        %swap3A_711 = arith.index_cast %swap3A_710 : i32 to index
        %swap3A_712 = arith.index_cast %add3A_667 : i32 to index
        %swap3A_713 = arith.constant 96 : index
        %swap3A_714 = tpu.vector_load %arg6[%swap3A_711, %swap3A_712, %swap3A_713] {strides = array<i32>} : memref<2x128x256xf32, #tpu.memory_space<vmem>>, vector<1x1x16xf32>,
        %swap3A_715 = vector.shape_cast %swap3A_714 : vector<1x1x16xf32> to vector<16xf32>
        %swap3A_716 = vector.shape_cast %get3A_331 : vector<16xf32> to vector<1x1x16xf32>
        tpu.vector_store %arg6[%swap3A_711, %swap3A_712, %swap3A_713], %swap3A_716 {strides = array<i32>} : memref<2x128x256xf32, #tpu.memory_space<vmem>>, vector<1x1x16xf32>,
        %swap3A_717 = arith.constant 1 : i32
        %swap3A_718 = arith.index_cast %swap3A_717 : i32 to index
        %swap3A_719 = arith.index_cast %add3A_667 : i32 to index
        %swap3A_720 = arith.constant 112 : index
        %swap3A_721 = tpu.vector_load %arg6[%swap3A_718, %swap3A_719, %swap3A_720] {strides = array<i32>} : memref<2x128x256xf32, #tpu.memory_space<vmem>>, vector<1x1x16xf32>,
        %swap3A_722 = vector.shape_cast %swap3A_721 : vector<1x1x16xf32> to vector<16xf32>
        %swap3A_723 = vector.shape_cast %get3A_336 : vector<16xf32> to vector<1x1x16xf32>
        tpu.vector_store %arg6[%swap3A_718, %swap3A_719, %swap3A_720], %swap3A_723 {strides = array<i32>} : memref<2x128x256xf32, #tpu.memory_space<vmem>>, vector<1x1x16xf32>,
        %swap3A_724 = arith.constant 1 : i32
        %swap3A_725 = arith.index_cast %swap3A_724 : i32 to index
        %swap3A_726 = arith.index_cast %add3A_667 : i32 to index
        %swap3A_727 = arith.constant 128 : index
        %swap3A_728 = tpu.vector_load %arg6[%swap3A_725, %swap3A_726, %swap3A_727] {strides = array<i32>} : memref<2x128x256xf32, #tpu.memory_space<vmem>>, vector<1x1x16xf32>,
        %swap3A_729 = vector.shape_cast %swap3A_728 : vector<1x1x16xf32> to vector<16xf32>
        %swap3A_730 = vector.shape_cast %get3A_341 : vector<16xf32> to vector<1x1x16xf32>
        tpu.vector_store %arg6[%swap3A_725, %swap3A_726, %swap3A_727], %swap3A_730 {strides = array<i32>} : memref<2x128x256xf32, #tpu.memory_space<vmem>>, vector<1x1x16xf32>,
        %swap3A_731 = arith.constant 1 : i32
        %swap3A_732 = arith.index_cast %swap3A_731 : i32 to index
        %swap3A_733 = arith.index_cast %add3A_667 : i32 to index
        %swap3A_734 = arith.constant 144 : index
        %swap3A_735 = tpu.vector_load %arg6[%swap3A_732, %swap3A_733, %swap3A_734] {strides = array<i32>} : memref<2x128x256xf32, #tpu.memory_space<vmem>>, vector<1x1x16xf32>,
        %swap3A_736 = vector.shape_cast %swap3A_735 : vector<1x1x16xf32> to vector<16xf32>
        %swap3A_737 = vector.shape_cast %get3A_346 : vector<16xf32> to vector<1x1x16xf32>
        tpu.vector_store %arg6[%swap3A_732, %swap3A_733, %swap3A_734], %swap3A_737 {strides = array<i32>} : memref<2x128x256xf32, #tpu.memory_space<vmem>>, vector<1x1x16xf32>,
        %swap3A_738 = arith.constant 1 : i32
        %swap3A_739 = arith.index_cast %swap3A_738 : i32 to index
        %swap3A_740 = arith.index_cast %add3A_667 : i32 to index
        %swap3A_741 = arith.constant 160 : index
        %swap3A_742 = tpu.vector_load %arg6[%swap3A_739, %swap3A_740, %swap3A_741] {strides = array<i32>} : memref<2x128x256xf32, #tpu.memory_space<vmem>>, vector<1x1x16xf32>,
        %swap3A_743 = vector.shape_cast %swap3A_742 : vector<1x1x16xf32> to vector<16xf32>
        %swap3A_744 = vector.shape_cast %get3A_351 : vector<16xf32> to vector<1x1x16xf32>
        tpu.vector_store %arg6[%swap3A_739, %swap3A_740, %swap3A_741], %swap3A_744 {strides = array<i32>} : memref<2x128x256xf32, #tpu.memory_space<vmem>>, vector<1x1x16xf32>,
        %swap3A_745 = arith.constant 1 : i32
        %swap3A_746 = arith.index_cast %swap3A_745 : i32 to index
        %swap3A_747 = arith.index_cast %add3A_667 : i32 to index
        %swap3A_748 = arith.constant 176 : index
        %swap3A_749 = tpu.vector_load %arg6[%swap3A_746, %swap3A_747, %swap3A_748] {strides = array<i32>} : memref<2x128x256xf32, #tpu.memory_space<vmem>>, vector<1x1x16xf32>,
        %swap3A_750 = vector.shape_cast %swap3A_749 : vector<1x1x16xf32> to vector<16xf32>
        %swap3A_751 = vector.shape_cast %get3A_356 : vector<16xf32> to vector<1x1x16xf32>
        tpu.vector_store %arg6[%swap3A_746, %swap3A_747, %swap3A_748], %swap3A_751 {strides = array<i32>} : memref<2x128x256xf32, #tpu.memory_space<vmem>>, vector<1x1x16xf32>,
        %swap3A_752 = arith.constant 1 : i32
        %swap3A_753 = arith.index_cast %swap3A_752 : i32 to index
        %swap3A_754 = arith.index_cast %add3A_667 : i32 to index
        %swap3A_755 = arith.constant 192 : index
        %swap3A_756 = tpu.vector_load %arg6[%swap3A_753, %swap3A_754, %swap3A_755] {strides = array<i32>} : memref<2x128x256xf32, #tpu.memory_space<vmem>>, vector<1x1x16xf32>,
        %swap3A_757 = vector.shape_cast %swap3A_756 : vector<1x1x16xf32> to vector<16xf32>
        %swap3A_758 = vector.shape_cast %get3A_361 : vector<16xf32> to vector<1x1x16xf32>
        tpu.vector_store %arg6[%swap3A_753, %swap3A_754, %swap3A_755], %swap3A_758 {strides = array<i32>} : memref<2x128x256xf32, #tpu.memory_space<vmem>>, vector<1x1x16xf32>,
        %swap3A_759 = arith.constant 1 : i32
        %swap3A_760 = arith.index_cast %swap3A_759 : i32 to index
        %swap3A_761 = arith.index_cast %add3A_667 : i32 to index
        %swap3A_762 = arith.constant 208 : index
        %swap3A_763 = tpu.vector_load %arg6[%swap3A_760, %swap3A_761, %swap3A_762] {strides = array<i32>} : memref<2x128x256xf32, #tpu.memory_space<vmem>>, vector<1x1x16xf32>,
        %swap3A_764 = vector.shape_cast %swap3A_763 : vector<1x1x16xf32> to vector<16xf32>
        %swap3A_765 = vector.shape_cast %get3A_366 : vector<16xf32> to vector<1x1x16xf32>
        tpu.vector_store %arg6[%swap3A_760, %swap3A_761, %swap3A_762], %swap3A_765 {strides = array<i32>} : memref<2x128x256xf32, #tpu.memory_space<vmem>>, vector<1x1x16xf32>,
        %swap3A_766 = arith.constant 1 : i32
        %swap3A_767 = arith.index_cast %swap3A_766 : i32 to index
        %swap3A_768 = arith.index_cast %add3A_667 : i32 to index
        %swap3A_769 = arith.constant 224 : index
        %swap3A_770 = tpu.vector_load %arg6[%swap3A_767, %swap3A_768, %swap3A_769] {strides = array<i32>} : memref<2x128x256xf32, #tpu.memory_space<vmem>>, vector<1x1x16xf32>,
        %swap3A_771 = vector.shape_cast %swap3A_770 : vector<1x1x16xf32> to vector<16xf32>
        %swap3A_772 = vector.shape_cast %get3A_371 : vector<16xf32> to vector<1x1x16xf32>
        tpu.vector_store %arg6[%swap3A_767, %swap3A_768, %swap3A_769], %swap3A_772 {strides = array<i32>} : memref<2x128x256xf32, #tpu.memory_space<vmem>>, vector<1x1x16xf32>,
        %swap3A_773 = arith.constant 1 : i32
        %swap3A_774 = arith.index_cast %swap3A_773 : i32 to index
        %swap3A_775 = arith.index_cast %add3A_667 : i32 to index
        %swap3A_776 = arith.constant 240 : index
        %swap3A_777 = tpu.vector_load %arg6[%swap3A_774, %swap3A_775, %swap3A_776] {strides = array<i32>} : memref<2x128x256xf32, #tpu.memory_space<vmem>>, vector<1x1x16xf32>,
        %swap3A_778 = vector.shape_cast %swap3A_777 : vector<1x1x16xf32> to vector<16xf32>
        %swap3A_779 = vector.shape_cast %get3A_376 : vector<16xf32> to vector<1x1x16xf32>
        tpu.vector_store %arg6[%swap3A_774, %swap3A_775, %swap3A_776], %swap3A_779 {strides = array<i32>} : memref<2x128x256xf32, #tpu.memory_space<vmem>>, vector<1x1x16xf32>,
        %mul3A_780 = arith.constant 4 : i32
        %mul3A_781 = arith.muli %scan3A_205, %mul3A_780 : i32
        %add3A_782 = arith.constant 2 : i32
        %add3A_783 = arith.addi %mul3A_781, %add3A_782 : i32
        %swap3A_784 = arith.constant 1 : i32
        %swap3A_785 = arith.index_cast %swap3A_784 : i32 to index
        %swap3A_786 = arith.index_cast %add3A_783 : i32 to index
        %swap3A_787 = arith.constant 0 : index
        %swap3A_788 = tpu.vector_load %arg6[%swap3A_785, %swap3A_786, %swap3A_787] {strides = array<i32>} : memref<2x128x256xf32, #tpu.memory_space<vmem>>, vector<1x1x16xf32>,
        %swap3A_789 = vector.shape_cast %swap3A_788 : vector<1x1x16xf32> to vector<16xf32>
        %swap3A_790 = vector.shape_cast %get3A_387 : vector<16xf32> to vector<1x1x16xf32>
        tpu.vector_store %arg6[%swap3A_785, %swap3A_786, %swap3A_787], %swap3A_790 {strides = array<i32>} : memref<2x128x256xf32, #tpu.memory_space<vmem>>, vector<1x1x16xf32>,
        %swap3A_791 = arith.constant 1 : i32
        %swap3A_792 = arith.index_cast %swap3A_791 : i32 to index
        %swap3A_793 = arith.index_cast %add3A_783 : i32 to index
        %swap3A_794 = arith.constant 16 : index
        %swap3A_795 = tpu.vector_load %arg6[%swap3A_792, %swap3A_793, %swap3A_794] {strides = array<i32>} : memref<2x128x256xf32, #tpu.memory_space<vmem>>, vector<1x1x16xf32>,
        %swap3A_796 = vector.shape_cast %swap3A_795 : vector<1x1x16xf32> to vector<16xf32>
        %swap3A_797 = vector.shape_cast %get3A_392 : vector<16xf32> to vector<1x1x16xf32>
        tpu.vector_store %arg6[%swap3A_792, %swap3A_793, %swap3A_794], %swap3A_797 {strides = array<i32>} : memref<2x128x256xf32, #tpu.memory_space<vmem>>, vector<1x1x16xf32>,
        %swap3A_798 = arith.constant 1 : i32
        %swap3A_799 = arith.index_cast %swap3A_798 : i32 to index
        %swap3A_800 = arith.index_cast %add3A_783 : i32 to index
        %swap3A_801 = arith.constant 32 : index
        %swap3A_802 = tpu.vector_load %arg6[%swap3A_799, %swap3A_800, %swap3A_801] {strides = array<i32>} : memref<2x128x256xf32, #tpu.memory_space<vmem>>, vector<1x1x16xf32>,
        %swap3A_803 = vector.shape_cast %swap3A_802 : vector<1x1x16xf32> to vector<16xf32>
        %swap3A_804 = vector.shape_cast %get3A_397 : vector<16xf32> to vector<1x1x16xf32>
        tpu.vector_store %arg6[%swap3A_799, %swap3A_800, %swap3A_801], %swap3A_804 {strides = array<i32>} : memref<2x128x256xf32, #tpu.memory_space<vmem>>, vector<1x1x16xf32>,
        %swap3A_805 = arith.constant 1 : i32
        %swap3A_806 = arith.index_cast %swap3A_805 : i32 to index
        %swap3A_807 = arith.index_cast %add3A_783 : i32 to index
        %swap3A_808 = arith.constant 48 : index
        %swap3A_809 = tpu.vector_load %arg6[%swap3A_806, %swap3A_807, %swap3A_808] {strides = array<i32>} : memref<2x128x256xf32, #tpu.memory_space<vmem>>, vector<1x1x16xf32>,
        %swap3A_810 = vector.shape_cast %swap3A_809 : vector<1x1x16xf32> to vector<16xf32>
        %swap3A_811 = vector.shape_cast %get3A_402 : vector<16xf32> to vector<1x1x16xf32>
        tpu.vector_store %arg6[%swap3A_806, %swap3A_807, %swap3A_808], %swap3A_811 {strides = array<i32>} : memref<2x128x256xf32, #tpu.memory_space<vmem>>, vector<1x1x16xf32>,
        %swap3A_812 = arith.constant 1 : i32
        %swap3A_813 = arith.index_cast %swap3A_812 : i32 to index
        %swap3A_814 = arith.index_cast %add3A_783 : i32 to index
        %swap3A_815 = arith.constant 64 : index
        %swap3A_816 = tpu.vector_load %arg6[%swap3A_813, %swap3A_814, %swap3A_815] {strides = array<i32>} : memref<2x128x256xf32, #tpu.memory_space<vmem>>, vector<1x1x16xf32>,
        %swap3A_817 = vector.shape_cast %swap3A_816 : vector<1x1x16xf32> to vector<16xf32>
        %swap3A_818 = vector.shape_cast %get3A_407 : vector<16xf32> to vector<1x1x16xf32>
        tpu.vector_store %arg6[%swap3A_813, %swap3A_814, %swap3A_815], %swap3A_818 {strides = array<i32>} : memref<2x128x256xf32, #tpu.memory_space<vmem>>, vector<1x1x16xf32>,
        %swap3A_819 = arith.constant 1 : i32
        %swap3A_820 = arith.index_cast %swap3A_819 : i32 to index
        %swap3A_821 = arith.index_cast %add3A_783 : i32 to index
        %swap3A_822 = arith.constant 80 : index
        %swap3A_823 = tpu.vector_load %arg6[%swap3A_820, %swap3A_821, %swap3A_822] {strides = array<i32>} : memref<2x128x256xf32, #tpu.memory_space<vmem>>, vector<1x1x16xf32>,
        %swap3A_824 = vector.shape_cast %swap3A_823 : vector<1x1x16xf32> to vector<16xf32>
        %swap3A_825 = vector.shape_cast %get3A_412 : vector<16xf32> to vector<1x1x16xf32>
        tpu.vector_store %arg6[%swap3A_820, %swap3A_821, %swap3A_822], %swap3A_825 {strides = array<i32>} : memref<2x128x256xf32, #tpu.memory_space<vmem>>, vector<1x1x16xf32>,
        %swap3A_826 = arith.constant 1 : i32
        %swap3A_827 = arith.index_cast %swap3A_826 : i32 to index
        %swap3A_828 = arith.index_cast %add3A_783 : i32 to index
        %swap3A_829 = arith.constant 96 : index
        %swap3A_830 = tpu.vector_load %arg6[%swap3A_827, %swap3A_828, %swap3A_829] {strides = array<i32>} : memref<2x128x256xf32, #tpu.memory_space<vmem>>, vector<1x1x16xf32>,
        %swap3A_831 = vector.shape_cast %swap3A_830 : vector<1x1x16xf32> to vector<16xf32>
        %swap3A_832 = vector.shape_cast %get3A_417 : vector<16xf32> to vector<1x1x16xf32>
        tpu.vector_store %arg6[%swap3A_827, %swap3A_828, %swap3A_829], %swap3A_832 {strides = array<i32>} : memref<2x128x256xf32, #tpu.memory_space<vmem>>, vector<1x1x16xf32>,
        %swap3A_833 = arith.constant 1 : i32
        %swap3A_834 = arith.index_cast %swap3A_833 : i32 to index
        %swap3A_835 = arith.index_cast %add3A_783 : i32 to index
        %swap3A_836 = arith.constant 112 : index
        %swap3A_837 = tpu.vector_load %arg6[%swap3A_834, %swap3A_835, %swap3A_836] {strides = array<i32>} : memref<2x128x256xf32, #tpu.memory_space<vmem>>, vector<1x1x16xf32>,
        %swap3A_838 = vector.shape_cast %swap3A_837 : vector<1x1x16xf32> to vector<16xf32>
        %swap3A_839 = vector.shape_cast %get3A_422 : vector<16xf32> to vector<1x1x16xf32>
        tpu.vector_store %arg6[%swap3A_834, %swap3A_835, %swap3A_836], %swap3A_839 {strides = array<i32>} : memref<2x128x256xf32, #tpu.memory_space<vmem>>, vector<1x1x16xf32>,
        %swap3A_840 = arith.constant 1 : i32
        %swap3A_841 = arith.index_cast %swap3A_840 : i32 to index
        %swap3A_842 = arith.index_cast %add3A_783 : i32 to index
        %swap3A_843 = arith.constant 128 : index
        %swap3A_844 = tpu.vector_load %arg6[%swap3A_841, %swap3A_842, %swap3A_843] {strides = array<i32>} : memref<2x128x256xf32, #tpu.memory_space<vmem>>, vector<1x1x16xf32>,
        %swap3A_845 = vector.shape_cast %swap3A_844 : vector<1x1x16xf32> to vector<16xf32>
        %swap3A_846 = vector.shape_cast %get3A_427 : vector<16xf32> to vector<1x1x16xf32>
        tpu.vector_store %arg6[%swap3A_841, %swap3A_842, %swap3A_843], %swap3A_846 {strides = array<i32>} : memref<2x128x256xf32, #tpu.memory_space<vmem>>, vector<1x1x16xf32>,
        %swap3A_847 = arith.constant 1 : i32
        %swap3A_848 = arith.index_cast %swap3A_847 : i32 to index
        %swap3A_849 = arith.index_cast %add3A_783 : i32 to index
        %swap3A_850 = arith.constant 144 : index
        %swap3A_851 = tpu.vector_load %arg6[%swap3A_848, %swap3A_849, %swap3A_850] {strides = array<i32>} : memref<2x128x256xf32, #tpu.memory_space<vmem>>, vector<1x1x16xf32>,
        %swap3A_852 = vector.shape_cast %swap3A_851 : vector<1x1x16xf32> to vector<16xf32>
        %swap3A_853 = vector.shape_cast %get3A_432 : vector<16xf32> to vector<1x1x16xf32>
        tpu.vector_store %arg6[%swap3A_848, %swap3A_849, %swap3A_850], %swap3A_853 {strides = array<i32>} : memref<2x128x256xf32, #tpu.memory_space<vmem>>, vector<1x1x16xf32>,
        %swap3A_854 = arith.constant 1 : i32
        %swap3A_855 = arith.index_cast %swap3A_854 : i32 to index
        %swap3A_856 = arith.index_cast %add3A_783 : i32 to index
        %swap3A_857 = arith.constant 160 : index
        %swap3A_858 = tpu.vector_load %arg6[%swap3A_855, %swap3A_856, %swap3A_857] {strides = array<i32>} : memref<2x128x256xf32, #tpu.memory_space<vmem>>, vector<1x1x16xf32>,
        %swap3A_859 = vector.shape_cast %swap3A_858 : vector<1x1x16xf32> to vector<16xf32>
        %swap3A_860 = vector.shape_cast %get3A_437 : vector<16xf32> to vector<1x1x16xf32>
        tpu.vector_store %arg6[%swap3A_855, %swap3A_856, %swap3A_857], %swap3A_860 {strides = array<i32>} : memref<2x128x256xf32, #tpu.memory_space<vmem>>, vector<1x1x16xf32>,
        %swap3A_861 = arith.constant 1 : i32
        %swap3A_862 = arith.index_cast %swap3A_861 : i32 to index
        %swap3A_863 = arith.index_cast %add3A_783 : i32 to index
        %swap3A_864 = arith.constant 176 : index
        %swap3A_865 = tpu.vector_load %arg6[%swap3A_862, %swap3A_863, %swap3A_864] {strides = array<i32>} : memref<2x128x256xf32, #tpu.memory_space<vmem>>, vector<1x1x16xf32>,
        %swap3A_866 = vector.shape_cast %swap3A_865 : vector<1x1x16xf32> to vector<16xf32>
        %swap3A_867 = vector.shape_cast %get3A_442 : vector<16xf32> to vector<1x1x16xf32>
        tpu.vector_store %arg6[%swap3A_862, %swap3A_863, %swap3A_864], %swap3A_867 {strides = array<i32>} : memref<2x128x256xf32, #tpu.memory_space<vmem>>, vector<1x1x16xf32>,
        %swap3A_868 = arith.constant 1 : i32
        %swap3A_869 = arith.index_cast %swap3A_868 : i32 to index
        %swap3A_870 = arith.index_cast %add3A_783 : i32 to index
        %swap3A_871 = arith.constant 192 : index
        %swap3A_872 = tpu.vector_load %arg6[%swap3A_869, %swap3A_870, %swap3A_871] {strides = array<i32>} : memref<2x128x256xf32, #tpu.memory_space<vmem>>, vector<1x1x16xf32>,
        %swap3A_873 = vector.shape_cast %swap3A_872 : vector<1x1x16xf32> to vector<16xf32>
        %swap3A_874 = vector.shape_cast %get3A_447 : vector<16xf32> to vector<1x1x16xf32>
        tpu.vector_store %arg6[%swap3A_869, %swap3A_870, %swap3A_871], %swap3A_874 {strides = array<i32>} : memref<2x128x256xf32, #tpu.memory_space<vmem>>, vector<1x1x16xf32>,
        %swap3A_875 = arith.constant 1 : i32
        %swap3A_876 = arith.index_cast %swap3A_875 : i32 to index
        %swap3A_877 = arith.index_cast %add3A_783 : i32 to index
        %swap3A_878 = arith.constant 208 : index
        %swap3A_879 = tpu.vector_load %arg6[%swap3A_876, %swap3A_877, %swap3A_878] {strides = array<i32>} : memref<2x128x256xf32, #tpu.memory_space<vmem>>, vector<1x1x16xf32>,
        %swap3A_880 = vector.shape_cast %swap3A_879 : vector<1x1x16xf32> to vector<16xf32>
        %swap3A_881 = vector.shape_cast %get3A_452 : vector<16xf32> to vector<1x1x16xf32>
        tpu.vector_store %arg6[%swap3A_876, %swap3A_877, %swap3A_878], %swap3A_881 {strides = array<i32>} : memref<2x128x256xf32, #tpu.memory_space<vmem>>, vector<1x1x16xf32>,
        %swap3A_882 = arith.constant 1 : i32
        %swap3A_883 = arith.index_cast %swap3A_882 : i32 to index
        %swap3A_884 = arith.index_cast %add3A_783 : i32 to index
        %swap3A_885 = arith.constant 224 : index
        %swap3A_886 = tpu.vector_load %arg6[%swap3A_883, %swap3A_884, %swap3A_885] {strides = array<i32>} : memref<2x128x256xf32, #tpu.memory_space<vmem>>, vector<1x1x16xf32>,
        %swap3A_887 = vector.shape_cast %swap3A_886 : vector<1x1x16xf32> to vector<16xf32>
        %swap3A_888 = vector.shape_cast %get3A_457 : vector<16xf32> to vector<1x1x16xf32>
        tpu.vector_store %arg6[%swap3A_883, %swap3A_884, %swap3A_885], %swap3A_888 {strides = array<i32>} : memref<2x128x256xf32, #tpu.memory_space<vmem>>, vector<1x1x16xf32>,
        %swap3A_889 = arith.constant 1 : i32
        %swap3A_890 = arith.index_cast %swap3A_889 : i32 to index
        %swap3A_891 = arith.index_cast %add3A_783 : i32 to index
        %swap3A_892 = arith.constant 240 : index
        %swap3A_893 = tpu.vector_load %arg6[%swap3A_890, %swap3A_891, %swap3A_892] {strides = array<i32>} : memref<2x128x256xf32, #tpu.memory_space<vmem>>, vector<1x1x16xf32>,
        %swap3A_894 = vector.shape_cast %swap3A_893 : vector<1x1x16xf32> to vector<16xf32>
        %swap3A_895 = vector.shape_cast %get3A_462 : vector<16xf32> to vector<1x1x16xf32>
        tpu.vector_store %arg6[%swap3A_890, %swap3A_891, %swap3A_892], %swap3A_895 {strides = array<i32>} : memref<2x128x256xf32, #tpu.memory_space<vmem>>, vector<1x1x16xf32>,
        %mul3A_896 = arith.constant 4 : i32
        %mul3A_897 = arith.muli %scan3A_205, %mul3A_896 : i32
        %add3A_898 = arith.constant 3 : i32
        %add3A_899 = arith.addi %mul3A_897, %add3A_898 : i32
        %swap3A_900 = arith.constant 1 : i32
        %swap3A_901 = arith.index_cast %swap3A_900 : i32 to index
        %swap3A_902 = arith.index_cast %add3A_899 : i32 to index
        %swap3A_903 = arith.constant 0 : index
        %swap3A_904 = tpu.vector_load %arg6[%swap3A_901, %swap3A_902, %swap3A_903] {strides = array<i32>} : memref<2x128x256xf32, #tpu.memory_space<vmem>>, vector<1x1x16xf32>,
        %swap3A_905 = vector.shape_cast %swap3A_904 : vector<1x1x16xf32> to vector<16xf32>
        %swap3A_906 = vector.shape_cast %get3A_473 : vector<16xf32> to vector<1x1x16xf32>
        tpu.vector_store %arg6[%swap3A_901, %swap3A_902, %swap3A_903], %swap3A_906 {strides = array<i32>} : memref<2x128x256xf32, #tpu.memory_space<vmem>>, vector<1x1x16xf32>,
        %swap3A_907 = arith.constant 1 : i32
        %swap3A_908 = arith.index_cast %swap3A_907 : i32 to index
        %swap3A_909 = arith.index_cast %add3A_899 : i32 to index
        %swap3A_910 = arith.constant 16 : index
        %swap3A_911 = tpu.vector_load %arg6[%swap3A_908, %swap3A_909, %swap3A_910] {strides = array<i32>} : memref<2x128x256xf32, #tpu.memory_space<vmem>>, vector<1x1x16xf32>,
        %swap3A_912 = vector.shape_cast %swap3A_911 : vector<1x1x16xf32> to vector<16xf32>
        %swap3A_913 = vector.shape_cast %get3A_478 : vector<16xf32> to vector<1x1x16xf32>
        tpu.vector_store %arg6[%swap3A_908, %swap3A_909, %swap3A_910], %swap3A_913 {strides = array<i32>} : memref<2x128x256xf32, #tpu.memory_space<vmem>>, vector<1x1x16xf32>,
        %swap3A_914 = arith.constant 1 : i32
        %swap3A_915 = arith.index_cast %swap3A_914 : i32 to index
        %swap3A_916 = arith.index_cast %add3A_899 : i32 to index
        %swap3A_917 = arith.constant 32 : index
        %swap3A_918 = tpu.vector_load %arg6[%swap3A_915, %swap3A_916, %swap3A_917] {strides = array<i32>} : memref<2x128x256xf32, #tpu.memory_space<vmem>>, vector<1x1x16xf32>,
        %swap3A_919 = vector.shape_cast %swap3A_918 : vector<1x1x16xf32> to vector<16xf32>
        %swap3A_920 = vector.shape_cast %get3A_483 : vector<16xf32> to vector<1x1x16xf32>
        tpu.vector_store %arg6[%swap3A_915, %swap3A_916, %swap3A_917], %swap3A_920 {strides = array<i32>} : memref<2x128x256xf32, #tpu.memory_space<vmem>>, vector<1x1x16xf32>,
        %swap3A_921 = arith.constant 1 : i32
        %swap3A_922 = arith.index_cast %swap3A_921 : i32 to index
        %swap3A_923 = arith.index_cast %add3A_899 : i32 to index
        %swap3A_924 = arith.constant 48 : index
        %swap3A_925 = tpu.vector_load %arg6[%swap3A_922, %swap3A_923, %swap3A_924] {strides = array<i32>} : memref<2x128x256xf32, #tpu.memory_space<vmem>>, vector<1x1x16xf32>,
        %swap3A_926 = vector.shape_cast %swap3A_925 : vector<1x1x16xf32> to vector<16xf32>
        %swap3A_927 = vector.shape_cast %get3A_488 : vector<16xf32> to vector<1x1x16xf32>
        tpu.vector_store %arg6[%swap3A_922, %swap3A_923, %swap3A_924], %swap3A_927 {strides = array<i32>} : memref<2x128x256xf32, #tpu.memory_space<vmem>>, vector<1x1x16xf32>,
        %swap3A_928 = arith.constant 1 : i32
        %swap3A_929 = arith.index_cast %swap3A_928 : i32 to index
        %swap3A_930 = arith.index_cast %add3A_899 : i32 to index
        %swap3A_931 = arith.constant 64 : index
        %swap3A_932 = tpu.vector_load %arg6[%swap3A_929, %swap3A_930, %swap3A_931] {strides = array<i32>} : memref<2x128x256xf32, #tpu.memory_space<vmem>>, vector<1x1x16xf32>,
        %swap3A_933 = vector.shape_cast %swap3A_932 : vector<1x1x16xf32> to vector<16xf32>
        %swap3A_934 = vector.shape_cast %get3A_493 : vector<16xf32> to vector<1x1x16xf32>
        tpu.vector_store %arg6[%swap3A_929, %swap3A_930, %swap3A_931], %swap3A_934 {strides = array<i32>} : memref<2x128x256xf32, #tpu.memory_space<vmem>>, vector<1x1x16xf32>,
        %swap3A_935 = arith.constant 1 : i32
        %swap3A_936 = arith.index_cast %swap3A_935 : i32 to index
        %swap3A_937 = arith.index_cast %add3A_899 : i32 to index
        %swap3A_938 = arith.constant 80 : index
        %swap3A_939 = tpu.vector_load %arg6[%swap3A_936, %swap3A_937, %swap3A_938] {strides = array<i32>} : memref<2x128x256xf32, #tpu.memory_space<vmem>>, vector<1x1x16xf32>,
        %swap3A_940 = vector.shape_cast %swap3A_939 : vector<1x1x16xf32> to vector<16xf32>
        %swap3A_941 = vector.shape_cast %get3A_498 : vector<16xf32> to vector<1x1x16xf32>
        tpu.vector_store %arg6[%swap3A_936, %swap3A_937, %swap3A_938], %swap3A_941 {strides = array<i32>} : memref<2x128x256xf32, #tpu.memory_space<vmem>>, vector<1x1x16xf32>,
        %swap3A_942 = arith.constant 1 : i32
        %swap3A_943 = arith.index_cast %swap3A_942 : i32 to index
        %swap3A_944 = arith.index_cast %add3A_899 : i32 to index
        %swap3A_945 = arith.constant 96 : index
        %swap3A_946 = tpu.vector_load %arg6[%swap3A_943, %swap3A_944, %swap3A_945] {strides = array<i32>} : memref<2x128x256xf32, #tpu.memory_space<vmem>>, vector<1x1x16xf32>,
        %swap3A_947 = vector.shape_cast %swap3A_946 : vector<1x1x16xf32> to vector<16xf32>
        %swap3A_948 = vector.shape_cast %get3A_503 : vector<16xf32> to vector<1x1x16xf32>
        tpu.vector_store %arg6[%swap3A_943, %swap3A_944, %swap3A_945], %swap3A_948 {strides = array<i32>} : memref<2x128x256xf32, #tpu.memory_space<vmem>>, vector<1x1x16xf32>,
        %swap3A_949 = arith.constant 1 : i32
        %swap3A_950 = arith.index_cast %swap3A_949 : i32 to index
        %swap3A_951 = arith.index_cast %add3A_899 : i32 to index
        %swap3A_952 = arith.constant 112 : index
        %swap3A_953 = tpu.vector_load %arg6[%swap3A_950, %swap3A_951, %swap3A_952] {strides = array<i32>} : memref<2x128x256xf32, #tpu.memory_space<vmem>>, vector<1x1x16xf32>,
        %swap3A_954 = vector.shape_cast %swap3A_953 : vector<1x1x16xf32> to vector<16xf32>
        %swap3A_955 = vector.shape_cast %get3A_508 : vector<16xf32> to vector<1x1x16xf32>
        tpu.vector_store %arg6[%swap3A_950, %swap3A_951, %swap3A_952], %swap3A_955 {strides = array<i32>} : memref<2x128x256xf32, #tpu.memory_space<vmem>>, vector<1x1x16xf32>,
        %swap3A_956 = arith.constant 1 : i32
        %swap3A_957 = arith.index_cast %swap3A_956 : i32 to index
        %swap3A_958 = arith.index_cast %add3A_899 : i32 to index
        %swap3A_959 = arith.constant 128 : index
        %swap3A_960 = tpu.vector_load %arg6[%swap3A_957, %swap3A_958, %swap3A_959] {strides = array<i32>} : memref<2x128x256xf32, #tpu.memory_space<vmem>>, vector<1x1x16xf32>,
        %swap3A_961 = vector.shape_cast %swap3A_960 : vector<1x1x16xf32> to vector<16xf32>
        %swap3A_962 = vector.shape_cast %get3A_513 : vector<16xf32> to vector<1x1x16xf32>
        tpu.vector_store %arg6[%swap3A_957, %swap3A_958, %swap3A_959], %swap3A_962 {strides = array<i32>} : memref<2x128x256xf32, #tpu.memory_space<vmem>>, vector<1x1x16xf32>,
        %swap3A_963 = arith.constant 1 : i32
        %swap3A_964 = arith.index_cast %swap3A_963 : i32 to index
        %swap3A_965 = arith.index_cast %add3A_899 : i32 to index
        %swap3A_966 = arith.constant 144 : index
        %swap3A_967 = tpu.vector_load %arg6[%swap3A_964, %swap3A_965, %swap3A_966] {strides = array<i32>} : memref<2x128x256xf32, #tpu.memory_space<vmem>>, vector<1x1x16xf32>,
        %swap3A_968 = vector.shape_cast %swap3A_967 : vector<1x1x16xf32> to vector<16xf32>
        %swap3A_969 = vector.shape_cast %get3A_518 : vector<16xf32> to vector<1x1x16xf32>
        tpu.vector_store %arg6[%swap3A_964, %swap3A_965, %swap3A_966], %swap3A_969 {strides = array<i32>} : memref<2x128x256xf32, #tpu.memory_space<vmem>>, vector<1x1x16xf32>,
        %swap3A_970 = arith.constant 1 : i32
        %swap3A_971 = arith.index_cast %swap3A_970 : i32 to index
        %swap3A_972 = arith.index_cast %add3A_899 : i32 to index
        %swap3A_973 = arith.constant 160 : index
        %swap3A_974 = tpu.vector_load %arg6[%swap3A_971, %swap3A_972, %swap3A_973] {strides = array<i32>} : memref<2x128x256xf32, #tpu.memory_space<vmem>>, vector<1x1x16xf32>,
        %swap3A_975 = vector.shape_cast %swap3A_974 : vector<1x1x16xf32> to vector<16xf32>
        %swap3A_976 = vector.shape_cast %get3A_523 : vector<16xf32> to vector<1x1x16xf32>
        tpu.vector_store %arg6[%swap3A_971, %swap3A_972, %swap3A_973], %swap3A_976 {strides = array<i32>} : memref<2x128x256xf32, #tpu.memory_space<vmem>>, vector<1x1x16xf32>,
        %swap3A_977 = arith.constant 1 : i32
        %swap3A_978 = arith.index_cast %swap3A_977 : i32 to index
        %swap3A_979 = arith.index_cast %add3A_899 : i32 to index
        %swap3A_980 = arith.constant 176 : index
        %swap3A_981 = tpu.vector_load %arg6[%swap3A_978, %swap3A_979, %swap3A_980] {strides = array<i32>} : memref<2x128x256xf32, #tpu.memory_space<vmem>>, vector<1x1x16xf32>,
        %swap3A_982 = vector.shape_cast %swap3A_981 : vector<1x1x16xf32> to vector<16xf32>
        %swap3A_983 = vector.shape_cast %get3A_528 : vector<16xf32> to vector<1x1x16xf32>
        tpu.vector_store %arg6[%swap3A_978, %swap3A_979, %swap3A_980], %swap3A_983 {strides = array<i32>} : memref<2x128x256xf32, #tpu.memory_space<vmem>>, vector<1x1x16xf32>,
        %swap3A_984 = arith.constant 1 : i32
        %swap3A_985 = arith.index_cast %swap3A_984 : i32 to index
        %swap3A_986 = arith.index_cast %add3A_899 : i32 to index
        %swap3A_987 = arith.constant 192 : index
        %swap3A_988 = tpu.vector_load %arg6[%swap3A_985, %swap3A_986, %swap3A_987] {strides = array<i32>} : memref<2x128x256xf32, #tpu.memory_space<vmem>>, vector<1x1x16xf32>,
        %swap3A_989 = vector.shape_cast %swap3A_988 : vector<1x1x16xf32> to vector<16xf32>
        %swap3A_990 = vector.shape_cast %get3A_533 : vector<16xf32> to vector<1x1x16xf32>
        tpu.vector_store %arg6[%swap3A_985, %swap3A_986, %swap3A_987], %swap3A_990 {strides = array<i32>} : memref<2x128x256xf32, #tpu.memory_space<vmem>>, vector<1x1x16xf32>,
        %swap3A_991 = arith.constant 1 : i32
        %swap3A_992 = arith.index_cast %swap3A_991 : i32 to index
        %swap3A_993 = arith.index_cast %add3A_899 : i32 to index
        %swap3A_994 = arith.constant 208 : index
        %swap3A_995 = tpu.vector_load %arg6[%swap3A_992, %swap3A_993, %swap3A_994] {strides = array<i32>} : memref<2x128x256xf32, #tpu.memory_space<vmem>>, vector<1x1x16xf32>,
        %swap3A_996 = vector.shape_cast %swap3A_995 : vector<1x1x16xf32> to vector<16xf32>
        %swap3A_997 = vector.shape_cast %get3A_538 : vector<16xf32> to vector<1x1x16xf32>
        tpu.vector_store %arg6[%swap3A_992, %swap3A_993, %swap3A_994], %swap3A_997 {strides = array<i32>} : memref<2x128x256xf32, #tpu.memory_space<vmem>>, vector<1x1x16xf32>,
        %swap3A_998 = arith.constant 1 : i32
        %swap3A_999 = arith.index_cast %swap3A_998 : i32 to index
        %swap3A_1000 = arith.index_cast %add3A_899 : i32 to index
        %swap3A_1001 = arith.constant 224 : index
        %swap3A_1002 = tpu.vector_load %arg6[%swap3A_999, %swap3A_1000, %swap3A_1001] {strides = array<i32>} : memref<2x128x256xf32, #tpu.memory_space<vmem>>, vector<1x1x16xf32>,
        %swap3A_1003 = vector.shape_cast %swap3A_1002 : vector<1x1x16xf32> to vector<16xf32>
        %swap3A_1004 = vector.shape_cast %get3A_543 : vector<16xf32> to vector<1x1x16xf32>
        tpu.vector_store %arg6[%swap3A_999, %swap3A_1000, %swap3A_1001], %swap3A_1004 {strides = array<i32>} : memref<2x128x256xf32, #tpu.memory_space<vmem>>, vector<1x1x16xf32>,
        %swap3A_1005 = arith.constant 1 : i32
        %swap3A_1006 = arith.index_cast %swap3A_1005 : i32 to index
        %swap3A_1007 = arith.index_cast %add3A_899 : i32 to index
        %swap3A_1008 = arith.constant 240 : index
        %swap3A_1009 = tpu.vector_load %arg6[%swap3A_1006, %swap3A_1007, %swap3A_1008] {strides = array<i32>} : memref<2x128x256xf32, #tpu.memory_space<vmem>>, vector<1x1x16xf32>,
        %swap3A_1010 = vector.shape_cast %swap3A_1009 : vector<1x1x16xf32> to vector<16xf32>
        %swap3A_1011 = vector.shape_cast %get3A_548 : vector<16xf32> to vector<1x1x16xf32>
        tpu.vector_store %arg6[%swap3A_1006, %swap3A_1007, %swap3A_1008], %swap3A_1011 {strides = array<i32>} : memref<2x128x256xf32, #tpu.memory_space<vmem>>, vector<1x1x16xf32>,
      }
      %scan3A_172 = arith.constant 32 : i32
      %mul3A_173 = arith.constant 128 : i32
      %mul3A_174 = arith.muli %add3A_144, %mul3A_173 : i32
      %add3A_175 = arith.addi %mul3A_2, %mul3A_174 : i32
      %dma_start3A_176 = arith.constant 1 : i32
      %dma_start3A_177 = arith.constant 0 : i32
      %dma_start3A_178 = arith.constant 0 : i32
      %dma_start3A_179 = tpu.memref_slice %arg6[%dma_start3A_176, %dma_start3A_177, %dma_start3A_178] : memref<2x128x256xf32, #tpu.memory_space<vmem>> -> memref<1x128x256xf32, #tpu.memory_space<vmem>>
      %dma_start3A_180 = tpu.memref_squeeze %dma_start3A_179 : memref<1x128x256xf32, #tpu.memory_space<vmem>> -> memref<128x256xf32, #tpu.memory_space<vmem>>
      %dma_start3A_181 = arith.constant 0 : i32
      %dma_start3A_182 = tpu.memref_slice %arg4[%add3A_175, %dma_start3A_181] : memref<3276800x256xf32, #tpu.memory_space<hbm>> -> memref<128x256xf32, #tpu.memory_space<hbm>>
      %dma_start3A_183 = arith.constant 0 : i32
      %dma_start3A_184 = tpu.memref_slice %arg4[%add3A_175, %dma_start3A_183] : memref<3276800x256xf32, #tpu.memory_space<hbm>> -> memref<128x256xf32, #tpu.memory_space<hbm>>
      %dma_start3A_185 = arith.constant 0 : i32
      %dma_start3A_186 = arith.constant 0 : i32
      %dma_start3A_187 = tpu.memref_slice %arg6[%dma_start3A_176, %dma_start3A_185, %dma_start3A_186] : memref<2x128x256xf32, #tpu.memory_space<vmem>> -> memref<1x128x256xf32, #tpu.memory_space<vmem>>
      %dma_start3A_188 = tpu.memref_squeeze %dma_start3A_187 : memref<1x128x256xf32, #tpu.memory_space<vmem>> -> memref<128x256xf32, #tpu.memory_space<vmem>>
      tpu.enqueue_dma source(%dma_start3A_188 : memref<128x256xf32, #tpu.memory_space<vmem>>) target(%dma_start3A_184 : memref<128x256xf32, #tpu.memory_space<hbm>>) target_semaphore(%arg12 : memref<!tpu.dma_semaphore, #tpu.memory_space<semaphore_mem>>)
      %add3A_189 = arith.constant 2 : i32
      %add3A_190 = arith.addi %add3A_144, %add3A_189 : i32
      %min3A_191 = arith.constant 799 : i32
      %min3A_192 = arith.minsi %add3A_190, %min3A_191 : i32
      %mul3A_193 = arith.constant 128 : i32
      %mul3A_194 = arith.muli %min3A_192, %mul3A_193 : i32
      %add3A_195 = arith.addi %mul3A_2, %mul3A_194 : i32
      %dma_start3A_196 = arith.constant 1 : i32
      %dma_start3A_197 = arith.constant 0 : i32
      %dma_start3A_198 = tpu.memref_slice %arg5[%dma_start3A_196, %dma_start3A_197] : memref<2x128xi32, #tpu.memory_space<vmem>> -> memref<1x128xi32, #tpu.memory_space<vmem>>
      %dma_start3A_199 = tpu.memref_squeeze %dma_start3A_198 : memref<1x128xi32, #tpu.memory_space<vmem>> -> memref<128xi32, #tpu.memory_space<vmem>>
      %dma_start3A_200 = tpu.memref_slice %arg2[%add3A_195] : memref<3276800xi32, #tpu.memory_space<hbm>> -> memref<128xi32, #tpu.memory_space<hbm>>
      %dma_start3A_201 = arith.constant 0 : i32
      %dma_start3A_202 = tpu.memref_slice %arg5[%dma_start3A_196, %dma_start3A_201] : memref<2x128xi32, #tpu.memory_space<vmem>> -> memref<1x128xi32, #tpu.memory_space<vmem>>
      %dma_start3A_203 = tpu.memref_squeeze %dma_start3A_202 : memref<1x128xi32, #tpu.memory_space<vmem>> -> memref<128xi32, #tpu.memory_space<vmem>>
      %dma_start3A_204 = tpu.memref_slice %arg2[%add3A_195] : memref<3276800xi32, #tpu.memory_space<hbm>> -> memref<128xi32, #tpu.memory_space<hbm>>
      tpu.enqueue_dma source(%dma_start3A_204 : memref<128xi32, #tpu.memory_space<hbm>>) target(%dma_start3A_203 : memref<128xi32, #tpu.memory_space<vmem>>) target_semaphore(%arg10 : memref<!tpu.dma_semaphore, #tpu.memory_space<semaphore_mem>>)
    }
    %scan3A_28 = arith.constant 400 : i32
    %add3A_29 = arith.constant 0 : i32
    %add3A_30 = arith.addi %mul3A_2, %add3A_29 : i32
    %dma_wait3A = arith.constant 0 : i32
    %dma_wait3A_31 = arith.constant 0 : i32
    %dma_wait3A_32 = tpu.memref_slice %arg5[%dma_wait3A, %dma_wait3A_31] : memref<2x128xi32, #tpu.memory_space<vmem>> -> memref<1x128xi32, #tpu.memory_space<vmem>>
    %dma_wait3A_33 = tpu.memref_squeeze %dma_wait3A_32 : memref<1x128xi32, #tpu.memory_space<vmem>> -> memref<128xi32, #tpu.memory_space<vmem>>
    %dma_wait3A_34 = tpu.memref_slice %arg2[%add3A_30] : memref<3276800xi32, #tpu.memory_space<hbm>> -> memref<128xi32, #tpu.memory_space<hbm>>
    %dma_wait3A_35 = arith.constant 0 : i32
    %dma_wait3A_36 = tpu.memref_slice %arg5[%dma_wait3A, %dma_wait3A_35] : memref<2x128xi32, #tpu.memory_space<vmem>> -> memref<1x128xi32, #tpu.memory_space<vmem>>
    %dma_wait3A_37 = tpu.memref_squeeze %dma_wait3A_36 : memref<1x128xi32, #tpu.memory_space<vmem>> -> memref<128xi32, #tpu.memory_space<vmem>>
    %dma_wait3A_38 = tpu.memref_slice %arg2[%add3A_30] : memref<3276800xi32, #tpu.memory_space<hbm>> -> memref<128xi32, #tpu.memory_space<hbm>>
    tpu.wait_dma2 semaphore(%arg9 : memref<!tpu.dma_semaphore, #tpu.memory_space<semaphore_mem>>) src(%dma_wait3A_38 : memref<128xi32, #tpu.memory_space<hbm>>) dst(%dma_wait3A_37 : memref<128xi32, #tpu.memory_space<vmem>>)
    %add3A_39 = arith.constant 0 : i32
    %add3A_40 = arith.addi %mul3A_2, %add3A_39 : i32
    %dma_wait3A_41 = arith.constant 0 : i32
    %dma_wait3A_42 = arith.constant 0 : i32
    %dma_wait3A_43 = arith.constant 0 : i32
    %dma_wait3A_44 = tpu.memref_slice %arg6[%dma_wait3A_41, %dma_wait3A_42, %dma_wait3A_43] : memref<2x128x256xf32, #tpu.memory_space<vmem>> -> memref<1x128x256xf32, #tpu.memory_space<vmem>>
    %dma_wait3A_45 = tpu.memref_squeeze %dma_wait3A_44 : memref<1x128x256xf32, #tpu.memory_space<vmem>> -> memref<128x256xf32, #tpu.memory_space<vmem>>
    %dma_wait3A_46 = arith.constant 0 : i32
    %dma_wait3A_47 = tpu.memref_slice %arg4[%add3A_40, %dma_wait3A_46] : memref<3276800x256xf32, #tpu.memory_space<hbm>> -> memref<128x256xf32, #tpu.memory_space<hbm>>
    %dma_wait3A_48 = arith.constant 0 : i32
    %dma_wait3A_49 = tpu.memref_slice %arg4[%add3A_40, %dma_wait3A_48] : memref<3276800x256xf32, #tpu.memory_space<hbm>> -> memref<128x256xf32, #tpu.memory_space<hbm>>
    %dma_wait3A_50 = arith.constant 0 : i32
    %dma_wait3A_51 = arith.constant 0 : i32
    %dma_wait3A_52 = tpu.memref_slice %arg6[%dma_wait3A_41, %dma_wait3A_50, %dma_wait3A_51] : memref<2x128x256xf32, #tpu.memory_space<vmem>> -> memref<1x128x256xf32, #tpu.memory_space<vmem>>
    %dma_wait3A_53 = tpu.memref_squeeze %dma_wait3A_52 : memref<1x128x256xf32, #tpu.memory_space<vmem>> -> memref<128x256xf32, #tpu.memory_space<vmem>>
    tpu.wait_dma2 semaphore(%arg11 : memref<!tpu.dma_semaphore, #tpu.memory_space<semaphore_mem>>) src(%dma_wait3A_53 : memref<128x256xf32, #tpu.memory_space<vmem>>) dst(%dma_wait3A_49 : memref<128x256xf32, #tpu.memory_space<hbm>>)
    %add3A_54 = arith.constant 0 : i32
    %add3A_55 = arith.addi %mul3A_2, %add3A_54 : i32
    %dma_wait3A_56 = arith.constant 1 : i32
    %dma_wait3A_57 = arith.constant 0 : i32
    %dma_wait3A_58 = tpu.memref_slice %arg5[%dma_wait3A_56, %dma_wait3A_57] : memref<2x128xi32, #tpu.memory_space<vmem>> -> memref<1x128xi32, #tpu.memory_space<vmem>>
    %dma_wait3A_59 = tpu.memref_squeeze %dma_wait3A_58 : memref<1x128xi32, #tpu.memory_space<vmem>> -> memref<128xi32, #tpu.memory_space<vmem>>
    %dma_wait3A_60 = tpu.memref_slice %arg2[%add3A_55] : memref<3276800xi32, #tpu.memory_space<hbm>> -> memref<128xi32, #tpu.memory_space<hbm>>
    %dma_wait3A_61 = arith.constant 0 : i32
    %dma_wait3A_62 = tpu.memref_slice %arg5[%dma_wait3A_56, %dma_wait3A_61] : memref<2x128xi32, #tpu.memory_space<vmem>> -> memref<1x128xi32, #tpu.memory_space<vmem>>
    %dma_wait3A_63 = tpu.memref_squeeze %dma_wait3A_62 : memref<1x128xi32, #tpu.memory_space<vmem>> -> memref<128xi32, #tpu.memory_space<vmem>>
    %dma_wait3A_64 = tpu.memref_slice %arg2[%add3A_55] : memref<3276800xi32, #tpu.memory_space<hbm>> -> memref<128xi32, #tpu.memory_space<hbm>>
    tpu.wait_dma2 semaphore(%arg10 : memref<!tpu.dma_semaphore, #tpu.memory_space<semaphore_mem>>) src(%dma_wait3A_64 : memref<128xi32, #tpu.memory_space<hbm>>) dst(%dma_wait3A_63 : memref<128xi32, #tpu.memory_space<vmem>>)
    %add3A_65 = arith.constant 0 : i32
    %add3A_66 = arith.addi %mul3A_2, %add3A_65 : i32
    %dma_wait3A_67 = arith.constant 1 : i32
    %dma_wait3A_68 = arith.constant 0 : i32
    %dma_wait3A_69 = arith.constant 0 : i32
    %dma_wait3A_70 = tpu.memref_slice %arg6[%dma_wait3A_67, %dma_wait3A_68, %dma_wait3A_69] : memref<2x128x256xf32, #tpu.memory_space<vmem>> -> memref<1x128x256xf32, #tpu.memory_space<vmem>>
    %dma_wait3A_71 = tpu.memref_squeeze %dma_wait3A_70 : memref<1x128x256xf32, #tpu.memory_space<vmem>> -> memref<128x256xf32, #tpu.memory_space<vmem>>
    %dma_wait3A_72 = arith.constant 0 : i32
    %dma_wait3A_73 = tpu.memref_slice %arg4[%add3A_66, %dma_wait3A_72] : memref<3276800x256xf32, #tpu.memory_space<hbm>> -> memref<128x256xf32, #tpu.memory_space<hbm>>
    %dma_wait3A_74 = arith.constant 0 : i32
    %dma_wait3A_75 = tpu.memref_slice %arg4[%add3A_66, %dma_wait3A_74] : memref<3276800x256xf32, #tpu.memory_space<hbm>> -> memref<128x256xf32, #tpu.memory_space<hbm>>
    %dma_wait3A_76 = arith.constant 0 : i32
    %dma_wait3A_77 = arith.constant 0 : i32
    %dma_wait3A_78 = tpu.memref_slice %arg6[%dma_wait3A_67, %dma_wait3A_76, %dma_wait3A_77] : memref<2x128x256xf32, #tpu.memory_space<vmem>> -> memref<1x128x256xf32, #tpu.memory_space<vmem>>
    %dma_wait3A_79 = tpu.memref_squeeze %dma_wait3A_78 : memref<1x128x256xf32, #tpu.memory_space<vmem>> -> memref<128x256xf32, #tpu.memory_space<vmem>>
    tpu.wait_dma2 semaphore(%arg12 : memref<!tpu.dma_semaphore, #tpu.memory_space<semaphore_mem>>) src(%dma_wait3A_79 : memref<128x256xf32, #tpu.memory_space<vmem>>) dst(%dma_wait3A_75 : memref<128x256xf32, #tpu.memory_space<hbm>>)
    return
  }
}

</mosaic_0001>

<sc_bundles>
// kernel: kernel.3.cloned.1.call-start
scs
__scs_entry_jumppad:
0x0: {  	(pc) =	sbr.rel $0x88, $3  }
0x1: {  	(tag) =	ssettag $0x0;
	lr =	simm.s32 $0x1  }
0x2: {  	[smem:$0x3F9F] =	sst lr;
	_ =	strace $0xD0000000  }
0x3: {  	_ = 	snop  }
0x4: {  	_ = 	snop  }
0x5: {  	_ = 	snop  }
0x6: {  	_ = 	snop  }
0x7: {  	_ = 	snop  }
__scs_overlays_trampoline_lowered:
0x8: {  	[smem:$0x3FAE] =	sst s0  }
0x9: {  	[smem:$0x3FAF] =	sst s1  }
0xa: {  	[smem:$0x3FB0] =	sst s2  }
0xb: {  	[smem:$0x3FB1] =	sst s3  }
0xc: {  	[smem:$0x3FB2] =	sst s4  }
0xd: {  	[smem:$0x3FB3] =	sst s5  }
0xe: {  	[smem:$0x3FB4] =	sst s6  }
0xf: {  	[smem:$0x3FB5] =	sst s7  }
0x10: {  	[smem:$0x3FB6] =	sst s8  }
0x11: {  	[smem:$0x3FB7] =	sst s9;
	s0 =	simm.s32 @!p0 $0x0  }
0x12: {  	s1 =	sld [smem:$0x3F9D];
	s0 =	simm.s32 @p0 $0x1  }
0x13: {  	[smem:$0x3FB8] =	sst s0;
	s0 =	simm.s32 @!p1 $0x0  }
0x14: {  	s2 =	sld [smem:$0x3F9C];
	s0 =	simm.s32 @p1 $0x1  }
0x15: {  	[smem:$0x3FB9] =	sst s0;
	s0 =	simm.s32 @!p2 $0x0  }
0x16: {  	s3 =	sld [smem:$0x3FDB];
	s0 =	simm.s32 @p2 $0x1  }
0x17: {  	s4 =	simm.s32 $0x1BF5;
	[smem:$0x3FBB] =	sst s0  }
0x18: {  	s0 =	sld [smem:$0x3F9E];
	_ =	swait.ge [sflag:s4], $0x0  }
0x19: {  	s7 =	sld [smem:$0x3F9F]  }
0x1a: {  	s8 =	sadd.s32 $0xFFFFE003, lr  }
0x1b: {  	s9 =	sadd.s32 $0xFFFFFEF7, lr;
	s5 =	simm.s32 $0xFFFFFFFF;
	p2 =	slt.u32 s8, $0xFFFFF086  }
0x1c: {  	p1 =	slt.u32 s9, $0xF7A;
	s5 =	simm.s32 @!p2 $0x0  }
0x1d: {  	s5 =	simm.s32 @p1 $0x1;
	p0 =	seq.s32 s7, s2  }
0x1e: {  	s7 =	smul.u32 @!p0 $0xF7A, s2;
	p2 =	seq.s32 @!p0 s5, $0x0  }
0x1f: {  	s9 =	smul.u32 $0xF7A, s1;
	s8 =	simm.s32 @!p0 $0x1BF5;
	p2 =	por !p2, p0  }
0x20: {  	[sflag:s8] =	ssyncset.s32 @!p0 $0xFFFFF086;
	s6 =	sadd.s32 @!p0 s3, s7;
	s7 =	simm.s32 @!p0 $0x108  }
0x21: {  	s3 =	sadd.s32 s3, s9;
	s6 =	sadd.s32 @!p0 $0x88, s6;
	s7 =	simm.s32 @p2 $0x1082  }
0x22: {  	[simem:s7], [sflag:s8] =	dma.local @!p0 [hbm:s6], $0xF7A  }
0x23: {  	s9 =	sor.u32 $0xD0000000, s2;
	s6 =	simm.s32 $0x108;
	_ =	swait.ge @!p0 [sflag:s8], $0x0  }
0x24: {  	s3 =	sadd.s32 $0x88, s3;
	s6 =	simm.s32 @!p1 $0x1082;
	[sflag:s4] =	ssyncset.s32 $0xFFFFF086  }
0x25: {  	[simem:s6], [sflag:s4] =	dma.local [hbm:s3], $0xF7A  }
0x26: {  	[smem:$0x3F9F] =	sst s1;
	(tag) =	ssettag s2;
	_ =	strace s9  }
0x27: {  	s1 =	sld [smem:$0x3FAF]  }
0x28: {  	s2 =	sld [smem:$0x3FB0]  }
0x29: {  	s4 =	sld [smem:$0x3FB2]  }
0x2a: {  	p0 =	seq.s32 s5, $0x0;
	s5 =	sld [smem:$0x3FB3]  }
0x2b: {  	s6 =	sld [smem:$0x3FB4]  }
0x2c: {  	s7 =	sld [smem:$0x3FB5]  }
0x2d: {  	s3 =	simm.s32 $0x108;
	s8 =	sld [smem:$0x3FB6]  }
0x2e: {  	s3 =	simm.s32 @!p0 $0x1082;
	s9 =	sld [smem:$0x3FB7]  }
0x2f: {  	lr =	sadd.s32 s0, s3;
	s0 =	sld [smem:$0x3FAE]  }
0x30: {  	s3 =	sld [smem:$0x3FB1]  }
0x31: {  	[smem:$0x3FBA] =	sst s10  }
0x32: {  	s10 =	sld [smem:$0x3FB8];
	_ =	sdelay $0x3  }
0x33: {  	p0 =	seq.s32 s10, $0x1;
	s10 =	sld [smem:$0x3FBA];
	_ =	sdelay $0x3  }
0x34: {  	[smem:$0x3FBA] =	sst s10  }
0x35: {  	s10 =	sld [smem:$0x3FB9];
	_ =	sdelay $0x3  }
0x36: {  	p1 =	seq.s32 s10, $0x1;
	s10 =	sld [smem:$0x3FBA];
	_ =	sdelay $0x3  }
0x37: {  	[smem:$0x3FBA] =	sst s10  }
0x38: {  	s10 =	sld [smem:$0x3FBB]  }
0x39: {  	_ = 	snop;
	(pc) =	sbr.ind lr, $3  }
0x3a: {  	_ = 	snop  }
0x3b: {  	_ = 	snop  }
0x3c: {  	p2 =	seq.s32 s10, $0x1;
	s10 =	sld [smem:$0x3FBA]  }
0x3d: {  	_ =	shalt  }
0x3e: {  	_ =	shalt  }
0x3f: {  	_ =	shalt  }
0x40: {  	_ =	shalt  }
0x41: {  	_ =	shalt  }
0x42: {  	_ =	shalt  }
0x43: {  	_ =	shalt  }
0x44: {  	_ =	shalt  }
0x45: {  	_ =	shalt  }
0x46: {  	_ =	shalt  }
0x47: {  	_ =	shalt  }
0x48: {  	_ =	shalt  }
0x49: {  	_ =	shalt  }
0x4a: {  	_ =	shalt  }
0x4b: {  	_ =	shalt  }
0x4c: {  	_ =	shalt  }
0x4d: {  	_ =	shalt  }
0x4e: {  	_ =	shalt  }
0x4f: {  	_ =	shalt  }
0x50: {  	_ =	shalt  }
0x51: {  	_ =	shalt  }
0x52: {  	_ =	shalt  }
0x53: {  	_ =	shalt  }
0x54: {  	_ =	shalt  }
0x55: {  	_ =	shalt  }
0x56: {  	_ =	shalt  }
0x57: {  	_ =	shalt  }
0x58: {  	_ =	shalt  }
0x59: {  	_ =	shalt  }
0x5a: {  	_ =	shalt  }
0x5b: {  	_ =	shalt  }
0x5c: {  	_ =	shalt  }
0x5d: {  	_ =	shalt  }
0x5e: {  	_ =	shalt  }
0x5f: {  	_ =	shalt  }
0x60: {  	_ =	shalt  }
0x61: {  	_ =	shalt  }
0x62: {  	_ =	shalt  }
0x63: {  	_ =	shalt  }
0x64: {  	_ =	shalt  }
0x65: {  	_ =	shalt  }
0x66: {  	_ =	shalt  }
0x67: {  	_ =	shalt  }
0x68: {  	_ =	shalt  }
0x69: {  	_ =	shalt  }
0x6a: {  	_ =	shalt  }
0x6b: {  	_ =	shalt  }
0x6c: {  	_ =	shalt  }
0x6d: {  	_ =	shalt  }
0x6e: {  	_ =	shalt  }
0x6f: {  	_ =	shalt  }
0x70: {  	_ =	shalt  }
0x71: {  	_ =	shalt  }
0x72: {  	_ =	shalt  }
0x73: {  	_ =	shalt  }
0x74: {  	_ =	shalt  }
0x75: {  	_ =	shalt  }
0x76: {  	_ =	shalt  }
0x77: {  	_ =	shalt  }
0x78: {  	_ =	shalt  }
0x79: {  	_ =	shalt  }
0x7a: {  	_ =	shalt  }
0x7b: {  	_ =	shalt  }
0x7c: {  	_ =	shalt  }
0x7d: {  	_ =	shalt  }
0x7e: {  	_ =	shalt  }
0x7f: {  	_ =	shalt  }
0x80: {  	_ =	shalt  }
0x81: {  	_ =	shalt  }
0x82: {  	_ =	shalt  }
0x83: {  	_ =	shalt  }
0x84: {  	_ =	shalt  }
0x85: {  	_ =	shalt  }
0x86: {  	_ =	shalt  }
0x87: {  	_ =	shalt  }
.Lfunc_end0:
.L_simem_size_0:
called_computation_lowered:
.L_overlay_start_0:
0x88: {  	s2 =	sld [smem:$0x3FD9]  }
0x89: {  	s3 =	sld [smem:$0x3FFE];
	_ =	sdelay $0x1  }
0x8a: {  	s1 =	srdreg.scid  }
0x8b: {  	s0 =	sand.u32 $0x1, s1  }
0x8c: {  	s17 =	sshll.u32 s0, $0xA;
	s2 =	sadd.s32 s3, s2  }
0x8d: {  	s2 =	sadd.s32 s2, s17  }
0x8e: {  	[smem:$0x3FC6] =	sst s2  }
0x8f: {  	_ = 	snop  }
0x90: {  	s2 =	sld [smem:$0x3FD0];
	(tm) =	ssettm $0x1  }
0x91: {  	s18 =	sld [smem:$0x3FFB];
	_ =	sdelay $0x3  }
0x92: {  	_ =	strace s18  }
0x93: {  	s3 =	sld [smem:$0x3FFC];
	_ =	sdelay $0x3  }
0x94: {  	_ =	strace s3  }
0x95: {  	s3 =	sld [smem:$0x3FFD];
	_ =	sdelay $0x3  }
0x96: {  	_ =	strace s3  }
0x97: {  	_ =	strace $0x8FFFFFFF  }
0x98: {  	s19 =	sld [smem:$0x3FDB];
	_ =	sdelay $0x1  }
0x99: {  	s4 =	simm.s32 $_scs_section_size  }
0x9a: {  	s5 =	simm.s32 $_size__tile_overlayer_lowered;
	s6 =	simm.s32 $_tile_overlayer_lowered  }
0x9b: {  	s22 =	simm.s32 $0x1BFF;
	s21 =	sshll.u32 s6, $0x1;
	s3 =	sadd.s32 s4, s19  }
0x9c: {  	s7 =	simm.s32 $0x0;
	s20 =	sshll.u32 s5, $0x1;
	s5 =	sadd.s32 s21, s3  }
0x9d: {  	[timem:s7], [sflag:s22] =	dma.local [hbm:s5], s20  }
0x9e: {  	_ =	swait.ge [sflag:s22], s20  }
0x9f: {  	s4 =	ssub.s32 $0x0, s20;
	[sflag:s22] =	ssyncset.done $0x0  }
0xa0: {  	[sflag:s22] =	ssyncadd.s32 s4;
	_ =	sdelay $0x1  }
0xa1: {  	s23 =	simm.s32 $0x1B8B  }
0xa2: {  	_ =	swait.ge [sflag:s23], $0x1  }
0xa3: {  	[sflag:s23] =	ssyncset.done $0x0  }
0xa4: {  	s25 =	simm.s32 $0x1B8E;
	s24 =	sld [smem:$0x3FFE];
	[sflag:s23] =	ssyncadd.s32 $0xFFFFFFFF  }
0xa5: {  	s26 =	simm.s32 $execute0_lowered;
	[smem:$0x3FD2] =	sst s25  }
0xa6: {  	s5 =	sshll.u32 s26, $0x1;
	_ =	strace $0x80000046;
	[dreg:$0x1] =	wrdreg $0xFFFFFFFF  }
0xa7: {  	s28 =	simm.s32 $_size_execute0_lowered;
	s3 =	sadd.s32 s3, s5;
	[dreg:$0x0] =	wrdreg $0x0  }
0xa8: {  	s5 =	sshll.u32 s28, $0x1;
	[dreg:$0x2] =	wrdreg s3  }
0xa9: {  	[dreg:$0x3] =	wrdreg s5  }
0xaa: {  	[dreg:$0x4] =	wrdreg $0xC0  }
0xab: {  	_ =	task [dreg:s7], $0x5FFFF  }
0xac: {  	[dreg:$0x1] =	wrdreg $0xFFFFFFFF  }
0xad: {  	[dreg:$0x0] =	wrdreg $0x60  }
0xae: {  	[dreg:$0x2] =	wrdreg s24  }
0xaf: {  	[dreg:$0x3] =	wrdreg s2  }
0xb0: {  	[dreg:$0x4] =	wrdreg $0x9  }
0xb1: {  	_ =	task.clear_ibuf [dreg:s7], $0x5FFFF;
	_ =	strace $0x90000046  }
0xb2: {  	s29 =	simm.s32 $0x9;
	_ =	strace $0x80000048  }
0xb3: {  	_ =	swait.ge [sflag:s29], $0x1  }
0xb4: {  	[sflag:s29] =	ssyncadd.s32 $0xFFFFFFFF  }
0xb5: {  	_ =	strace $0x90000048  }
0xb6: {  	_ =	sfence  }
0xb7: {  	s30 =	sld [smem:$0x0];
	_ =	sdelay $0x2  }
0xb8: {  	s31 =	sshll.u32 s1, $0xD;
	s1 =	sshrl.u32 s1, $0x2  }
0xb9: {  	s3 =	sand.u32 $0x4000, s31;
	s1 =	sadd.s32 s1, s30  }
0xba: {  	s0 =	sor.u32 s3, s0;
	s1 =	sshll.u32 s1, $0x11  }
0xbb: {  	s0 =	sor.u32 s1, s0  }
0xbc: {  	s0 =	sadd.s32 $0x8F2B, s0  }
0xbd: {  	[sflag:s0] =	ssyncadd.remote.s32 $0x1  }
0xbe: {  	_ =	sfence.sel $0xFFFF  }
0xbf: {  	[dreg:$0x0] =	wrdreg $0xFFFFFFFF;
	(pc) =	sbr.abs _section_cstart, $3  }
0xc0: {  	[dreg:$0x1] =	wrdreg $0xFFFFFFFF  }
0xc1: {  	_ =	task.clear_ibuf [dreg:s7], $0x2FFFF;
	_ =	strace $0x9FFFFFFF  }
0xc2: {  	(tm) =	ssettm $0x7FFFFFFF  }
0xc3: {  	_ =	shalt  }
tec
execute0_lowered:
.L_overlay_start_1:
0x0: {  	(tag) =	ssettag $0x1  }
0x1: {  	s0 =	rddreg [dreg:$0x0];
	s1 =	srdreg.scid  }
0x2: {  	s3 =	stileid.u32;
	s2 =	rddreg [dreg:$0x1]  }
0x3: {  	s14 =	simm.s32 $0x5;
	s15 =	simm.s32 $0x80;
	s16 =	simm.s32 $0x1  }
0x4: {  	s17 =	simm.s32 $0x100;
	s18 =	simm.s32 $0x2;
	s19 =	simm.s32 $0x8100  }
0x5: {  	s20 =	simm.s32 $0x3;
	s21 =	simm.s32 $0x4;
	s22 =	simm.s32 $0x0  }
0x6: {  	s1 =	sand.u32 $0x1, s1;
	s4 =	sshll.u32 s3, $0x1;
	s3 =	simm.s32 $0x0  }
0x7: {  	s8 =	sor.u32 s1, s4;
	[smem:$0x7FF] =	sst s3;
	s4 =	sadd.s32 $0x800, s0  }
0x8: {  	s0 =	sadd.s32 $0x400, s0;
	s29 =	ssub.s32 $0x2, s1;
	s10 =	smul.u32 $0x19000, s8  }
0x9: {  	_ =	strace $0x80000047;
	[dreg:$0x3] =	wrdreg s0;
	s31 =	smul.u32 $0x320000, s8  }
0xa: {  	s7 =	sshrl.u32 s29, $0x1;
	s8 =	smul.u32 $0x1900000, s8;
	s30 =	sshrl.u32 s10, $0x3  }
0xb: {  	s0 =	ssub.s32 s29, s7;
	s9 =	sor.u32 $0x100, s10;
	s6 =	sadd.s32 s4, s30  }
0xc: {  	s10 =	sor.u32 $0x180, s10;
	s1 =	sadd.s32 s31, s2;
	s5 =	sadd.s32 $0x10, s6  }
0xd: {  	s11 =	smax.u32 s0, $0x1;
	s12 =	sadd.s32 $0x1000, s1;
	[dreg:$0x4] =	wrdreg s5  }
.LBB2_1:
0xe: {  	s0 =	rddreg [dreg:$0x3];
	s1 =	simm.s32 $0x10100  }
0xf: {  	[tilespmem:s1], [sflag:$0x5] =	stream.linear.gather [hbm4b:s0+s3], $0x1900, $0x38;
	[tilespmem:$0x11A00] =	vst v63  }
0x10: {  	_ =	swait.ge [sflag:s14], $0x1900  }
0x11: {  	[sflag:s14] =	ssyncset.done $0x0  }
0x12: {  	[sflag:s14] =	ssyncadd.s32 $0xFFFFE700  }
0x13: {  	[tilespmem:s3], [sflag:$0x1] =	stream.linear.gather [hbm4b:s6+s3], $0x80, $0x38;
	[tilespmem:$0x11A00] =	vst v63  }
0x14: {  	s23 =	simm.s32 $0x0;
	s31 =	rddreg [dreg:$0x4]  }
0x15: {  	[tilespmem:s15], [sflag:$0x2] =	stream.linear.gather [hbm4b:s31+s3], $0x80, $0x38;
	[tilespmem:$0x11A00] =	vst v63  }
.LBB2_2:
0x16: {  	p0 =	seq.s32 s23, $0x0  }
0x17: {  	s0 =	simm.s32 @!p0 $0x3  }
0x18: {  	_ =	swait.ge @!p0 [sflag:s0], $0x8000  }
0x19: {  	[sflag:s0] =	ssyncset.done @!p0 $0x0  }
0x1a: {  	[sflag:s0] =	ssyncadd.s32 @!p0 $0xFFFF8000  }
0x1b: {  	_ =	swait.ge [sflag:s16], $0x80  }
0x1c: {  	[sflag:s16] =	ssyncset.done $0x0  }
0x1d: {  	s28 =	simm.s32 $0x0;
	[sflag:s16] =	ssyncadd.s32 $0xFFFFFF80  }
0x1e: {  	v0 =	vld [tilespmem:s28+$0x0];
	_ =	sdelay $0x4  }
0x1f: {  	v0 =	vshll.u32 v0, $0x8  }
0x20: {  	(v2sf) =	vpush v0, $0x0  }
0x21: {  	(v2sf) =	vpush v0, $0x1;
	_ =	sdelay $0x1  }
0x22: {  	(v2sf) =	vpush v0, $0x2  }
0x23: {  	(v2sf) =	vpush v0, $0x3  }
0x24: {  	(v2sf) =	vpush v0, $0x4  }
0x25: {  	(v2sf) =	vpush v0, $0x5  }
0x26: {  	(v2sf) =	vpush v0, $0x6  }
0x27: {  	(v2sf) =	vpush v0, $0x7  }
0x28: {  	(v2sf) =	vpush v0, $0x8  }
0x29: {  	s26 =	simm.s32 $0x10;
	(v2sf) =	vpush v0, $0x9  }
0x2a: {  	v1 =	vld [tilespmem:s26+$0x0];
	(v2sf) =	vpush v0, $0xA  }
0x2b: {  	(v2sf) =	vpush v0, $0xB  }
0x2c: {  	(v2sf) =	vpush v0, $0xC  }
0x2d: {  	(v2sf) =	vpush v0, $0xD  }
0x2e: {  	(v2sf) =	vpush v0, $0xE;
	s30 =	spop (v2sf)  }
0x2f: {  	(v2sf) =	vpush v0, $0xF;
	v0 =	vshll.u32 v1, $0x8;
	[smem:s28] =	sst s30;
	s31 =	spop (v2sf)  }
0x30: {  	(v2sf) =	vpush v0, $0x0;
	[smem:$0x1] =	sst s31  }
0x31: {  	s0 =	spop (v2sf)  }
0x32: {  	(v2sf) =	vpush v0, $0x1;
	[smem:$0x2] =	sst s0  }
0x33: {  	s0 =	spop (v2sf)  }
0x34: {  	(v2sf) =	vpush v0, $0x2;
	[smem:$0x3] =	sst s0  }
0x35: {  	s0 =	spop (v2sf)  }
0x36: {  	(v2sf) =	vpush v0, $0x3;
	[smem:$0x4] =	sst s0  }
0x37: {  	s0 =	spop (v2sf)  }
0x38: {  	(v2sf) =	vpush v0, $0x4;
	[smem:$0x5] =	sst s0  }
0x39: {  	s0 =	spop (v2sf)  }
0x3a: {  	(v2sf) =	vpush v0, $0x5;
	[smem:$0x6] =	sst s0  }
0x3b: {  	s0 =	spop (v2sf)  }
0x3c: {  	(v2sf) =	vpush v0, $0x6;
	[smem:$0x7] =	sst s0  }
0x3d: {  	s0 =	spop (v2sf)  }
0x3e: {  	(v2sf) =	vpush v0, $0x7;
	[smem:$0x8] =	sst s0  }
0x3f: {  	s0 =	spop (v2sf)  }
0x40: {  	(v2sf) =	vpush v0, $0x8;
	[smem:$0x9] =	sst s0  }
0x41: {  	s0 =	spop (v2sf)  }
0x42: {  	(v2sf) =	vpush v0, $0x9;
	[smem:$0xA] =	sst s0  }
0x43: {  	s0 =	spop (v2sf)  }
0x44: {  	(v2sf) =	vpush v0, $0xA;
	[smem:$0xB] =	sst s0  }
0x45: {  	s29 =	simm.s32 $0x20;
	s0 =	spop (v2sf)  }
0x46: {  	v1 =	vld [tilespmem:s29+$0x0];
	(v2sf) =	vpush v0, $0xB;
	[smem:$0xC] =	sst s0  }
0x47: {  	s0 =	spop (v2sf)  }
0x48: {  	(v2sf) =	vpush v0, $0xC;
	[smem:$0xD] =	sst s0  }
0x49: {  	s0 =	spop (v2sf)  }
0x4a: {  	s24 =	sshll.u32 s23, $0x1;
	(v2sf) =	vpush v0, $0xD;
	[smem:$0xE] =	sst s0  }
0x4b: {  	s25 =	simm.s32 $0x0;
	s1 =	simm.s32 $0xC0;
	s0 =	spop (v2sf)  }
.LBB2_3:
0x4c: {  	p1 =	sne.s32 s1, $0x1C0;
	[smem:s28+$0xF] =	sst s0;
	s0 =	smov.u32 s1  }
0x4d: {  	(v2sf) =	vpush v0, $0xE;
	s1 =	sadd.s32 $0x40, s1;
	s28 =	smov.u32 s26;
	s26 =	smov.u32 s29  }
0x4e: {  	s29 =	spop (v2sf);
	(v2sf) =	vpush v0, $0xF  }
0x4f: {  	v0 =	vshll.u32 v1, $0x8;
	[smem:s28] =	sst s29;
	s29 =	spop (v2sf)  }
0x50: {  	(v2sf) =	vpush v0, $0x0;
	[smem:s28+$0x1] =	sst s29;
	s29 =	spop (v2sf)  }
0x51: {  	(v2sf) =	vpush v0, $0x1;
	[smem:s28+$0x2] =	sst s29;
	s29 =	spop (v2sf)  }
0x52: {  	(v2sf) =	vpush v0, $0x2;
	[smem:s28+$0x3] =	sst s29;
	s29 =	spop (v2sf)  }
0x53: {  	(v2sf) =	vpush v0, $0x3;
	[smem:s28+$0x4] =	sst s29;
	s29 =	spop (v2sf)  }
0x54: {  	(v2sf) =	vpush v0, $0x4;
	[smem:s28+$0x5] =	sst s29;
	s29 =	spop (v2sf)  }
0x55: {  	(v2sf) =	vpush v0, $0x5;
	[smem:s28+$0x6] =	sst s29;
	s29 =	spop (v2sf)  }
0x56: {  	(v2sf) =	vpush v0, $0x6;
	[smem:s28+$0x7] =	sst s29;
	s29 =	spop (v2sf)  }
0x57: {  	(v2sf) =	vpush v0, $0x7;
	[smem:s28+$0x8] =	sst s29;
	s29 =	spop (v2sf)  }
0x58: {  	(v2sf) =	vpush v0, $0x8;
	[smem:s28+$0x9] =	sst s29;
	s29 =	spop (v2sf)  }
0x59: {  	[smem:s28+$0xA] =	sst s29  }
.Ltmp0:
0x5a: {  	(v2sf) =	vpush v0, $0x9;
	s30 =	spop (v2sf);
	(pc) =	sbr.rel @p1 .LBB2_3-.Ltmp0, $4  }
0x5b: {  	s29 =	sshra.s32 s0, $0x2;
	(v2sf) =	vpush v0, $0xA;
	[smem:s28+$0xB] =	sst s30;
	s0 =	spop (v2sf)  }
0x5c: {  	v1 =	vld [tilespmem:s29+$0x0];
	(v2sf) =	vpush v0, $0xB;
	[smem:s28+$0xC] =	sst s0;
	s0 =	spop (v2sf)  }
0x5d: {  	(v2sf) =	vpush v0, $0xC;
	[smem:s28+$0xD] =	sst s0;
	s0 =	spop (v2sf)  }
0x5e: {  	(v2sf) =	vpush v0, $0xD;
	[smem:s28+$0xE] =	sst s0;
	s0 =	spop (v2sf)  }
0x5f: {  	_ = 	snop  }
0x60: {  	(v2sf) =	vpush v0, $0xE  }
0x61: {  	[smem:s28+$0xF] =	sst s0;
	s5 =	spop (v2sf);
	(v2sf) =	vpush v0, $0xF;
	v63 =	vshll.u32 v1, $0x8  }
0x62: {  	[smem:s26] =	sst s5;
	s7 =	spop (v2sf);
	(v2sf) =	vpush v63, $0x0  }
0x63: {  	[smem:s26+$0x1] =	sst s7;
	s13 =	spop (v2sf);
	(v2sf) =	vpush v63, $0x1  }
0x64: {  	[smem:s26+$0x2] =	sst s13;
	s31 =	spop (v2sf);
	(v2sf) =	vpush v63, $0x2  }
0x65: {  	[smem:s26+$0x3] =	sst s31;
	s1 =	spop (v2sf);
	(v2sf) =	vpush v63, $0x3  }
0x66: {  	[smem:s26+$0x4] =	sst s1;
	s5 =	spop (v2sf);
	(v2sf) =	vpush v63, $0x4  }
0x67: {  	[smem:s26+$0x5] =	sst s5;
	s7 =	spop (v2sf);
	(v2sf) =	vpush v63, $0x5  }
0x68: {  	[smem:s26+$0x6] =	sst s7;
	s13 =	spop (v2sf);
	(v2sf) =	vpush v63, $0x6  }
0x69: {  	[smem:s26+$0x7] =	sst s13;
	s31 =	spop (v2sf);
	(v2sf) =	vpush v63, $0x7  }
0x6a: {  	[smem:s26+$0x8] =	sst s31;
	s1 =	spop (v2sf);
	(v2sf) =	vpush v63, $0x8  }
0x6b: {  	[smem:s26+$0x9] =	sst s1;
	s5 =	spop (v2sf);
	(v2sf) =	vpush v63, $0x9  }
0x6c: {  	[smem:s26+$0xA] =	sst s5;
	s7 =	spop (v2sf);
	(v2sf) =	vpush v63, $0xA  }
0x6d: {  	[smem:s26+$0xB] =	sst s7;
	s13 =	spop (v2sf);
	(v2sf) =	vpush v63, $0xB  }
0x6e: {  	[smem:s26+$0xC] =	sst s13;
	s31 =	spop (v2sf);
	(v2sf) =	vpush v63, $0xC  }
0x6f: {  	[smem:s26+$0xD] =	sst s31;
	s1 =	spop (v2sf);
	(v2sf) =	vpush v63, $0xD  }
0x70: {  	[smem:s26+$0xE] =	sst s1;
	s5 =	spop (v2sf);
	(v2sf) =	vpush v63, $0xE  }
0x71: {  	[smem:s26+$0xF] =	sst s5;
	s7 =	spop (v2sf);
	(v2sf) =	vpush v63, $0xF  }
0x72: {  	[smem:s29] =	sst s7;
	s13 =	spop (v2sf)  }
0x73: {  	[smem:s29+$0x1] =	sst s13;
	s26 =	spop (v2sf)  }
0x74: {  	[smem:s29+$0x2] =	sst s26;
	s31 =	spop (v2sf)  }
0x75: {  	[smem:s29+$0x3] =	sst s31;
	s1 =	spop (v2sf)  }
0x76: {  	[smem:s29+$0x4] =	sst s1;
	s5 =	spop (v2sf)  }
0x77: {  	[smem:s29+$0x5] =	sst s5;
	s7 =	spop (v2sf)  }
0x78: {  	[smem:s29+$0x6] =	sst s7;
	s13 =	spop (v2sf)  }
0x79: {  	[smem:s29+$0x7] =	sst s13;
	s26 =	spop (v2sf)  }
0x7a: {  	[smem:s29+$0x8] =	sst s26;
	s31 =	spop (v2sf)  }
0x7b: {  	[smem:s29+$0x9] =	sst s31;
	s1 =	spop (v2sf)  }
0x7c: {  	[smem:s29+$0xA] =	sst s1;
	s5 =	spop (v2sf)  }
0x7d: {  	[smem:s29+$0xB] =	sst s5;
	s7 =	spop (v2sf)  }
0x7e: {  	p1 =	por $0x0, $0x0;
	[smem:s29+$0xC] =	sst s7;
	s13 =	spop (v2sf)  }
0x7f: {  	s28 =	simm.s32 $0x0;
	[smem:s29+$0xD] =	sst s13;
	s26 =	spop (v2sf)  }
0x80: {  	s30 =	simm.s32 $0x0;
	[smem:s29+$0xE] =	sst s26;
	s31 =	spop (v2sf)  }
0x81: {  	s26 =	simm.s32 $0x2;
	[smem:s29+$0xF] =	sst s31;
	s29 =	simm.s32 $0x0  }
.LBB2_5:
0x82: {  	s0 =	sld [smem:s26+$0xFFFFFFFE];
	_ =	sdelay $0x2  }
0x83: {  	v0 =	vld [tilespmem:s0+$0x10100]  }
0x84: {  	v1 =	vld [tilespmem:s0+$0x10110]  }
0x85: {  	v2 =	vld [tilespmem:s0+$0x10120]  }
0x86: {  	v3 =	vld [tilespmem:s0+$0x10130]  }
0x87: {  	v4 =	vld [tilespmem:s0+$0x10140]  }
0x88: {  	v5 =	vld [tilespmem:s0+$0x10150]  }
0x89: {  	v6 =	vld [tilespmem:s0+$0x10160]  }
0x8a: {  	v7 =	vld [tilespmem:s0+$0x10170]  }
0x8b: {  	v8 =	vld [tilespmem:s0+$0x10180]  }
0x8c: {  	v9 =	vld [tilespmem:s0+$0x10190]  }
0x8d: {  	v10 =	vld [tilespmem:s0+$0x101A0]  }
0x8e: {  	v11 =	vld [tilespmem:s0+$0x101B0]  }
0x8f: {  	v12 =	vld [tilespmem:s0+$0x101C0]  }
0x90: {  	s1 =	sld [smem:s26+$0xFFFFFFFF];
	v13 =	vld [tilespmem:s0+$0x101D0]  }
0x91: {  	v14 =	vld [tilespmem:s0+$0x101E0]  }
0x92: {  	v15 =	vld [tilespmem:s0+$0x101F0]  }
0x93: {  	v16 =	vld [tilespmem:s1+$0x10100]  }
0x94: {  	v17 =	vld [tilespmem:s1+$0x10110]  }
0x95: {  	v18 =	vld [tilespmem:s1+$0x10120]  }
0x96: {  	v19 =	vld [tilespmem:s1+$0x10130]  }
0x97: {  	v20 =	vld [tilespmem:s1+$0x10140]  }
0x98: {  	v21 =	vld [tilespmem:s1+$0x10150]  }
0x99: {  	v22 =	vld [tilespmem:s1+$0x10160]  }
0x9a: {  	v23 =	vld [tilespmem:s1+$0x10170]  }
0x9b: {  	v24 =	vld [tilespmem:s1+$0x10180]  }
0x9c: {  	v25 =	vld [tilespmem:s1+$0x10190]  }
0x9d: {  	v26 =	vld [tilespmem:s1+$0x101A0]  }
0x9e: {  	v27 =	vld [tilespmem:s1+$0x101B0]  }
0x9f: {  	v28 =	vld [tilespmem:s1+$0x101C0]  }
0xa0: {  	s5 =	sld [smem:s26+$0x0];
	v29 =	vld [tilespmem:s1+$0x101D0]  }
0xa1: {  	v30 =	vld [tilespmem:s1+$0x101E0]  }
0xa2: {  	v31 =	vld [tilespmem:s1+$0x101F0]  }
0xa3: {  	v32 =	vld [tilespmem:s5+$0x10100]  }
0xa4: {  	v33 =	vld [tilespmem:s5+$0x10110]  }
0xa5: {  	v34 =	vld [tilespmem:s5+$0x10120]  }
0xa6: {  	v35 =	vld [tilespmem:s5+$0x10130]  }
0xa7: {  	v36 =	vld [tilespmem:s5+$0x10140]  }
0xa8: {  	v37 =	vld [tilespmem:s5+$0x10150]  }
0xa9: {  	v38 =	vld [tilespmem:s5+$0x10160]  }
0xaa: {  	v39 =	vld [tilespmem:s5+$0x10170]  }
0xab: {  	v40 =	vld [tilespmem:s5+$0x10180]  }
0xac: {  	v41 =	vld [tilespmem:s5+$0x10190]  }
0xad: {  	v42 =	vld [tilespmem:s5+$0x101A0]  }
0xae: {  	v43 =	vld [tilespmem:s5+$0x101B0]  }
0xaf: {  	v44 =	vld [tilespmem:s5+$0x101C0]  }
0xb0: {  	s7 =	sld [smem:s26+$0x1];
	v45 =	vld [tilespmem:s5+$0x101D0]  }
0xb1: {  	v46 =	vld [tilespmem:s5+$0x101E0]  }
0xb2: {  	v47 =	vld [tilespmem:s5+$0x101F0]  }
0xb3: {  	v48 =	vld [tilespmem:s7+$0x10100]  }
0xb4: {  	v49 =	vld [tilespmem:s7+$0x10110]  }
0xb5: {  	v50 =	vld [tilespmem:s7+$0x10120]  }
0xb6: {  	v51 =	vld [tilespmem:s7+$0x10130]  }
0xb7: {  	v52 =	vld [tilespmem:s7+$0x10140]  }
0xb8: {  	v53 =	vld [tilespmem:s7+$0x10150]  }
0xb9: {  	v54 =	vld [tilespmem:s7+$0x10160]  }
0xba: {  	v55 =	vld [tilespmem:s7+$0x10170]  }
0xbb: {  	v56 =	vld [tilespmem:s7+$0x10180]  }
0xbc: {  	v57 =	vld [tilespmem:s7+$0x10190]  }
0xbd: {  	v58 =	vld [tilespmem:s7+$0x101A0]  }
0xbe: {  	v59 =	vld [tilespmem:s7+$0x101B0]  }
0xbf: {  	s13 =	sand.u32 $0x7800, s30;
	v60 =	vld [tilespmem:s7+$0x101C0]  }
0xc0: {  	s31 =	sand.u32 $0x200, s29;
	v61 =	vld [tilespmem:s7+$0x101D0];
	s0 =	sor.u32 $0x100, s13  }
0xc1: {  	v62 =	vld [tilespmem:s7+$0x101E0];
	s31 =	sor.u32 s31, s0  }
0xc2: {  	v63 =	vld [tilespmem:s7+$0x101F0];
	[tilespmem:s31+$0x0] =	vst v0  }
0xc3: {  	[tilespmem:s31+$0x10] =	vst v1  }
0xc4: {  	[tilespmem:s31+$0x20] =	vst v2  }
0xc5: {  	s1 =	simm.s32 $0x1;
	[tilespmem:s31+$0x30] =	vst v3  }
0xc6: {  	s1 =	simm.s32 @!p1 $0x0;
	[tilespmem:s31+$0x40] =	vst v4  }
0xc7: {  	s1 =	sshll.u32 s1, $0x9;
	[tilespmem:s31+$0x50] =	vst v5  }
0xc8: {  	s1 =	sadd.s32 s1, s30;
	[tilespmem:s31+$0x60] =	vst v6  }
0xc9: {  	s13 =	sor.u32 $0x400, s1;
	[tilespmem:s31+$0x70] =	vst v7  }
0xca: {  	s5 =	sor.u32 $0x410, s1;
	[tilespmem:s13+$0x100] =	vst v8  }
0xcb: {  	s7 =	sor.u32 $0x420, s1;
	[tilespmem:s5+$0x100] =	vst v9  }
0xcc: {  	s5 =	sor.u32 $0x430, s1;
	[tilespmem:s7+$0x100] =	vst v10  }
0xcd: {  	s7 =	sor.u32 $0x440, s1;
	[tilespmem:s5+$0x100] =	vst v11  }
0xce: {  	s5 =	sor.u32 $0x450, s1;
	[tilespmem:s7+$0x100] =	vst v12  }
0xcf: {  	s7 =	sor.u32 $0x460, s1;
	[tilespmem:s5+$0x100] =	vst v13;
	s5 =	sadd.s32 $0x80, s29  }
0xd0: {  	[tilespmem:s7+$0x100] =	vst v14;
	s7 =	sor.u32 $0x470, s1;
	s5 =	sand.u32 $0x280, s5  }
0xd1: {  	[tilespmem:s7+$0x100] =	vst v15;
	s5 =	sor.u32 s5, s0  }
0xd2: {  	[tilespmem:s5+$0x0] =	vst v16  }
0xd3: {  	[tilespmem:s5+$0x10] =	vst v17  }
0xd4: {  	[tilespmem:s5+$0x20] =	vst v18  }
0xd5: {  	s7 =	sand.u32 $0x7, s25;
	[tilespmem:s5+$0x30] =	vst v19  }
0xd6: {  	s13 =	sshll.u32 s7, $0x7;
	[tilespmem:s5+$0x40] =	vst v20  }
0xd7: {  	[tilespmem:s5+$0x50] =	vst v21;
	s13 =	sadd.s32 s30, s13  }
0xd8: {  	[tilespmem:s5+$0x60] =	vst v22;
	s13 =	sadd.s32 $0x80, s13  }
0xd9: {  	[tilespmem:s5+$0x70] =	vst v23;
	s7 =	sor.u32 $0x400, s13  }
0xda: {  	[tilespmem:s7+$0x100] =	vst v24;
	s7 =	sor.u32 $0x410, s13  }
0xdb: {  	[tilespmem:s7+$0x100] =	vst v25;
	s7 =	sor.u32 $0x420, s13  }
0xdc: {  	[tilespmem:s7+$0x100] =	vst v26;
	s7 =	sor.u32 $0x430, s13  }
0xdd: {  	[tilespmem:s7+$0x100] =	vst v27;
	s7 =	sor.u32 $0x440, s13  }
0xde: {  	[tilespmem:s7+$0x100] =	vst v28;
	s7 =	sor.u32 $0x450, s13  }
0xdf: {  	s5 =	sor.u32 $0x460, s13;
	[tilespmem:s7+$0x100] =	vst v29;
	s7 =	sadd.s32 $0x100, s29  }
0xe0: {  	s13 =	sor.u32 $0x470, s13;
	[tilespmem:s5+$0x100] =	vst v30;
	s7 =	sand.u32 $0x300, s7  }
0xe1: {  	[tilespmem:s13+$0x100] =	vst v31;
	s0 =	sadd.s32 s7, s0  }
0xe2: {  	[tilespmem:s0+$0x0] =	vst v32  }
0xe3: {  	[tilespmem:s0+$0x10] =	vst v33  }
0xe4: {  	[tilespmem:s0+$0x20] =	vst v34  }
0xe5: {  	s7 =	sand.u32 $0x3, s28;
	[tilespmem:s0+$0x30] =	vst v35  }
0xe6: {  	s5 =	sshll.u32 s7, $0x8;
	[tilespmem:s0+$0x40] =	vst v36  }
0xe7: {  	[tilespmem:s0+$0x50] =	vst v37;
	s5 =	sadd.s32 s30, s5  }
0xe8: {  	[tilespmem:s0+$0x60] =	vst v38;
	s5 =	sadd.s32 $0x100, s5  }
0xe9: {  	[tilespmem:s0+$0x70] =	vst v39;
	s13 =	sor.u32 $0x400, s5  }
0xea: {  	s7 =	sor.u32 $0x410, s5;
	[tilespmem:s13+$0x100] =	vst v40  }
0xeb: {  	s13 =	sor.u32 $0x420, s5;
	[tilespmem:s7+$0x100] =	vst v41  }
0xec: {  	s7 =	sor.u32 $0x430, s5;
	[tilespmem:s13+$0x100] =	vst v42  }
0xed: {  	s13 =	sor.u32 $0x440, s5;
	[tilespmem:s7+$0x100] =	vst v43  }
0xee: {  	s7 =	sor.u32 $0x450, s5;
	[tilespmem:s13+$0x100] =	vst v44  }
0xef: {  	s13 =	sor.u32 $0x460, s5;
	[tilespmem:s7+$0x100] =	vst v45  }
0xf0: {  	s7 =	sor.u32 $0x470, s5;
	[tilespmem:s13+$0x100] =	vst v46  }
0xf1: {  	[tilespmem:s7+$0x100] =	vst v47  }
0xf2: {  	[tilespmem:s31+$0x180] =	vst v48  }
0xf3: {  	[tilespmem:s31+$0x190] =	vst v49  }
0xf4: {  	[tilespmem:s31+$0x1A0] =	vst v50  }
0xf5: {  	[tilespmem:s31+$0x1B0] =	vst v51  }
0xf6: {  	[tilespmem:s31+$0x1C0] =	vst v52  }
0xf7: {  	[tilespmem:s31+$0x1D0] =	vst v53  }
0xf8: {  	s0 =	sadd.s32 $0x180, s1;
	[tilespmem:s31+$0x1E0] =	vst v54  }
0xf9: {  	s1 =	sor.u32 $0x400, s0;
	[tilespmem:s31+$0x1F0] =	vst v55  }
0xfa: {  	s13 =	sor.u32 $0x410, s0;
	[tilespmem:s1+$0x100] =	vst v56  }
0xfb: {  	s31 =	sor.u32 $0x420, s0;
	[tilespmem:s13+$0x100] =	vst v57  }
0xfc: {  	p2 =	sne.s32 s30, $0x7C00;
	s5 =	sor.u32 $0x430, s0;
	[tilespmem:s31+$0x100] =	vst v58  }
.Ltmp1:
0xfd: {  	s7 =	sor.u32 $0x440, s0;
	[tilespmem:s5+$0x100] =	vst v59;
	(pc) =	sbr.rel @p2 .LBB2_5-.Ltmp1, $4  }
0xfe: {  	s13 =	sor.u32 $0x450, s0;
	[tilespmem:s7+$0x100] =	vst v60  }
0xff: {  	s26 =	sadd.s32 $0x4, s26;
	s31 =	sor.u32 $0x460, s0;
	[tilespmem:s13+$0x100] =	vst v61  }
0x100: {  	p1 =	por !p1, !p1;
	s25 =	sadd.s32 $0x4, s25;
	s0 =	sor.u32 $0x470, s0;
	[tilespmem:s31+$0x100] =	vst v62  }
0x101: {  	s29 =	sadd.s32 $0x200, s29;
	s28 =	sadd.s32 $0x2, s28;
	s30 =	sadd.s32 $0x400, s30;
	[tilespmem:s0+$0x100] =	vst v63  }
0x102: {  	s0 =	sshll.u32 s23, $0x10  }
0x103: {  	s0 =	sadd.s32 s8, s0  }
0x104: {  	s0 =	sshrl.u32 s0, $0x3  }
0x105: {  	s26 =	smin.u32 s24, $0x31D;
	s0 =	sadd.s32 s2, s0  }
0x106: {  	[hbm4b:s0+s3] =	stream.linear.scatter [tilespmem:s17], [sflag:$0x3], $0x8000, $0x38;
	[tilespmem:$0x11A00] =	vst v63  }
0x107: {  	s0 =	sshll.u32 s26, $0x7  }
0x108: {  	s0 =	sadd.s32 s0, s9  }
0x109: {  	s0 =	sshrl.u32 s0, $0x3  }
0x10a: {  	s0 =	sadd.s32 s4, s0  }
0x10b: {  	[tilespmem:s3], [sflag:$0x1] =	stream.linear.gather [hbm4b:s0+s3], $0x80, $0x38;
	[tilespmem:$0x11A00] =	vst v63  }
0x10c: {  	s0 =	simm.s32 @!p0 $0x4  }
0x10d: {  	_ =	swait.ge @!p0 [sflag:s0], $0x8000  }
0x10e: {  	[sflag:s0] =	ssyncset.done @!p0 $0x0  }
0x10f: {  	[sflag:s0] =	ssyncadd.s32 @!p0 $0xFFFF8000  }
0x110: {  	_ =	swait.ge [sflag:s18], $0x80  }
0x111: {  	[sflag:s18] =	ssyncset.done $0x0  }
0x112: {  	s28 =	simm.s32 $0x0;
	[sflag:s18] =	ssyncadd.s32 $0xFFFFFF80  }
0x113: {  	v0 =	vld [tilespmem:s28+$0x80];
	_ =	sdelay $0x4  }
0x114: {  	v0 =	vshll.u32 v0, $0x8  }
0x115: {  	(v2sf) =	vpush v0, $0x0  }
0x116: {  	(v2sf) =	vpush v0, $0x1;
	_ =	sdelay $0x1  }
0x117: {  	(v2sf) =	vpush v0, $0x2  }
0x118: {  	(v2sf) =	vpush v0, $0x3  }
0x119: {  	(v2sf) =	vpush v0, $0x4  }
0x11a: {  	(v2sf) =	vpush v0, $0x5  }
0x11b: {  	(v2sf) =	vpush v0, $0x6  }
0x11c: {  	(v2sf) =	vpush v0, $0x7  }
0x11d: {  	(v2sf) =	vpush v0, $0x8  }
0x11e: {  	s26 =	simm.s32 $0x10;
	(v2sf) =	vpush v0, $0x9  }
0x11f: {  	v1 =	vld [tilespmem:s26+$0x80];
	(v2sf) =	vpush v0, $0xA  }
0x120: {  	(v2sf) =	vpush v0, $0xB  }
0x121: {  	(v2sf) =	vpush v0, $0xC  }
0x122: {  	(v2sf) =	vpush v0, $0xD  }
0x123: {  	(v2sf) =	vpush v0, $0xE;
	s30 =	spop (v2sf)  }
0x124: {  	(v2sf) =	vpush v0, $0xF;
	v0 =	vshll.u32 v1, $0x8;
	[smem:s28] =	sst s30;
	s31 =	spop (v2sf)  }
0x125: {  	(v2sf) =	vpush v0, $0x0;
	[smem:$0x1] =	sst s31  }
0x126: {  	s0 =	spop (v2sf)  }
0x127: {  	(v2sf) =	vpush v0, $0x1;
	[smem:$0x2] =	sst s0  }
0x128: {  	s0 =	spop (v2sf)  }
0x129: {  	(v2sf) =	vpush v0, $0x2;
	[smem:$0x3] =	sst s0  }
0x12a: {  	s0 =	spop (v2sf)  }
0x12b: {  	(v2sf) =	vpush v0, $0x3;
	[smem:$0x4] =	sst s0  }
0x12c: {  	s0 =	spop (v2sf)  }
0x12d: {  	(v2sf) =	vpush v0, $0x4;
	[smem:$0x5] =	sst s0  }
0x12e: {  	s0 =	spop (v2sf)  }
0x12f: {  	(v2sf) =	vpush v0, $0x5;
	[smem:$0x6] =	sst s0  }
0x130: {  	s0 =	spop (v2sf)  }
0x131: {  	(v2sf) =	vpush v0, $0x6;
	[smem:$0x7] =	sst s0  }
0x132: {  	s0 =	spop (v2sf)  }
0x133: {  	(v2sf) =	vpush v0, $0x7;
	[smem:$0x8] =	sst s0  }
0x134: {  	s0 =	spop (v2sf)  }
0x135: {  	(v2sf) =	vpush v0, $0x8;
	[smem:$0x9] =	sst s0  }
0x136: {  	s0 =	spop (v2sf)  }
0x137: {  	(v2sf) =	vpush v0, $0x9;
	[smem:$0xA] =	sst s0  }
0x138: {  	s0 =	spop (v2sf)  }
0x139: {  	(v2sf) =	vpush v0, $0xA;
	[smem:$0xB] =	sst s0  }
0x13a: {  	s29 =	simm.s32 $0x20;
	s0 =	spop (v2sf)  }
0x13b: {  	v1 =	vld [tilespmem:s29+$0x80];
	(v2sf) =	vpush v0, $0xB;
	[smem:$0xC] =	sst s0  }
0x13c: {  	s0 =	spop (v2sf)  }
0x13d: {  	(v2sf) =	vpush v0, $0xC;
	[smem:$0xD] =	sst s0  }
0x13e: {  	s0 =	spop (v2sf)  }
0x13f: {  	(v2sf) =	vpush v0, $0xD;
	[smem:$0xE] =	sst s0  }
0x140: {  	s25 =	simm.s32 $0x0;
	s1 =	simm.s32 $0xC0;
	s0 =	spop (v2sf)  }
.LBB2_7:
0x141: {  	p0 =	sne.s32 s1, $0x1C0;
	[smem:s28+$0xF] =	sst s0;
	s0 =	smov.u32 s1  }
0x142: {  	(v2sf) =	vpush v0, $0xE;
	s1 =	sadd.s32 $0x40, s1;
	s28 =	smov.u32 s26;
	s26 =	smov.u32 s29  }
0x143: {  	s5 =	spop (v2sf);
	(v2sf) =	vpush v0, $0xF  }
0x144: {  	v0 =	vshll.u32 v1, $0x8;
	[smem:s28] =	sst s5;
	s5 =	spop (v2sf)  }
0x145: {  	(v2sf) =	vpush v0, $0x0;
	[smem:s28+$0x1] =	sst s5;
	s5 =	spop (v2sf)  }
0x146: {  	(v2sf) =	vpush v0, $0x1;
	[smem:s28+$0x2] =	sst s5;
	s5 =	spop (v2sf)  }
0x147: {  	(v2sf) =	vpush v0, $0x2;
	[smem:s28+$0x3] =	sst s5;
	s5 =	spop (v2sf)  }
0x148: {  	(v2sf) =	vpush v0, $0x3;
	[smem:s28+$0x4] =	sst s5;
	s5 =	spop (v2sf)  }
0x149: {  	(v2sf) =	vpush v0, $0x4;
	[smem:s28+$0x5] =	sst s5;
	s5 =	spop (v2sf)  }
0x14a: {  	(v2sf) =	vpush v0, $0x5;
	[smem:s28+$0x6] =	sst s5;
	s5 =	spop (v2sf)  }
0x14b: {  	(v2sf) =	vpush v0, $0x6;
	[smem:s28+$0x7] =	sst s5;
	s5 =	spop (v2sf)  }
0x14c: {  	(v2sf) =	vpush v0, $0x7;
	[smem:s28+$0x8] =	sst s5;
	s5 =	spop (v2sf)  }
0x14d: {  	(v2sf) =	vpush v0, $0x8;
	[smem:s28+$0x9] =	sst s5;
	s5 =	spop (v2sf)  }
0x14e: {  	[smem:s28+$0xA] =	sst s5  }
.Ltmp2:
0x14f: {  	(v2sf) =	vpush v0, $0x9;
	s5 =	spop (v2sf);
	(pc) =	sbr.rel @p0 .LBB2_7-.Ltmp2, $4  }
0x150: {  	s29 =	sshra.s32 s0, $0x2;
	(v2sf) =	vpush v0, $0xA;
	[smem:s28+$0xB] =	sst s5;
	s0 =	spop (v2sf)  }
0x151: {  	v1 =	vld [tilespmem:s29+$0x80];
	(v2sf) =	vpush v0, $0xB;
	[smem:s28+$0xC] =	sst s0;
	s0 =	spop (v2sf)  }
0x152: {  	(v2sf) =	vpush v0, $0xC;
	[smem:s28+$0xD] =	sst s0;
	s0 =	spop (v2sf)  }
0x153: {  	(v2sf) =	vpush v0, $0xD;
	[smem:s28+$0xE] =	sst s0;
	s0 =	spop (v2sf)  }
0x154: {  	_ = 	snop  }
0x155: {  	(v2sf) =	vpush v0, $0xE  }
0x156: {  	[smem:s28+$0xF] =	sst s0;
	s5 =	spop (v2sf);
	(v2sf) =	vpush v0, $0xF;
	v63 =	vshll.u32 v1, $0x8  }
0x157: {  	[smem:s26] =	sst s5;
	s7 =	spop (v2sf);
	(v2sf) =	vpush v63, $0x0  }
0x158: {  	[smem:s26+$0x1] =	sst s7;
	s13 =	spop (v2sf);
	(v2sf) =	vpush v63, $0x1  }
0x159: {  	[smem:s26+$0x2] =	sst s13;
	s31 =	spop (v2sf);
	(v2sf) =	vpush v63, $0x2  }
0x15a: {  	[smem:s26+$0x3] =	sst s31;
	s1 =	spop (v2sf);
	(v2sf) =	vpush v63, $0x3  }
0x15b: {  	[smem:s26+$0x4] =	sst s1;
	s5 =	spop (v2sf);
	(v2sf) =	vpush v63, $0x4  }
0x15c: {  	[smem:s26+$0x5] =	sst s5;
	s7 =	spop (v2sf);
	(v2sf) =	vpush v63, $0x5  }
0x15d: {  	[smem:s26+$0x6] =	sst s7;
	s13 =	spop (v2sf);
	(v2sf) =	vpush v63, $0x6  }
0x15e: {  	[smem:s26+$0x7] =	sst s13;
	s31 =	spop (v2sf);
	(v2sf) =	vpush v63, $0x7  }
0x15f: {  	[smem:s26+$0x8] =	sst s31;
	s1 =	spop (v2sf);
	(v2sf) =	vpush v63, $0x8  }
0x160: {  	[smem:s26+$0x9] =	sst s1;
	s5 =	spop (v2sf);
	(v2sf) =	vpush v63, $0x9  }
0x161: {  	[smem:s26+$0xA] =	sst s5;
	s7 =	spop (v2sf);
	(v2sf) =	vpush v63, $0xA  }
0x162: {  	[smem:s26+$0xB] =	sst s7;
	s13 =	spop (v2sf);
	(v2sf) =	vpush v63, $0xB  }
0x163: {  	[smem:s26+$0xC] =	sst s13;
	s31 =	spop (v2sf);
	(v2sf) =	vpush v63, $0xC  }
0x164: {  	[smem:s26+$0xD] =	sst s31;
	s1 =	spop (v2sf);
	(v2sf) =	vpush v63, $0xD  }
0x165: {  	[smem:s26+$0xE] =	sst s1;
	s5 =	spop (v2sf);
	(v2sf) =	vpush v63, $0xE  }
0x166: {  	[smem:s26+$0xF] =	sst s5;
	s7 =	spop (v2sf);
	(v2sf) =	vpush v63, $0xF  }
0x167: {  	[smem:s29] =	sst s7;
	s13 =	spop (v2sf)  }
0x168: {  	[smem:s29+$0x1] =	sst s13;
	s26 =	spop (v2sf)  }
0x169: {  	[smem:s29+$0x2] =	sst s26;
	s31 =	spop (v2sf)  }
0x16a: {  	[smem:s29+$0x3] =	sst s31;
	s1 =	spop (v2sf)  }
0x16b: {  	[smem:s29+$0x4] =	sst s1;
	s5 =	spop (v2sf)  }
0x16c: {  	[smem:s29+$0x5] =	sst s5;
	s7 =	spop (v2sf)  }
0x16d: {  	[smem:s29+$0x6] =	sst s7;
	s13 =	spop (v2sf)  }
0x16e: {  	[smem:s29+$0x7] =	sst s13;
	s26 =	spop (v2sf)  }
0x16f: {  	[smem:s29+$0x8] =	sst s26;
	s31 =	spop (v2sf)  }
0x170: {  	[smem:s29+$0x9] =	sst s31;
	s1 =	spop (v2sf)  }
0x171: {  	[smem:s29+$0xA] =	sst s1;
	s5 =	spop (v2sf)  }
0x172: {  	[smem:s29+$0xB] =	sst s5;
	s7 =	spop (v2sf)  }
0x173: {  	p0 =	por $0x0, $0x0;
	[smem:s29+$0xC] =	sst s7;
	s13 =	spop (v2sf)  }
0x174: {  	s28 =	simm.s32 $0x0;
	[smem:s29+$0xD] =	sst s13;
	s26 =	spop (v2sf)  }
0x175: {  	s30 =	simm.s32 $0x0;
	[smem:s29+$0xE] =	sst s26;
	s31 =	spop (v2sf)  }
0x176: {  	s26 =	simm.s32 $0x2;
	[smem:s29+$0xF] =	sst s31;
	s29 =	simm.s32 $0x0  }
.LBB2_9:
0x177: {  	s0 =	sld [smem:s26+$0xFFFFFFFE];
	_ =	sdelay $0x2  }
0x178: {  	v0 =	vld [tilespmem:s0+$0x10100]  }
0x179: {  	v1 =	vld [tilespmem:s0+$0x10110]  }
0x17a: {  	v2 =	vld [tilespmem:s0+$0x10120]  }
0x17b: {  	v3 =	vld [tilespmem:s0+$0x10130]  }
0x17c: {  	v4 =	vld [tilespmem:s0+$0x10140]  }
0x17d: {  	v5 =	vld [tilespmem:s0+$0x10150]  }
0x17e: {  	v6 =	vld [tilespmem:s0+$0x10160]  }
0x17f: {  	v7 =	vld [tilespmem:s0+$0x10170]  }
0x180: {  	v8 =	vld [tilespmem:s0+$0x10180]  }
0x181: {  	v9 =	vld [tilespmem:s0+$0x10190]  }
0x182: {  	v10 =	vld [tilespmem:s0+$0x101A0]  }
0x183: {  	v11 =	vld [tilespmem:s0+$0x101B0]  }
0x184: {  	v12 =	vld [tilespmem:s0+$0x101C0]  }
0x185: {  	s1 =	sld [smem:s26+$0xFFFFFFFF];
	v13 =	vld [tilespmem:s0+$0x101D0]  }
0x186: {  	v14 =	vld [tilespmem:s0+$0x101E0]  }
0x187: {  	v15 =	vld [tilespmem:s0+$0x101F0]  }
0x188: {  	v16 =	vld [tilespmem:s1+$0x10100]  }
0x189: {  	v17 =	vld [tilespmem:s1+$0x10110]  }
0x18a: {  	v18 =	vld [tilespmem:s1+$0x10120]  }
0x18b: {  	v19 =	vld [tilespmem:s1+$0x10130]  }
0x18c: {  	v20 =	vld [tilespmem:s1+$0x10140]  }
0x18d: {  	v21 =	vld [tilespmem:s1+$0x10150]  }
0x18e: {  	v22 =	vld [tilespmem:s1+$0x10160]  }
0x18f: {  	v23 =	vld [tilespmem:s1+$0x10170]  }
0x190: {  	v24 =	vld [tilespmem:s1+$0x10180]  }
0x191: {  	v25 =	vld [tilespmem:s1+$0x10190]  }
0x192: {  	v26 =	vld [tilespmem:s1+$0x101A0]  }
0x193: {  	v27 =	vld [tilespmem:s1+$0x101B0]  }
0x194: {  	v28 =	vld [tilespmem:s1+$0x101C0]  }
0x195: {  	s13 =	sld [smem:s26+$0x0];
	v29 =	vld [tilespmem:s1+$0x101D0]  }
0x196: {  	v30 =	vld [tilespmem:s1+$0x101E0]  }
0x197: {  	v31 =	vld [tilespmem:s1+$0x101F0]  }
0x198: {  	v32 =	vld [tilespmem:s13+$0x10100]  }
0x199: {  	v33 =	vld [tilespmem:s13+$0x10110]  }
0x19a: {  	v34 =	vld [tilespmem:s13+$0x10120]  }
0x19b: {  	v35 =	vld [tilespmem:s13+$0x10130]  }
0x19c: {  	v36 =	vld [tilespmem:s13+$0x10140]  }
0x19d: {  	v37 =	vld [tilespmem:s13+$0x10150]  }
0x19e: {  	v38 =	vld [tilespmem:s13+$0x10160]  }
0x19f: {  	v39 =	vld [tilespmem:s13+$0x10170]  }
0x1a0: {  	v40 =	vld [tilespmem:s13+$0x10180]  }
0x1a1: {  	v41 =	vld [tilespmem:s13+$0x10190]  }
0x1a2: {  	v42 =	vld [tilespmem:s13+$0x101A0]  }
0x1a3: {  	v43 =	vld [tilespmem:s13+$0x101B0]  }
0x1a4: {  	v44 =	vld [tilespmem:s13+$0x101C0]  }
0x1a5: {  	s31 =	sld [smem:s26+$0x1];
	v45 =	vld [tilespmem:s13+$0x101D0]  }
0x1a6: {  	v46 =	vld [tilespmem:s13+$0x101E0]  }
0x1a7: {  	v47 =	vld [tilespmem:s13+$0x101F0]  }
0x1a8: {  	v48 =	vld [tilespmem:s31+$0x10100]  }
0x1a9: {  	v49 =	vld [tilespmem:s31+$0x10110]  }
0x1aa: {  	v50 =	vld [tilespmem:s31+$0x10120]  }
0x1ab: {  	v51 =	vld [tilespmem:s31+$0x10130]  }
0x1ac: {  	v52 =	vld [tilespmem:s31+$0x10140]  }
0x1ad: {  	v53 =	vld [tilespmem:s31+$0x10150]  }
0x1ae: {  	v54 =	vld [tilespmem:s31+$0x10160]  }
0x1af: {  	v55 =	vld [tilespmem:s31+$0x10170]  }
0x1b0: {  	v56 =	vld [tilespmem:s31+$0x10180]  }
0x1b1: {  	v57 =	vld [tilespmem:s31+$0x10190]  }
0x1b2: {  	v58 =	vld [tilespmem:s31+$0x101A0]  }
0x1b3: {  	v59 =	vld [tilespmem:s31+$0x101B0]  }
0x1b4: {  	s7 =	sand.u32 $0x7800, s30;
	v60 =	vld [tilespmem:s31+$0x101C0]  }
0x1b5: {  	s5 =	sand.u32 $0x200, s29;
	v61 =	vld [tilespmem:s31+$0x101D0];
	s0 =	sor.u32 $0x100, s7  }
0x1b6: {  	v62 =	vld [tilespmem:s31+$0x101E0];
	s1 =	sor.u32 s5, s0  }
0x1b7: {  	v63 =	vld [tilespmem:s31+$0x101F0];
	[tilespmem:s1+$0x8000] =	vst v0  }
0x1b8: {  	[tilespmem:s1+$0x8010] =	vst v1  }
0x1b9: {  	[tilespmem:s1+$0x8020] =	vst v2  }
0x1ba: {  	s5 =	simm.s32 $0x1;
	[tilespmem:s1+$0x8030] =	vst v3  }
0x1bb: {  	s5 =	simm.s32 @!p0 $0x0;
	[tilespmem:s1+$0x8040] =	vst v4  }
0x1bc: {  	s5 =	sshll.u32 s5, $0x9;
	[tilespmem:s1+$0x8050] =	vst v5  }
0x1bd: {  	s31 =	sadd.s32 s5, s30;
	[tilespmem:s1+$0x8060] =	vst v6  }
0x1be: {  	[tilespmem:s1+$0x8070] =	vst v7;
	s5 =	sor.u32 $0x8400, s31  }
0x1bf: {  	[tilespmem:s5+$0x100] =	vst v8  }
0x1c0: {  	[tilespmem:s5+$0x110] =	vst v9  }
0x1c1: {  	[tilespmem:s5+$0x120] =	vst v10  }
0x1c2: {  	[tilespmem:s5+$0x130] =	vst v11  }
0x1c3: {  	[tilespmem:s5+$0x140] =	vst v12  }
0x1c4: {  	s7 =	sadd.s32 $0x80, s29;
	[tilespmem:s5+$0x150] =	vst v13  }
0x1c5: {  	s7 =	sand.u32 $0x280, s7;
	[tilespmem:s5+$0x160] =	vst v14  }
0x1c6: {  	[tilespmem:s5+$0x170] =	vst v15;
	s5 =	sor.u32 s7, s0  }
0x1c7: {  	[tilespmem:s5+$0x8000] =	vst v16  }
0x1c8: {  	[tilespmem:s5+$0x8010] =	vst v17  }
0x1c9: {  	[tilespmem:s5+$0x8020] =	vst v18  }
0x1ca: {  	s13 =	sand.u32 $0x7, s25;
	[tilespmem:s5+$0x8030] =	vst v19  }
0x1cb: {  	s7 =	sshll.u32 s13, $0x7;
	[tilespmem:s5+$0x8040] =	vst v20  }
0x1cc: {  	s7 =	sadd.s32 s30, s7;
	[tilespmem:s5+$0x8050] =	vst v21  }
0x1cd: {  	[tilespmem:s5+$0x8060] =	vst v22;
	s7 =	sadd.s32 $0x80, s7  }
0x1ce: {  	[tilespmem:s5+$0x8070] =	vst v23;
	s5 =	sor.u32 $0x8400, s7  }
0x1cf: {  	[tilespmem:s5+$0x100] =	vst v24  }
0x1d0: {  	[tilespmem:s5+$0x110] =	vst v25  }
0x1d1: {  	[tilespmem:s5+$0x120] =	vst v26  }
0x1d2: {  	[tilespmem:s5+$0x130] =	vst v27  }
0x1d3: {  	[tilespmem:s5+$0x140] =	vst v28  }
0x1d4: {  	s13 =	sadd.s32 $0x100, s29;
	[tilespmem:s5+$0x150] =	vst v29  }
0x1d5: {  	s7 =	sand.u32 $0x300, s13;
	[tilespmem:s5+$0x160] =	vst v30  }
0x1d6: {  	[tilespmem:s5+$0x170] =	vst v31;
	s0 =	sadd.s32 s7, s0  }
0x1d7: {  	[tilespmem:s0+$0x8000] =	vst v32  }
0x1d8: {  	[tilespmem:s0+$0x8010] =	vst v33  }
0x1d9: {  	[tilespmem:s0+$0x8020] =	vst v34  }
0x1da: {  	s7 =	sand.u32 $0x3, s28;
	[tilespmem:s0+$0x8030] =	vst v35  }
0x1db: {  	s5 =	sshll.u32 s7, $0x8;
	[tilespmem:s0+$0x8040] =	vst v36  }
0x1dc: {  	[tilespmem:s0+$0x8050] =	vst v37;
	s5 =	sadd.s32 s30, s5  }
0x1dd: {  	[tilespmem:s0+$0x8060] =	vst v38;
	s5 =	sadd.s32 $0x100, s5  }
0x1de: {  	[tilespmem:s0+$0x8070] =	vst v39;
	s13 =	sor.u32 $0x8400, s5  }
0x1df: {  	[tilespmem:s13+$0x100] =	vst v40  }
0x1e0: {  	[tilespmem:s13+$0x110] =	vst v41  }
0x1e1: {  	[tilespmem:s13+$0x120] =	vst v42  }
0x1e2: {  	[tilespmem:s13+$0x130] =	vst v43  }
0x1e3: {  	[tilespmem:s13+$0x140] =	vst v44  }
0x1e4: {  	[tilespmem:s13+$0x150] =	vst v45  }
0x1e5: {  	[tilespmem:s13+$0x160] =	vst v46  }
0x1e6: {  	[tilespmem:s13+$0x170] =	vst v47  }
0x1e7: {  	[tilespmem:s1+$0x8180] =	vst v48  }
0x1e8: {  	[tilespmem:s1+$0x8190] =	vst v49  }
0x1e9: {  	[tilespmem:s1+$0x81A0] =	vst v50  }
0x1ea: {  	[tilespmem:s1+$0x81B0] =	vst v51  }
0x1eb: {  	[tilespmem:s1+$0x81C0] =	vst v52  }
0x1ec: {  	[tilespmem:s1+$0x81D0] =	vst v53  }
0x1ed: {  	s31 =	sadd.s32 $0x180, s31;
	[tilespmem:s1+$0x81E0] =	vst v54  }
0x1ee: {  	s0 =	sor.u32 $0x8400, s31;
	[tilespmem:s1+$0x81F0] =	vst v55  }
0x1ef: {  	[tilespmem:s0+$0x100] =	vst v56  }
0x1f0: {  	[tilespmem:s0+$0x110] =	vst v57  }
0x1f1: {  	p1 =	sne.s32 s30, $0x7C00;
	[tilespmem:s0+$0x120] =	vst v58  }
.Ltmp3:
0x1f2: {  	[tilespmem:s0+$0x130] =	vst v59;
	(pc) =	sbr.rel @p1 .LBB2_9-.Ltmp3, $4  }
0x1f3: {  	[tilespmem:s0+$0x140] =	vst v60  }
0x1f4: {  	[tilespmem:s0+$0x150] =	vst v61  }
0x1f5: {  	s26 =	sadd.s32 $0x4, s26;
	s25 =	sadd.s32 $0x4, s25;
	p0 =	por !p0, !p0;
	[tilespmem:s0+$0x160] =	vst v62  }
0x1f6: {  	s29 =	sadd.s32 $0x200, s29;
	s28 =	sadd.s32 $0x2, s28;
	s30 =	sadd.s32 $0x400, s30;
	[tilespmem:s0+$0x170] =	vst v63  }
0x1f7: {  	s0 =	sshll.u32 s23, $0xD;
	s23 =	sadd.s32 $0x1, s23  }
0x1f8: {  	s31 =	smin.u32 s24, $0x31C;
	s0 =	sadd.s32 s12, s0;
	p0 =	sne.s32 s23, $0x190  }
0x1f9: {  	[hbm4b:s0+s3] =	stream.linear.scatter [tilespmem:s19], [sflag:$0x4], $0x8000, $0x38;
	[tilespmem:$0x11A00] =	vst v63  }
.Ltmp4:
0x1fa: {  	s0 =	sshll.u32 s31, $0x7;
	(pc) =	sbr.rel @p0 .LBB2_2-.Ltmp4, $4  }
0x1fb: {  	s0 =	sadd.s32 s0, s10  }
0x1fc: {  	s0 =	sshrl.u32 s0, $0x3  }
0x1fd: {  	s0 =	sadd.s32 s4, s0  }
0x1fe: {  	[tilespmem:s15], [sflag:$0x2] =	stream.linear.gather [hbm4b:s0+s3], $0x80, $0x38;
	[tilespmem:$0x11A00] =	vst v63  }
0x1ff: {  	_ =	swait.ge [sflag:s16], $0x80  }
0x200: {  	[sflag:s16] =	ssyncset.done $0x0  }
0x201: {  	[sflag:s16] =	ssyncadd.s32 $0xFFFFFF80  }
0x202: {  	_ =	swait.ge [sflag:s20], $0x8000  }
0x203: {  	[sflag:s20] =	ssyncset.done $0x0  }
0x204: {  	s22 =	sadd.s32 $0x1, s22;
	[sflag:s20] =	ssyncadd.s32 $0xFFFF8000  }
0x205: {  	p0 =	sne.s32 s22, s11;
	_ =	swait.ge [sflag:s18], $0x80  }
.Ltmp5:
0x206: {  	[sflag:s18] =	ssyncset.done $0x0;
	(pc) =	sbr.rel @p0 .LBB2_1-.Ltmp5, $4  }
0x207: {  	[sflag:s18] =	ssyncadd.s32 $0xFFFFFF80  }
0x208: {  	_ =	swait.ge [sflag:s21], $0x8000  }
0x209: {  	[sflag:s21] =	ssyncset.done $0x0  }
0x20a: {  	[sflag:s21] =	ssyncadd.s32 $0xFFFF8000  }
0x20b: {  	_ =	sfence.sel $0x180000  }
0x20c: {  	[bflag:$0x0] =	sbarrier.arrive $0xFFFF  }
0x20d: {  	_ =	strace $0x90000047  }
0x20e: {  	s0 =	stileid.u32;
	[bflag:$0x2] =	sbarrier.arrive $0xFFFF  }
0x20f: {  	p0 =	sne.s32 s0, $0x0;
	s0 =	rddreg [dreg:$0x2]  }
0x210: {  	s0 =	sadd.s32 @!p0 $0x100000, s0  }
0x211: {  	[sflag:s0] =	ssyncadd.tile.s32 @!p0 $0x1;
	_ =	shalt  }
.Lfunc_end2:
_tile_overlayer_lowered:
.L_overlay_start_2:
0x212: {  	(tag) =	ssettag $0x2  }
0x213: {  	s0 =	rddreg [dreg:$0x0];
	s2 =	stileid.u32  }
0x214: {  	s1 =	rddreg [dreg:$0x1];
	p0 =	sne.s32 s2, $0x0  }
0x215: {  	s3 =	rddreg [dreg:$0x2];
	[bflag:$0x3] =	sbarrier.arrive $0xFFFF;
	s2 =	simm.s32 @!p0 $0x1C05  }
0x216: {  	[timem:s3], [sflag:s2] =	dma.local @!p0 [hbm:s0], s1  }
0x217: {  	s0 =	simm.s32 @!p0 $0x5  }
0x218: {  	_ =	swait.ge @!p0 [sflag:s0], s1  }
0x219: {  	s1 =	ssub.s32 @!p0 $0x0, s1;
	[sflag:s0] =	ssyncset.done @!p0 $0x0  }
0x21a: {  	[sflag:s0] =	ssyncadd.s32 @!p0 s1  }
0x21b: {  	[bflag:$0x3] =	sbarrier.arrive $0xFFFF  }
0x21c: {  	_ =	shalt  }

</sc_bundles>
